<compile_context>
chip_gen: v7x
topology: tpu7x:2x2x1
jax: 0.10.2.dev20260603
libtpu: 0.0.44.dev20260713+nightly
codegen_flags: <defaults>
</compile_context>

<pallas_src>
import jax
import jax.numpy as jnp
from jax import lax
from jax.experimental import pallas as pl
from jax.experimental.pallas import tpu as pltpu
from jax.experimental.pallas import tpu_sc as plsc

N_NODES = 10000
N_EDGES = 320000
D_FEAT = 128
GCN_OUT = 100
HP = 112
ONES_COL = 100
NUM_CORES = 2
NUM_SUBCORES = 16
NW = NUM_CORES * NUM_SUBCORES
EDGES_PER_WORKER = N_EDGES // NW
CHUNK = 80
NCHUNK = EDGES_PER_WORKER // CHUNK
NBUF = 5
DST_BLK = 25
NDBLK = NCHUNK // DST_BLK
N_PAD = 10112
ROWS_PER_TILE = N_PAD // NUM_SUBCORES
ROW_BLK = 2000


def _pre_body(x_ref, w_ref, c_ref, y_ref):
    y_ref[...] = (
        jnp.dot(x_ref[...], w_ref[...], preferred_element_type=jnp.float32)
        + c_ref[...]
    )


def _post_body(a_ref, b_ref, b1_ref, w2_ref, b2_ref, o_ref):
    s = a_ref[0] + b_ref[0]
    deg = jnp.maximum(s[:, ONES_COL:ONES_COL + 1], 1.0)
    h = jnp.maximum(s[:, :GCN_OUT] / deg + b1_ref[...], 0.0)
    o_ref[...] = (
        jnp.dot(h, w2_ref[...], preferred_element_type=jnp.float32)
        + b2_ref[...]
    )


def _sc_agg_body(y_hbm, idx_hbm, out_hbm,
                 idxs, idxd, rows_0, rows_1, rows_2, rows_3, rows_4, agg,
                 gs_0, gs_1, gs_2, gs_3, gs_4, s_si, s_d0, s_d1):
    bufs = (rows_0, rows_1, rows_2, rows_3, rows_4)
    sems = (gs_0, gs_1, gs_2, gs_3, gs_4)
    dsems = (s_d0, s_d1)
    c = lax.axis_index("c")
    s = lax.axis_index("s")
    wid = c * NUM_SUBCORES + s
    r0 = s * ROWS_PER_TILE

    ds_ = pltpu.async_copy(idx_hbm.at[0, wid], idxs, s_si)
    pltpu.async_copy(idx_hbm.at[1, wid, pl.ds(0, DST_BLK)], idxd.at[0], s_d0)
    pltpu.async_copy(idx_hbm.at[1, wid, pl.ds(DST_BLK, DST_BLK)],
                     idxd.at[1], s_d1)

    z = jnp.zeros((16,), jnp.float32)

    def zrow(i, carry):
        for k in range(HP // 16):
            rows_0[i, pl.ds(k * 16, 16)] = z
        return carry

    lax.fori_loop(0, CHUNK, zrow, 0)
    nfull = ROWS_PER_TILE // CHUNK
    rem = ROWS_PER_TILE - nfull * CHUNK
    for t in range(nfull):
        pltpu.sync_copy(rows_0, agg.at[pl.ds(r0 + t * CHUNK, CHUNK)])
    if rem:
        pltpu.sync_copy(rows_0.at[pl.ds(0, rem)],
                        agg.at[pl.ds(r0 + nfull * CHUNK, rem)])

    ds_.wait()
    last = NCHUNK - 1
    for b in range(NBUF):
        pltpu.async_copy(y_hbm.at[idxs.at[b]], bufs[b], sems[b])
    plsc.subcore_barrier()

    for blk in range(NDBLK):
        par = blk % 2
        pltpu.make_async_copy(
            idx_hbm.at[1, wid, pl.ds(blk * DST_BLK, DST_BLK)],
            idxd.at[par], dsems[par]).wait()

        def chunk(i, carry, blk=blk, par=par):
            for b in range(NBUF):
                q = NBUF * i + b
                j = blk * DST_BLK + q
                pltpu.make_async_copy(y_hbm.at[idxs.at[j]], bufs[b],
                                      sems[b]).wait()
                pltpu.sync_copy(bufs[b], agg.at[idxd.at[par, q]], add=True)
                nj = jnp.minimum(j + NBUF, last)
                pltpu.async_copy(y_hbm.at[idxs.at[nj]], bufs[b], sems[b])
            return carry

        lax.fori_loop(0, DST_BLK // NBUF, chunk, 0)
        if blk + 2 < NDBLK:
            pltpu.async_copy(
                idx_hbm.at[1, wid, pl.ds((blk + 2) * DST_BLK, DST_BLK)],
                idxd.at[par], dsems[par])

    for b in range(NBUF):
        pltpu.make_async_copy(y_hbm.at[idxs.at[last]], bufs[b],
                              sems[b]).wait()
    plsc.subcore_barrier()

    pltpu.sync_copy(
        agg.at[pl.ds(r0, ROWS_PER_TILE)],
        out_hbm.at[c, pl.ds(r0, ROWS_PER_TILE)],
    )


_sc_agg = pl.kernel(
    _sc_agg_body,
    out_type=jax.ShapeDtypeStruct((NUM_CORES, N_PAD, HP), jnp.float32),
    mesh=plsc.VectorSubcoreMesh(
        core_axis_name="c", subcore_axis_name="s",
        num_cores=NUM_CORES, num_subcores=NUM_SUBCORES,
    ),
    compiler_params=pltpu.CompilerParams(use_tc_tiling_on_sc=False),
    scratch_types=[
        pltpu.VMEM((NCHUNK, CHUNK), jnp.int32),
        pltpu.VMEM((2, DST_BLK, CHUNK), jnp.int32),
        pltpu.VMEM((CHUNK, HP), jnp.float32),
        pltpu.VMEM((CHUNK, HP), jnp.float32),
        pltpu.VMEM((CHUNK, HP), jnp.float32),
        pltpu.VMEM((CHUNK, HP), jnp.float32),
        pltpu.VMEM((CHUNK, HP), jnp.float32),
        pltpu.VMEM_SHARED((N_PAD, HP), jnp.float32),
        pltpu.SemaphoreType.DMA,
        pltpu.SemaphoreType.DMA,
        pltpu.SemaphoreType.DMA,
        pltpu.SemaphoreType.DMA,
        pltpu.SemaphoreType.DMA,
        pltpu.SemaphoreType.DMA,
        pltpu.SemaphoreType.DMA,
        pltpu.SemaphoreType.DMA,
    ],
)


def kernel(x, edge_index, W1, b1, W2, b2):
    idx = edge_index.reshape(2, NW, NCHUNK, CHUNK)
    W1p = jnp.pad(W1, ((0, 0), (0, HP - GCN_OUT)))
    cvec = jnp.zeros((1, HP), jnp.float32).at[0, ONES_COL].set(1.0)

    y = pl.pallas_call(
        _pre_body,
        grid=(N_NODES // ROW_BLK,),
        in_specs=[
            pl.BlockSpec((ROW_BLK, D_FEAT), lambda i: (i, 0)),
            pl.BlockSpec((D_FEAT, HP), lambda i: (0, 0)),
            pl.BlockSpec((1, HP), lambda i: (0, 0)),
        ],
        out_specs=pl.BlockSpec((ROW_BLK, HP), lambda i: (i, 0)),
        out_shape=jax.ShapeDtypeStruct((N_NODES, HP), jnp.float32),
    )(x, W1p, cvec)

    part = _sc_agg(y, idx)

    logits = pl.pallas_call(
        _post_body,
        grid=(N_NODES // ROW_BLK,),
        in_specs=[
            pl.BlockSpec((1, ROW_BLK, HP), lambda i: (0, i, 0)),
            pl.BlockSpec((1, ROW_BLK, HP), lambda i: (1, i, 0)),
            pl.BlockSpec((1, GCN_OUT), lambda i: (0, 0)),
            pl.BlockSpec((GCN_OUT, 1), lambda i: (0, 0)),
            pl.BlockSpec((1, 1), lambda i: (0, 0)),
        ],
        out_specs=pl.BlockSpec((ROW_BLK, 1), lambda i: (i, 0)),
        out_shape=jax.ShapeDtypeStruct((N_NODES, 1), jnp.float32),
    )(part, part, b1.reshape(1, GCN_OUT), W2, b2.reshape(1, 1))
    return logits

# --- scband reference (transcript-rebuilt; emitter-appended) ---
"""Pipeline reference for scband-vex-mout-net-87445534146964 (READ-ONLY COPY).

The authoritative reference and input builder live on the scoring server;
editing this copy changes nothing except your own understanding.
"""

import jax, jax.numpy as jnp
import numpy as np

N_NODES = 10000
N_EDGES = 320000
D_FEAT = 128
GCN_OUT = 100


def setup_inputs(seed: int = 0) -> dict:
    key = jax.random.key(seed)
    k0, k1, k2, k3 = jax.random.split(key, 4)
    x = jax.random.normal(k0, (N_NODES, D_FEAT), dtype=jnp.float32)
    edge_index = jax.random.randint(k1, (2, N_EDGES), 0, N_NODES, dtype=jnp.int32)
    W1 = jax.random.normal(k2, (D_FEAT, GCN_OUT), dtype=jnp.float32) * (1.0 / np.sqrt(D_FEAT))
    b1 = jnp.zeros((GCN_OUT,), dtype=jnp.float32)
    W2 = jax.random.normal(k3, (GCN_OUT, 1), dtype=jnp.float32) * (1.0 / np.sqrt(GCN_OUT))
    b2 = jnp.zeros((1,), dtype=jnp.float32)
    return {"x": x, "edge_index": edge_index, "W1": W1, "b1": b1, "W2": W2, "b2": b2}


def reference(x, edge_index, W1, b1, W2, b2):
    # VexMoutNet forward (reconstructed): gathered vertex features -> GCN
    # message passing layer (mean aggregation over incoming edges) -> per-node
    # classification head producing cell logits.
    src = edge_index[0]
    dst = edge_index[1]
    # gather messages from source nodes (SparseCore gather)
    msgs = jnp.take(x, src, axis=0)
    # scatter-add aggregation at destination nodes (SparseCore scatter-add)
    agg = jax.ops.segment_sum(msgs, dst, num_segments=N_NODES)
    deg = jax.ops.segment_sum(jnp.ones((N_EDGES,), dtype=jnp.float32), dst, num_segments=N_NODES)
    agg = agg / jnp.clip(deg, 1.0, None)[:, None]
    # SimpleNet GCN layer: linear + relu
    h = jax.nn.relu(agg @ W1 + b1[None, :])
    # classification head (head_v1): linear logits per node
    logits = h @ W2 + b2[None, :]
    return logits


if False:  # reference __main__ guard neutralized (emitter)
    out = reference(**setup_inputs())
    print(out.shape, out.dtype)

if __name__ == "__main__":
    import jax
    _d = setup_inputs()
    print(jax.jit(kernel)(*tuple(_d.values())))

</pallas_src>

<mosaic_0001>
#map = affine_map<(d0, d1) -> (0, 0)>
#map1 = affine_map<(d0, d1) -> (0, 0, 0, 0)>
#map2 = affine_map<(d0, d1) -> (0, 0, 0)>
module attributes {stable_mosaic.version = 14 : i64} {
  func.func @_sc_agg_body(%arg0: i32, %arg1: i32, %arg2: memref<10000x112xf32, #tpu.memory_space<hbm>>, %arg3: memref<2x32x125x80xi32, #tpu.memory_space<hbm>>, %arg4: memref<2x10112x112xf32, #tpu.memory_space<hbm>>, %arg5: memref<125x80xi32, #tpu.memory_space<vmem>>, %arg6: memref<2x25x80xi32, #tpu.memory_space<vmem>>, %arg7: memref<80x112xf32, #tpu.memory_space<vmem>>, %arg8: memref<80x112xf32, #tpu.memory_space<vmem>>, %arg9: memref<80x112xf32, #tpu.memory_space<vmem>>, %arg10: memref<80x112xf32, #tpu.memory_space<vmem>>, %arg11: memref<80x112xf32, #tpu.memory_space<vmem>>, %arg12: memref<10112x112xf32, #tpu.memory_space<vmem_shared>>, %arg13: memref<!tpu.dma_semaphore, #tpu.memory_space<semaphore_mem>>, %arg14: memref<!tpu.dma_semaphore, #tpu.memory_space<semaphore_mem>>, %arg15: memref<!tpu.dma_semaphore, #tpu.memory_space<semaphore_mem>>, %arg16: memref<!tpu.dma_semaphore, #tpu.memory_space<semaphore_mem>>, %arg17: memref<!tpu.dma_semaphore, #tpu.memory_space<semaphore_mem>>, %arg18: memref<!tpu.dma_semaphore, #tpu.memory_space<semaphore_mem>>, %arg19: memref<!tpu.dma_semaphore, #tpu.memory_space<semaphore_mem>>, %arg20: memref<!tpu.dma_semaphore, #tpu.memory_space<semaphore_mem>>) attributes {dimension_semantics = [#tpu.dimension_semantics<core_parallel>, #tpu.dimension_semantics<subcore_parallel>], iteration_bounds = array<i64: 2, 16>, scalar_prefetch = 0 : i64, scratch_operands = 16 : i64, tpu.core_type = #tpu.core_type<sc_vector_subcore>, window_params = [{transform_indices = #map}, {transform_indices = #map1}, {transform_indices = #map2}]} {
    %mul3A = arith.constant 16 : i32
    %mul3A_0 = arith.muli %arg0, %mul3A : i32
    %add3A = arith.addi %mul3A_0, %arg1 : i32
    %mul3A_1 = arith.constant 632 : i32
    %mul3A_2 = arith.muli %arg1, %mul3A_1 : i32
    %dma_start3A = arith.constant 0 : i32
    %dma_start3A_3 = arith.constant 0 : i32
    %dma_start3A_4 = arith.constant 0 : i32
    %dma_start3A_5 = tpu.memref_slice %arg3[%dma_start3A, %add3A, %dma_start3A_3, %dma_start3A_4] : memref<2x32x125x80xi32, #tpu.memory_space<hbm>> -> memref<1x1x125x80xi32, #tpu.memory_space<hbm>>
    %dma_start3A_6 = tpu.memref_squeeze %dma_start3A_5 : memref<1x1x125x80xi32, #tpu.memory_space<hbm>> -> memref<125x80xi32, #tpu.memory_space<hbm>>
    %dma_start3A_7 = arith.constant 0 : i32
    %dma_start3A_8 = arith.constant 0 : i32
    %dma_start3A_9 = tpu.memref_slice %arg3[%dma_start3A, %add3A, %dma_start3A_7, %dma_start3A_8] : memref<2x32x125x80xi32, #tpu.memory_space<hbm>> -> memref<1x1x125x80xi32, #tpu.memory_space<hbm>>
    %dma_start3A_10 = tpu.memref_squeeze %dma_start3A_9 : memref<1x1x125x80xi32, #tpu.memory_space<hbm>> -> memref<125x80xi32, #tpu.memory_space<hbm>>
    tpu.enqueue_dma source(%dma_start3A_10 : memref<125x80xi32, #tpu.memory_space<hbm>>) target(%arg5 : memref<125x80xi32, #tpu.memory_space<vmem>>) target_semaphore(%arg18 : memref<!tpu.dma_semaphore, #tpu.memory_space<semaphore_mem>>)
    %dma_start3A_11 = arith.constant 1 : i32
    %dma_start3A_12 = arith.constant 0 : i32
    %dma_start3A_13 = arith.constant 0 : i32
    %dma_start3A_14 = arith.constant 0 : i32
    %dma_start3A_15 = tpu.memref_slice %arg6[%dma_start3A_12, %dma_start3A_13, %dma_start3A_14] : memref<2x25x80xi32, #tpu.memory_space<vmem>> -> memref<1x25x80xi32, #tpu.memory_space<vmem>>
    %dma_start3A_16 = tpu.memref_squeeze %dma_start3A_15 : memref<1x25x80xi32, #tpu.memory_space<vmem>> -> memref<25x80xi32, #tpu.memory_space<vmem>>
    %dma_start3A_17 = arith.constant 0 : i32
    %dma_start3A_18 = arith.constant 0 : i32
    %dma_start3A_19 = tpu.memref_slice %arg3[%dma_start3A_11, %add3A, %dma_start3A_17, %dma_start3A_18] : memref<2x32x125x80xi32, #tpu.memory_space<hbm>> -> memref<1x1x25x80xi32, #tpu.memory_space<hbm>>
    %dma_start3A_20 = tpu.memref_squeeze %dma_start3A_19 : memref<1x1x25x80xi32, #tpu.memory_space<hbm>> -> memref<25x80xi32, #tpu.memory_space<hbm>>
    %dma_start3A_21 = arith.constant 0 : i32
    %dma_start3A_22 = arith.constant 0 : i32
    %dma_start3A_23 = tpu.memref_slice %arg6[%dma_start3A_12, %dma_start3A_21, %dma_start3A_22] : memref<2x25x80xi32, #tpu.memory_space<vmem>> -> memref<1x25x80xi32, #tpu.memory_space<vmem>>
    %dma_start3A_24 = tpu.memref_squeeze %dma_start3A_23 : memref<1x25x80xi32, #tpu.memory_space<vmem>> -> memref<25x80xi32, #tpu.memory_space<vmem>>
    %dma_start3A_25 = arith.constant 0 : i32
    %dma_start3A_26 = arith.constant 0 : i32
    %dma_start3A_27 = tpu.memref_slice %arg3[%dma_start3A_11, %add3A, %dma_start3A_25, %dma_start3A_26] : memref<2x32x125x80xi32, #tpu.memory_space<hbm>> -> memref<1x1x25x80xi32, #tpu.memory_space<hbm>>
    %dma_start3A_28 = tpu.memref_squeeze %dma_start3A_27 : memref<1x1x25x80xi32, #tpu.memory_space<hbm>> -> memref<25x80xi32, #tpu.memory_space<hbm>>
    tpu.enqueue_dma source(%dma_start3A_28 : memref<25x80xi32, #tpu.memory_space<hbm>>) target(%dma_start3A_24 : memref<25x80xi32, #tpu.memory_space<vmem>>) target_semaphore(%arg19 : memref<!tpu.dma_semaphore, #tpu.memory_space<semaphore_mem>>)
    %dma_start3A_29 = arith.constant 1 : i32
    %dma_start3A_30 = arith.constant 1 : i32
    %dma_start3A_31 = arith.constant 0 : i32
    %dma_start3A_32 = arith.constant 0 : i32
    %dma_start3A_33 = tpu.memref_slice %arg6[%dma_start3A_30, %dma_start3A_31, %dma_start3A_32] : memref<2x25x80xi32, #tpu.memory_space<vmem>> -> memref<1x25x80xi32, #tpu.memory_space<vmem>>
    %dma_start3A_34 = tpu.memref_squeeze %dma_start3A_33 : memref<1x25x80xi32, #tpu.memory_space<vmem>> -> memref<25x80xi32, #tpu.memory_space<vmem>>
    %dma_start3A_35 = arith.constant 25 : i32
    %dma_start3A_36 = arith.constant 0 : i32
    %dma_start3A_37 = tpu.memref_slice %arg3[%dma_start3A_29, %add3A, %dma_start3A_35, %dma_start3A_36] : memref<2x32x125x80xi32, #tpu.memory_space<hbm>> -> memref<1x1x25x80xi32, #tpu.memory_space<hbm>>
    %dma_start3A_38 = tpu.memref_squeeze %dma_start3A_37 : memref<1x1x25x80xi32, #tpu.memory_space<hbm>> -> memref<25x80xi32, #tpu.memory_space<hbm>>
    %dma_start3A_39 = arith.constant 0 : i32
    %dma_start3A_40 = arith.constant 0 : i32
    %dma_start3A_41 = tpu.memref_slice %arg6[%dma_start3A_30, %dma_start3A_39, %dma_start3A_40] : memref<2x25x80xi32, #tpu.memory_space<vmem>> -> memref<1x25x80xi32, #tpu.memory_space<vmem>>
    %dma_start3A_42 = tpu.memref_squeeze %dma_start3A_41 : memref<1x25x80xi32, #tpu.memory_space<vmem>> -> memref<25x80xi32, #tpu.memory_space<vmem>>
    %dma_start3A_43 = arith.constant 25 : i32
    %dma_start3A_44 = arith.constant 0 : i32
    %dma_start3A_45 = tpu.memref_slice %arg3[%dma_start3A_29, %add3A, %dma_start3A_43, %dma_start3A_44] : memref<2x32x125x80xi32, #tpu.memory_space<hbm>> -> memref<1x1x25x80xi32, #tpu.memory_space<hbm>>
    %dma_start3A_46 = tpu.memref_squeeze %dma_start3A_45 : memref<1x1x25x80xi32, #tpu.memory_space<hbm>> -> memref<25x80xi32, #tpu.memory_space<hbm>>
    tpu.enqueue_dma source(%dma_start3A_46 : memref<25x80xi32, #tpu.memory_space<hbm>>) target(%dma_start3A_42 : memref<25x80xi32, #tpu.memory_space<vmem>>) target_semaphore(%arg20 : memref<!tpu.dma_semaphore, #tpu.memory_space<semaphore_mem>>)
    %broadcast_in_dim3A = arith.constant 0.000000e+00 : f32
    %broadcast_in_dim3A_47 = vector.broadcast %broadcast_in_dim3A : f32 to vector<16xf32>
    %scan3A = arith.constant 0 : i32
    %scan3A_48 = arith.constant 0 : i32
    %scan3A_49 = arith.constant 80 : i32
    %scan3A_50 = arith.addi %scan3A_48, %scan3A_49 : i32
    %scan3A_51 = arith.constant 1 : i32
    scf.for %scan3A_322 = %scan3A_48 to %scan3A_50 step %scan3A_51  : i32 {
      %swap3A = arith.index_cast %scan3A_322 : i32 to index
      %swap3A_323 = arith.constant 0 : index
      %swap3A_324 = tpu.vector_load %arg7[%swap3A, %swap3A_323] {strides = array<i32>} : memref<80x112xf32, #tpu.memory_space<vmem>>, vector<1x16xf32>,
      %swap3A_325 = vector.shape_cast %swap3A_324 : vector<1x16xf32> to vector<16xf32>
      %swap3A_326 = vector.shape_cast %broadcast_in_dim3A_47 : vector<16xf32> to vector<1x16xf32>
      tpu.vector_store %arg7[%swap3A, %swap3A_323], %swap3A_326 {strides = array<i32>} : memref<80x112xf32, #tpu.memory_space<vmem>>, vector<1x16xf32>,
      %swap3A_327 = arith.index_cast %scan3A_322 : i32 to index
      %swap3A_328 = arith.constant 16 : index
      %swap3A_329 = tpu.vector_load %arg7[%swap3A_327, %swap3A_328] {strides = array<i32>} : memref<80x112xf32, #tpu.memory_space<vmem>>, vector<1x16xf32>,
      %swap3A_330 = vector.shape_cast %swap3A_329 : vector<1x16xf32> to vector<16xf32>
      %swap3A_331 = vector.shape_cast %broadcast_in_dim3A_47 : vector<16xf32> to vector<1x16xf32>
      tpu.vector_store %arg7[%swap3A_327, %swap3A_328], %swap3A_331 {strides = array<i32>} : memref<80x112xf32, #tpu.memory_space<vmem>>, vector<1x16xf32>,
      %swap3A_332 = arith.index_cast %scan3A_322 : i32 to index
      %swap3A_333 = arith.constant 32 : index
      %swap3A_334 = tpu.vector_load %arg7[%swap3A_332, %swap3A_333] {strides = array<i32>} : memref<80x112xf32, #tpu.memory_space<vmem>>, vector<1x16xf32>,
      %swap3A_335 = vector.shape_cast %swap3A_334 : vector<1x16xf32> to vector<16xf32>
      %swap3A_336 = vector.shape_cast %broadcast_in_dim3A_47 : vector<16xf32> to vector<1x16xf32>
      tpu.vector_store %arg7[%swap3A_332, %swap3A_333], %swap3A_336 {strides = array<i32>} : memref<80x112xf32, #tpu.memory_space<vmem>>, vector<1x16xf32>,
      %swap3A_337 = arith.index_cast %scan3A_322 : i32 to index
      %swap3A_338 = arith.constant 48 : index
      %swap3A_339 = tpu.vector_load %arg7[%swap3A_337, %swap3A_338] {strides = array<i32>} : memref<80x112xf32, #tpu.memory_space<vmem>>, vector<1x16xf32>,
      %swap3A_340 = vector.shape_cast %swap3A_339 : vector<1x16xf32> to vector<16xf32>
      %swap3A_341 = vector.shape_cast %broadcast_in_dim3A_47 : vector<16xf32> to vector<1x16xf32>
      tpu.vector_store %arg7[%swap3A_337, %swap3A_338], %swap3A_341 {strides = array<i32>} : memref<80x112xf32, #tpu.memory_space<vmem>>, vector<1x16xf32>,
      %swap3A_342 = arith.index_cast %scan3A_322 : i32 to index
      %swap3A_343 = arith.constant 64 : index
      %swap3A_344 = tpu.vector_load %arg7[%swap3A_342, %swap3A_343] {strides = array<i32>} : memref<80x112xf32, #tpu.memory_space<vmem>>, vector<1x16xf32>,
      %swap3A_345 = vector.shape_cast %swap3A_344 : vector<1x16xf32> to vector<16xf32>
      %swap3A_346 = vector.shape_cast %broadcast_in_dim3A_47 : vector<16xf32> to vector<1x16xf32>
      tpu.vector_store %arg7[%swap3A_342, %swap3A_343], %swap3A_346 {strides = array<i32>} : memref<80x112xf32, #tpu.memory_space<vmem>>, vector<1x16xf32>,
      %swap3A_347 = arith.index_cast %scan3A_322 : i32 to index
      %swap3A_348 = arith.constant 80 : index
      %swap3A_349 = tpu.vector_load %arg7[%swap3A_347, %swap3A_348] {strides = array<i32>} : memref<80x112xf32, #tpu.memory_space<vmem>>, vector<1x16xf32>,
      %swap3A_350 = vector.shape_cast %swap3A_349 : vector<1x16xf32> to vector<16xf32>
      %swap3A_351 = vector.shape_cast %broadcast_in_dim3A_47 : vector<16xf32> to vector<1x16xf32>
      tpu.vector_store %arg7[%swap3A_347, %swap3A_348], %swap3A_351 {strides = array<i32>} : memref<80x112xf32, #tpu.memory_space<vmem>>, vector<1x16xf32>,
      %swap3A_352 = arith.index_cast %scan3A_322 : i32 to index
      %swap3A_353 = arith.constant 96 : index
      %swap3A_354 = tpu.vector_load %arg7[%swap3A_352, %swap3A_353] {strides = array<i32>} : memref<80x112xf32, #tpu.memory_space<vmem>>, vector<1x16xf32>,
      %swap3A_355 = vector.shape_cast %swap3A_354 : vector<1x16xf32> to vector<16xf32>
      %swap3A_356 = vector.shape_cast %broadcast_in_dim3A_47 : vector<16xf32> to vector<1x16xf32>
      tpu.vector_store %arg7[%swap3A_352, %swap3A_353], %swap3A_356 {strides = array<i32>} : memref<80x112xf32, #tpu.memory_space<vmem>>, vector<1x16xf32>,
    }
    %scan3A_52 = arith.constant 80 : i32
    %add3A_53 = arith.constant 0 : i32
    %add3A_54 = arith.addi %mul3A_2, %add3A_53 : i32
    "tpu.region"() ({
      %run_scoped3A = tpu.sem_alloc : memref<!tpu.dma_semaphore, #tpu.memory_space<semaphore_mem>>
      %dma_start3A_322 = arith.constant 0 : i32
      %dma_start3A_323 = tpu.memref_slice %arg12[%add3A_54, %dma_start3A_322] : memref<10112x112xf32, #tpu.memory_space<vmem_shared>> -> memref<80x112xf32, #tpu.memory_space<vmem_shared>>
      %dma_start3A_324 = arith.constant 0 : i32
      %dma_start3A_325 = tpu.memref_slice %arg12[%add3A_54, %dma_start3A_324] : memref<10112x112xf32, #tpu.memory_space<vmem_shared>> -> memref<80x112xf32, #tpu.memory_space<vmem_shared>>
      tpu.enqueue_dma source(%arg7 : memref<80x112xf32, #tpu.memory_space<vmem>>) target(%dma_start3A_325 : memref<80x112xf32, #tpu.memory_space<vmem_shared>>) target_semaphore(%run_scoped3A : memref<!tpu.dma_semaphore, #tpu.memory_space<semaphore_mem>>)
      %dma_wait3A_326 = arith.constant 0 : i32
      %dma_wait3A_327 = tpu.memref_slice %arg12[%add3A_54, %dma_wait3A_326] : memref<10112x112xf32, #tpu.memory_space<vmem_shared>> -> memref<80x112xf32, #tpu.memory_space<vmem_shared>>
      %dma_wait3A_328 = arith.constant 0 : i32
      %dma_wait3A_329 = tpu.memref_slice %arg12[%add3A_54, %dma_wait3A_328] : memref<10112x112xf32, #tpu.memory_space<vmem_shared>> -> memref<80x112xf32, #tpu.memory_space<vmem_shared>>
      tpu.wait_dma2 semaphore(%run_scoped3A : memref<!tpu.dma_semaphore, #tpu.memory_space<semaphore_mem>>) src(%arg7 : memref<80x112xf32, #tpu.memory_space<vmem>>) dst(%dma_wait3A_329 : memref<80x112xf32, #tpu.memory_space<vmem_shared>>)
      tpu.yield
    }) : () -> ()
    %add3A_55 = arith.constant 80 : i32
    %add3A_56 = arith.addi %mul3A_2, %add3A_55 : i32
    "tpu.region"() ({
      %run_scoped3A = tpu.sem_alloc : memref<!tpu.dma_semaphore, #tpu.memory_space<semaphore_mem>>
      %dma_start3A_322 = arith.constant 0 : i32
      %dma_start3A_323 = tpu.memref_slice %arg12[%add3A_56, %dma_start3A_322] : memref<10112x112xf32, #tpu.memory_space<vmem_shared>> -> memref<80x112xf32, #tpu.memory_space<vmem_shared>>
      %dma_start3A_324 = arith.constant 0 : i32
      %dma_start3A_325 = tpu.memref_slice %arg12[%add3A_56, %dma_start3A_324] : memref<10112x112xf32, #tpu.memory_space<vmem_shared>> -> memref<80x112xf32, #tpu.memory_space<vmem_shared>>
      tpu.enqueue_dma source(%arg7 : memref<80x112xf32, #tpu.memory_space<vmem>>) target(%dma_start3A_325 : memref<80x112xf32, #tpu.memory_space<vmem_shared>>) target_semaphore(%run_scoped3A : memref<!tpu.dma_semaphore, #tpu.memory_space<semaphore_mem>>)
      %dma_wait3A_326 = arith.constant 0 : i32
      %dma_wait3A_327 = tpu.memref_slice %arg12[%add3A_56, %dma_wait3A_326] : memref<10112x112xf32, #tpu.memory_space<vmem_shared>> -> memref<80x112xf32, #tpu.memory_space<vmem_shared>>
      %dma_wait3A_328 = arith.constant 0 : i32
      %dma_wait3A_329 = tpu.memref_slice %arg12[%add3A_56, %dma_wait3A_328] : memref<10112x112xf32, #tpu.memory_space<vmem_shared>> -> memref<80x112xf32, #tpu.memory_space<vmem_shared>>
      tpu.wait_dma2 semaphore(%run_scoped3A : memref<!tpu.dma_semaphore, #tpu.memory_space<semaphore_mem>>) src(%arg7 : memref<80x112xf32, #tpu.memory_space<vmem>>) dst(%dma_wait3A_329 : memref<80x112xf32, #tpu.memory_space<vmem_shared>>)
      tpu.yield
    }) : () -> ()
    %add3A_57 = arith.constant 160 : i32
    %add3A_58 = arith.addi %mul3A_2, %add3A_57 : i32
    "tpu.region"() ({
      %run_scoped3A = tpu.sem_alloc : memref<!tpu.dma_semaphore, #tpu.memory_space<semaphore_mem>>
      %dma_start3A_322 = arith.constant 0 : i32
      %dma_start3A_323 = tpu.memref_slice %arg12[%add3A_58, %dma_start3A_322] : memref<10112x112xf32, #tpu.memory_space<vmem_shared>> -> memref<80x112xf32, #tpu.memory_space<vmem_shared>>
      %dma_start3A_324 = arith.constant 0 : i32
      %dma_start3A_325 = tpu.memref_slice %arg12[%add3A_58, %dma_start3A_324] : memref<10112x112xf32, #tpu.memory_space<vmem_shared>> -> memref<80x112xf32, #tpu.memory_space<vmem_shared>>
      tpu.enqueue_dma source(%arg7 : memref<80x112xf32, #tpu.memory_space<vmem>>) target(%dma_start3A_325 : memref<80x112xf32, #tpu.memory_space<vmem_shared>>) target_semaphore(%run_scoped3A : memref<!tpu.dma_semaphore, #tpu.memory_space<semaphore_mem>>)
      %dma_wait3A_326 = arith.constant 0 : i32
      %dma_wait3A_327 = tpu.memref_slice %arg12[%add3A_58, %dma_wait3A_326] : memref<10112x112xf32, #tpu.memory_space<vmem_shared>> -> memref<80x112xf32, #tpu.memory_space<vmem_shared>>
      %dma_wait3A_328 = arith.constant 0 : i32
      %dma_wait3A_329 = tpu.memref_slice %arg12[%add3A_58, %dma_wait3A_328] : memref<10112x112xf32, #tpu.memory_space<vmem_shared>> -> memref<80x112xf32, #tpu.memory_space<vmem_shared>>
      tpu.wait_dma2 semaphore(%run_scoped3A : memref<!tpu.dma_semaphore, #tpu.memory_space<semaphore_mem>>) src(%arg7 : memref<80x112xf32, #tpu.memory_space<vmem>>) dst(%dma_wait3A_329 : memref<80x112xf32, #tpu.memory_space<vmem_shared>>)
      tpu.yield
    }) : () -> ()
    %add3A_59 = arith.constant 240 : i32
    %add3A_60 = arith.addi %mul3A_2, %add3A_59 : i32
    "tpu.region"() ({
      %run_scoped3A = tpu.sem_alloc : memref<!tpu.dma_semaphore, #tpu.memory_space<semaphore_mem>>
      %dma_start3A_322 = arith.constant 0 : i32
      %dma_start3A_323 = tpu.memref_slice %arg12[%add3A_60, %dma_start3A_322] : memref<10112x112xf32, #tpu.memory_space<vmem_shared>> -> memref<80x112xf32, #tpu.memory_space<vmem_shared>>
      %dma_start3A_324 = arith.constant 0 : i32
      %dma_start3A_325 = tpu.memref_slice %arg12[%add3A_60, %dma_start3A_324] : memref<10112x112xf32, #tpu.memory_space<vmem_shared>> -> memref<80x112xf32, #tpu.memory_space<vmem_shared>>
      tpu.enqueue_dma source(%arg7 : memref<80x112xf32, #tpu.memory_space<vmem>>) target(%dma_start3A_325 : memref<80x112xf32, #tpu.memory_space<vmem_shared>>) target_semaphore(%run_scoped3A : memref<!tpu.dma_semaphore, #tpu.memory_space<semaphore_mem>>)
      %dma_wait3A_326 = arith.constant 0 : i32
      %dma_wait3A_327 = tpu.memref_slice %arg12[%add3A_60, %dma_wait3A_326] : memref<10112x112xf32, #tpu.memory_space<vmem_shared>> -> memref<80x112xf32, #tpu.memory_space<vmem_shared>>
      %dma_wait3A_328 = arith.constant 0 : i32
      %dma_wait3A_329 = tpu.memref_slice %arg12[%add3A_60, %dma_wait3A_328] : memref<10112x112xf32, #tpu.memory_space<vmem_shared>> -> memref<80x112xf32, #tpu.memory_space<vmem_shared>>
      tpu.wait_dma2 semaphore(%run_scoped3A : memref<!tpu.dma_semaphore, #tpu.memory_space<semaphore_mem>>) src(%arg7 : memref<80x112xf32, #tpu.memory_space<vmem>>) dst(%dma_wait3A_329 : memref<80x112xf32, #tpu.memory_space<vmem_shared>>)
      tpu.yield
    }) : () -> ()
    %add3A_61 = arith.constant 320 : i32
    %add3A_62 = arith.addi %mul3A_2, %add3A_61 : i32
    "tpu.region"() ({
      %run_scoped3A = tpu.sem_alloc : memref<!tpu.dma_semaphore, #tpu.memory_space<semaphore_mem>>
      %dma_start3A_322 = arith.constant 0 : i32
      %dma_start3A_323 = tpu.memref_slice %arg12[%add3A_62, %dma_start3A_322] : memref<10112x112xf32, #tpu.memory_space<vmem_shared>> -> memref<80x112xf32, #tpu.memory_space<vmem_shared>>
      %dma_start3A_324 = arith.constant 0 : i32
      %dma_start3A_325 = tpu.memref_slice %arg12[%add3A_62, %dma_start3A_324] : memref<10112x112xf32, #tpu.memory_space<vmem_shared>> -> memref<80x112xf32, #tpu.memory_space<vmem_shared>>
      tpu.enqueue_dma source(%arg7 : memref<80x112xf32, #tpu.memory_space<vmem>>) target(%dma_start3A_325 : memref<80x112xf32, #tpu.memory_space<vmem_shared>>) target_semaphore(%run_scoped3A : memref<!tpu.dma_semaphore, #tpu.memory_space<semaphore_mem>>)
      %dma_wait3A_326 = arith.constant 0 : i32
      %dma_wait3A_327 = tpu.memref_slice %arg12[%add3A_62, %dma_wait3A_326] : memref<10112x112xf32, #tpu.memory_space<vmem_shared>> -> memref<80x112xf32, #tpu.memory_space<vmem_shared>>
      %dma_wait3A_328 = arith.constant 0 : i32
      %dma_wait3A_329 = tpu.memref_slice %arg12[%add3A_62, %dma_wait3A_328] : memref<10112x112xf32, #tpu.memory_space<vmem_shared>> -> memref<80x112xf32, #tpu.memory_space<vmem_shared>>
      tpu.wait_dma2 semaphore(%run_scoped3A : memref<!tpu.dma_semaphore, #tpu.memory_space<semaphore_mem>>) src(%arg7 : memref<80x112xf32, #tpu.memory_space<vmem>>) dst(%dma_wait3A_329 : memref<80x112xf32, #tpu.memory_space<vmem_shared>>)
      tpu.yield
    }) : () -> ()
    %add3A_63 = arith.constant 400 : i32
    %add3A_64 = arith.addi %mul3A_2, %add3A_63 : i32
    "tpu.region"() ({
      %run_scoped3A = tpu.sem_alloc : memref<!tpu.dma_semaphore, #tpu.memory_space<semaphore_mem>>
      %dma_start3A_322 = arith.constant 0 : i32
      %dma_start3A_323 = tpu.memref_slice %arg12[%add3A_64, %dma_start3A_322] : memref<10112x112xf32, #tpu.memory_space<vmem_shared>> -> memref<80x112xf32, #tpu.memory_space<vmem_shared>>
      %dma_start3A_324 = arith.constant 0 : i32
      %dma_start3A_325 = tpu.memref_slice %arg12[%add3A_64, %dma_start3A_324] : memref<10112x112xf32, #tpu.memory_space<vmem_shared>> -> memref<80x112xf32, #tpu.memory_space<vmem_shared>>
      tpu.enqueue_dma source(%arg7 : memref<80x112xf32, #tpu.memory_space<vmem>>) target(%dma_start3A_325 : memref<80x112xf32, #tpu.memory_space<vmem_shared>>) target_semaphore(%run_scoped3A : memref<!tpu.dma_semaphore, #tpu.memory_space<semaphore_mem>>)
      %dma_wait3A_326 = arith.constant 0 : i32
      %dma_wait3A_327 = tpu.memref_slice %arg12[%add3A_64, %dma_wait3A_326] : memref<10112x112xf32, #tpu.memory_space<vmem_shared>> -> memref<80x112xf32, #tpu.memory_space<vmem_shared>>
      %dma_wait3A_328 = arith.constant 0 : i32
      %dma_wait3A_329 = tpu.memref_slice %arg12[%add3A_64, %dma_wait3A_328] : memref<10112x112xf32, #tpu.memory_space<vmem_shared>> -> memref<80x112xf32, #tpu.memory_space<vmem_shared>>
      tpu.wait_dma2 semaphore(%run_scoped3A : memref<!tpu.dma_semaphore, #tpu.memory_space<semaphore_mem>>) src(%arg7 : memref<80x112xf32, #tpu.memory_space<vmem>>) dst(%dma_wait3A_329 : memref<80x112xf32, #tpu.memory_space<vmem_shared>>)
      tpu.yield
    }) : () -> ()
    %add3A_65 = arith.constant 480 : i32
    %add3A_66 = arith.addi %mul3A_2, %add3A_65 : i32
    "tpu.region"() ({
      %run_scoped3A = tpu.sem_alloc : memref<!tpu.dma_semaphore, #tpu.memory_space<semaphore_mem>>
      %dma_start3A_322 = arith.constant 0 : i32
      %dma_start3A_323 = tpu.memref_slice %arg12[%add3A_66, %dma_start3A_322] : memref<10112x112xf32, #tpu.memory_space<vmem_shared>> -> memref<80x112xf32, #tpu.memory_space<vmem_shared>>
      %dma_start3A_324 = arith.constant 0 : i32
      %dma_start3A_325 = tpu.memref_slice %arg12[%add3A_66, %dma_start3A_324] : memref<10112x112xf32, #tpu.memory_space<vmem_shared>> -> memref<80x112xf32, #tpu.memory_space<vmem_shared>>
      tpu.enqueue_dma source(%arg7 : memref<80x112xf32, #tpu.memory_space<vmem>>) target(%dma_start3A_325 : memref<80x112xf32, #tpu.memory_space<vmem_shared>>) target_semaphore(%run_scoped3A : memref<!tpu.dma_semaphore, #tpu.memory_space<semaphore_mem>>)
      %dma_wait3A_326 = arith.constant 0 : i32
      %dma_wait3A_327 = tpu.memref_slice %arg12[%add3A_66, %dma_wait3A_326] : memref<10112x112xf32, #tpu.memory_space<vmem_shared>> -> memref<80x112xf32, #tpu.memory_space<vmem_shared>>
      %dma_wait3A_328 = arith.constant 0 : i32
      %dma_wait3A_329 = tpu.memref_slice %arg12[%add3A_66, %dma_wait3A_328] : memref<10112x112xf32, #tpu.memory_space<vmem_shared>> -> memref<80x112xf32, #tpu.memory_space<vmem_shared>>
      tpu.wait_dma2 semaphore(%run_scoped3A : memref<!tpu.dma_semaphore, #tpu.memory_space<semaphore_mem>>) src(%arg7 : memref<80x112xf32, #tpu.memory_space<vmem>>) dst(%dma_wait3A_329 : memref<80x112xf32, #tpu.memory_space<vmem_shared>>)
      tpu.yield
    }) : () -> ()
    %add3A_67 = arith.constant 560 : i32
    %add3A_68 = arith.addi %mul3A_2, %add3A_67 : i32
    "tpu.region"() ({
      %run_scoped3A = tpu.sem_alloc : memref<!tpu.dma_semaphore, #tpu.memory_space<semaphore_mem>>
      %dma_start3A_322 = arith.constant 0 : i32
      %dma_start3A_323 = arith.constant 0 : i32
      %dma_start3A_324 = tpu.memref_slice %arg7[%dma_start3A_322, %dma_start3A_323] : memref<80x112xf32, #tpu.memory_space<vmem>> -> memref<72x112xf32, #tpu.memory_space<vmem>>
      %dma_start3A_325 = arith.constant 0 : i32
      %dma_start3A_326 = tpu.memref_slice %arg12[%add3A_68, %dma_start3A_325] : memref<10112x112xf32, #tpu.memory_space<vmem_shared>> -> memref<72x112xf32, #tpu.memory_space<vmem_shared>>
      %dma_start3A_327 = arith.constant 0 : i32
      %dma_start3A_328 = tpu.memref_slice %arg12[%add3A_68, %dma_start3A_327] : memref<10112x112xf32, #tpu.memory_space<vmem_shared>> -> memref<72x112xf32, #tpu.memory_space<vmem_shared>>
      %dma_start3A_329 = arith.constant 0 : i32
      %dma_start3A_330 = arith.constant 0 : i32
      %dma_start3A_331 = tpu.memref_slice %arg7[%dma_start3A_329, %dma_start3A_330] : memref<80x112xf32, #tpu.memory_space<vmem>> -> memref<72x112xf32, #tpu.memory_space<vmem>>
      tpu.enqueue_dma source(%dma_start3A_331 : memref<72x112xf32, #tpu.memory_space<vmem>>) target(%dma_start3A_328 : memref<72x112xf32, #tpu.memory_space<vmem_shared>>) target_semaphore(%run_scoped3A : memref<!tpu.dma_semaphore, #tpu.memory_space<semaphore_mem>>)
      %dma_wait3A_332 = arith.constant 0 : i32
      %dma_wait3A_333 = arith.constant 0 : i32
      %dma_wait3A_334 = tpu.memref_slice %arg7[%dma_wait3A_332, %dma_wait3A_333] : memref<80x112xf32, #tpu.memory_space<vmem>> -> memref<72x112xf32, #tpu.memory_space<vmem>>
      %dma_wait3A_335 = arith.constant 0 : i32
      %dma_wait3A_336 = tpu.memref_slice %arg12[%add3A_68, %dma_wait3A_335] : memref<10112x112xf32, #tpu.memory_space<vmem_shared>> -> memref<72x112xf32, #tpu.memory_space<vmem_shared>>
      %dma_wait3A_337 = arith.constant 0 : i32
      %dma_wait3A_338 = tpu.memref_slice %arg12[%add3A_68, %dma_wait3A_337] : memref<10112x112xf32, #tpu.memory_space<vmem_shared>> -> memref<72x112xf32, #tpu.memory_space<vmem_shared>>
      %dma_wait3A_339 = arith.constant 0 : i32
      %dma_wait3A_340 = arith.constant 0 : i32
      %dma_wait3A_341 = tpu.memref_slice %arg7[%dma_wait3A_339, %dma_wait3A_340] : memref<80x112xf32, #tpu.memory_space<vmem>> -> memref<72x112xf32, #tpu.memory_space<vmem>>
      tpu.wait_dma2 semaphore(%run_scoped3A : memref<!tpu.dma_semaphore, #tpu.memory_space<semaphore_mem>>) src(%dma_wait3A_341 : memref<72x112xf32, #tpu.memory_space<vmem>>) dst(%dma_wait3A_338 : memref<72x112xf32, #tpu.memory_space<vmem_shared>>)
      tpu.yield
    }) : () -> ()
    %dma_wait3A = arith.constant 0 : i32
    %dma_wait3A_69 = arith.constant 0 : i32
    %dma_wait3A_70 = arith.constant 0 : i32
    %dma_wait3A_71 = tpu.memref_slice %arg3[%dma_wait3A, %add3A, %dma_wait3A_69, %dma_wait3A_70] : memref<2x32x125x80xi32, #tpu.memory_space<hbm>> -> memref<1x1x125x80xi32, #tpu.memory_space<hbm>>
    %dma_wait3A_72 = tpu.memref_squeeze %dma_wait3A_71 : memref<1x1x125x80xi32, #tpu.memory_space<hbm>> -> memref<125x80xi32, #tpu.memory_space<hbm>>
    %dma_wait3A_73 = arith.constant 0 : i32
    %dma_wait3A_74 = arith.constant 0 : i32
    %dma_wait3A_75 = tpu.memref_slice %arg3[%dma_wait3A, %add3A, %dma_wait3A_73, %dma_wait3A_74] : memref<2x32x125x80xi32, #tpu.memory_space<hbm>> -> memref<1x1x125x80xi32, #tpu.memory_space<hbm>>
    %dma_wait3A_76 = tpu.memref_squeeze %dma_wait3A_75 : memref<1x1x125x80xi32, #tpu.memory_space<hbm>> -> memref<125x80xi32, #tpu.memory_space<hbm>>
    tpu.wait_dma2 semaphore(%arg18 : memref<!tpu.dma_semaphore, #tpu.memory_space<semaphore_mem>>) src(%dma_wait3A_76 : memref<125x80xi32, #tpu.memory_space<hbm>>) dst(%arg5 : memref<125x80xi32, #tpu.memory_space<vmem>>)
    %dma_start3A_77 = arith.constant 0 : i32
    %dma_start3A_78 = arith.constant 0 : i32
    %dma_start3A_79 = tpu.memref_slice %arg5[%dma_start3A_77, %dma_start3A_78] : memref<125x80xi32, #tpu.memory_space<vmem>> -> memref<1x80xi32, #tpu.memory_space<vmem>>
    %dma_start3A_80 = tpu.memref_squeeze %dma_start3A_79 : memref<1x80xi32, #tpu.memory_space<vmem>> -> memref<80xi32, #tpu.memory_space<vmem>>
    %dma_start3A_81 = arith.constant 0 : i32
    %dma_start3A_82 = arith.constant 0 : i32
    %dma_start3A_83 = tpu.memref_slice %arg2[%dma_start3A_81, %dma_start3A_82] : memref<10000x112xf32, #tpu.memory_space<hbm>> -> memref<10000x112xf32, #tpu.memory_space<hbm>>
    tpu.enqueue_indirect_dma source(%dma_start3A_83 : memref<10000x112xf32, #tpu.memory_space<hbm>>) target(%arg7 : memref<80x112xf32, #tpu.memory_space<vmem>>) offsets(%dma_start3A_80 : memref<80xi32, #tpu.memory_space<vmem>>) semaphore(%arg13 : memref<!tpu.dma_semaphore, #tpu.memory_space<semaphore_mem>>)
    %dma_start3A_84 = arith.constant 1 : i32
    %dma_start3A_85 = arith.constant 0 : i32
    %dma_start3A_86 = tpu.memref_slice %arg5[%dma_start3A_84, %dma_start3A_85] : memref<125x80xi32, #tpu.memory_space<vmem>> -> memref<1x80xi32, #tpu.memory_space<vmem>>
    %dma_start3A_87 = tpu.memref_squeeze %dma_start3A_86 : memref<1x80xi32, #tpu.memory_space<vmem>> -> memref<80xi32, #tpu.memory_space<vmem>>
    %dma_start3A_88 = arith.constant 0 : i32
    %dma_start3A_89 = arith.constant 0 : i32
    %dma_start3A_90 = tpu.memref_slice %arg2[%dma_start3A_88, %dma_start3A_89] : memref<10000x112xf32, #tpu.memory_space<hbm>> -> memref<10000x112xf32, #tpu.memory_space<hbm>>
    tpu.enqueue_indirect_dma source(%dma_start3A_90 : memref<10000x112xf32, #tpu.memory_space<hbm>>) target(%arg8 : memref<80x112xf32, #tpu.memory_space<vmem>>) offsets(%dma_start3A_87 : memref<80xi32, #tpu.memory_space<vmem>>) semaphore(%arg14 : memref<!tpu.dma_semaphore, #tpu.memory_space<semaphore_mem>>)
    %dma_start3A_91 = arith.constant 2 : i32
    %dma_start3A_92 = arith.constant 0 : i32
    %dma_start3A_93 = tpu.memref_slice %arg5[%dma_start3A_91, %dma_start3A_92] : memref<125x80xi32, #tpu.memory_space<vmem>> -> memref<1x80xi32, #tpu.memory_space<vmem>>
    %dma_start3A_94 = tpu.memref_squeeze %dma_start3A_93 : memref<1x80xi32, #tpu.memory_space<vmem>> -> memref<80xi32, #tpu.memory_space<vmem>>
    %dma_start3A_95 = arith.constant 0 : i32
    %dma_start3A_96 = arith.constant 0 : i32
    %dma_start3A_97 = tpu.memref_slice %arg2[%dma_start3A_95, %dma_start3A_96] : memref<10000x112xf32, #tpu.memory_space<hbm>> -> memref<10000x112xf32, #tpu.memory_space<hbm>>
    tpu.enqueue_indirect_dma source(%dma_start3A_97 : memref<10000x112xf32, #tpu.memory_space<hbm>>) target(%arg9 : memref<80x112xf32, #tpu.memory_space<vmem>>) offsets(%dma_start3A_94 : memref<80xi32, #tpu.memory_space<vmem>>) semaphore(%arg15 : memref<!tpu.dma_semaphore, #tpu.memory_space<semaphore_mem>>)
    %dma_start3A_98 = arith.constant 3 : i32
    %dma_start3A_99 = arith.constant 0 : i32
    %dma_start3A_100 = tpu.memref_slice %arg5[%dma_start3A_98, %dma_start3A_99] : memref<125x80xi32, #tpu.memory_space<vmem>> -> memref<1x80xi32, #tpu.memory_space<vmem>>
    %dma_start3A_101 = tpu.memref_squeeze %dma_start3A_100 : memref<1x80xi32, #tpu.memory_space<vmem>> -> memref<80xi32, #tpu.memory_space<vmem>>
    %dma_start3A_102 = arith.constant 0 : i32
    %dma_start3A_103 = arith.constant 0 : i32
    %dma_start3A_104 = tpu.memref_slice %arg2[%dma_start3A_102, %dma_start3A_103] : memref<10000x112xf32, #tpu.memory_space<hbm>> -> memref<10000x112xf32, #tpu.memory_space<hbm>>
    tpu.enqueue_indirect_dma source(%dma_start3A_104 : memref<10000x112xf32, #tpu.memory_space<hbm>>) target(%arg10 : memref<80x112xf32, #tpu.memory_space<vmem>>) offsets(%dma_start3A_101 : memref<80xi32, #tpu.memory_space<vmem>>) semaphore(%arg16 : memref<!tpu.dma_semaphore, #tpu.memory_space<semaphore_mem>>)
    %dma_start3A_105 = arith.constant 4 : i32
    %dma_start3A_106 = arith.constant 0 : i32
    %dma_start3A_107 = tpu.memref_slice %arg5[%dma_start3A_105, %dma_start3A_106] : memref<125x80xi32, #tpu.memory_space<vmem>> -> memref<1x80xi32, #tpu.memory_space<vmem>>
    %dma_start3A_108 = tpu.memref_squeeze %dma_start3A_107 : memref<1x80xi32, #tpu.memory_space<vmem>> -> memref<80xi32, #tpu.memory_space<vmem>>
    %dma_start3A_109 = arith.constant 0 : i32
    %dma_start3A_110 = arith.constant 0 : i32
    %dma_start3A_111 = tpu.memref_slice %arg2[%dma_start3A_109, %dma_start3A_110] : memref<10000x112xf32, #tpu.memory_space<hbm>> -> memref<10000x112xf32, #tpu.memory_space<hbm>>
    tpu.enqueue_indirect_dma source(%dma_start3A_111 : memref<10000x112xf32, #tpu.memory_space<hbm>>) target(%arg11 : memref<80x112xf32, #tpu.memory_space<vmem>>) offsets(%dma_start3A_108 : memref<80xi32, #tpu.memory_space<vmem>>) semaphore(%arg17 : memref<!tpu.dma_semaphore, #tpu.memory_space<semaphore_mem>>)
    %barrier3A = arith.constant 0 : index
    tpu.barrier barrier_id(%barrier3A)
    %dma_wait3A_112 = arith.constant 1 : i32
    %dma_wait3A_113 = arith.constant 0 : i32
    %dma_wait3A_114 = arith.constant 0 : i32
    %dma_wait3A_115 = arith.constant 0 : i32
    %dma_wait3A_116 = tpu.memref_slice %arg6[%dma_wait3A_113, %dma_wait3A_114, %dma_wait3A_115] : memref<2x25x80xi32, #tpu.memory_space<vmem>> -> memref<1x25x80xi32, #tpu.memory_space<vmem>>
    %dma_wait3A_117 = tpu.memref_squeeze %dma_wait3A_116 : memref<1x25x80xi32, #tpu.memory_space<vmem>> -> memref<25x80xi32, #tpu.memory_space<vmem>>
    %dma_wait3A_118 = arith.constant 0 : i32
    %dma_wait3A_119 = arith.constant 0 : i32
    %dma_wait3A_120 = tpu.memref_slice %arg3[%dma_wait3A_112, %add3A, %dma_wait3A_118, %dma_wait3A_119] : memref<2x32x125x80xi32, #tpu.memory_space<hbm>> -> memref<1x1x25x80xi32, #tpu.memory_space<hbm>>
    %dma_wait3A_121 = tpu.memref_squeeze %dma_wait3A_120 : memref<1x1x25x80xi32, #tpu.memory_space<hbm>> -> memref<25x80xi32, #tpu.memory_space<hbm>>
    %dma_wait3A_122 = arith.constant 0 : i32
    %dma_wait3A_123 = arith.constant 0 : i32
    %dma_wait3A_124 = tpu.memref_slice %arg6[%dma_wait3A_113, %dma_wait3A_122, %dma_wait3A_123] : memref<2x25x80xi32, #tpu.memory_space<vmem>> -> memref<1x25x80xi32, #tpu.memory_space<vmem>>
    %dma_wait3A_125 = tpu.memref_squeeze %dma_wait3A_124 : memref<1x25x80xi32, #tpu.memory_space<vmem>> -> memref<25x80xi32, #tpu.memory_space<vmem>>
    %dma_wait3A_126 = arith.constant 0 : i32
    %dma_wait3A_127 = arith.constant 0 : i32
    %dma_wait3A_128 = tpu.memref_slice %arg3[%dma_wait3A_112, %add3A, %dma_wait3A_126, %dma_wait3A_127] : memref<2x32x125x80xi32, #tpu.memory_space<hbm>> -> memref<1x1x25x80xi32, #tpu.memory_space<hbm>>
    %dma_wait3A_129 = tpu.memref_squeeze %dma_wait3A_128 : memref<1x1x25x80xi32, #tpu.memory_space<hbm>> -> memref<25x80xi32, #tpu.memory_space<hbm>>
    tpu.wait_dma2 semaphore(%arg19 : memref<!tpu.dma_semaphore, #tpu.memory_space<semaphore_mem>>) src(%dma_wait3A_129 : memref<25x80xi32, #tpu.memory_space<hbm>>) dst(%dma_wait3A_125 : memref<25x80xi32, #tpu.memory_space<vmem>>)
    %scan3A_130 = arith.constant 0 : i32
    %scan3A_131 = arith.constant 0 : i32
    %scan3A_132 = arith.constant 5 : i32
    %scan3A_133 = arith.addi %scan3A_131, %scan3A_132 : i32
    %scan3A_134 = arith.constant 1 : i32
    scf.for %scan3A_322 = %scan3A_131 to %scan3A_133 step %scan3A_134  : i32 {
      %mul3A_323 = arith.constant 5 : i32
      %mul3A_324 = arith.muli %mul3A_323, %scan3A_322 : i32
      %add3A_325 = arith.constant 0 : i32
      %add3A_326 = arith.addi %mul3A_324, %add3A_325 : i32
      %add3A_327 = arith.constant 0 : i32
      %add3A_328 = arith.addi %add3A_327, %add3A_326 : i32
      %dma_wait3A_329 = arith.constant 0 : i32
      %dma_wait3A_330 = tpu.memref_slice %arg5[%add3A_328, %dma_wait3A_329] : memref<125x80xi32, #tpu.memory_space<vmem>> -> memref<1x80xi32, #tpu.memory_space<vmem>>
      %dma_wait3A_331 = tpu.memref_squeeze %dma_wait3A_330 : memref<1x80xi32, #tpu.memory_space<vmem>> -> memref<80xi32, #tpu.memory_space<vmem>>
      %dma_wait3A_332 = arith.constant 0 : i32
      %dma_wait3A_333 = arith.constant 0 : i32
      %dma_wait3A_334 = tpu.memref_slice %arg2[%dma_wait3A_332, %dma_wait3A_333] : memref<10000x112xf32, #tpu.memory_space<hbm>> -> memref<10000x112xf32, #tpu.memory_space<hbm>>
      tpu.wait_indirect_dma semaphore(%arg13 : memref<!tpu.dma_semaphore, #tpu.memory_space<semaphore_mem>>) src(%dma_wait3A_334 : memref<10000x112xf32, #tpu.memory_space<hbm>>) dst(%arg7 : memref<80x112xf32, #tpu.memory_space<vmem>>)
      %run_scoped3A = arith.constant 0 : i32
      "tpu.region"() ({
        %run_scoped3A_436 = tpu.sem_alloc : memref<!tpu.dma_semaphore, #tpu.memory_space<semaphore_mem>>
        %dma_start3A_437 = arith.constant 0 : i32
        %dma_start3A_438 = tpu.memref_slice %arg6[%run_scoped3A, %add3A_326, %dma_start3A_437] : memref<2x25x80xi32, #tpu.memory_space<vmem>> -> memref<1x1x80xi32, #tpu.memory_space<vmem>>
        %dma_start3A_439 = tpu.memref_squeeze %dma_start3A_438 : memref<1x1x80xi32, #tpu.memory_space<vmem>> -> memref<80xi32, #tpu.memory_space<vmem>>
        %dma_start3A_440 = arith.constant 0 : i32
        %dma_start3A_441 = arith.constant 0 : i32
        %dma_start3A_442 = tpu.memref_slice %arg12[%dma_start3A_440, %dma_start3A_441] : memref<10112x112xf32, #tpu.memory_space<vmem_shared>> -> memref<10112x112xf32, #tpu.memory_space<vmem_shared>>
        tpu.enqueue_indirect_dma source(%arg7 : memref<80x112xf32, #tpu.memory_space<vmem>>) target(%dma_start3A_442 : memref<10112x112xf32, #tpu.memory_space<vmem_shared>>) offsets(%dma_start3A_439 : memref<80xi32, #tpu.memory_space<vmem>>) semaphore(%run_scoped3A_436 : memref<!tpu.dma_semaphore, #tpu.memory_space<semaphore_mem>>) {add = true}
        %dma_wait3A_443 = arith.constant 0 : i32
        %dma_wait3A_444 = tpu.memref_slice %arg6[%run_scoped3A, %add3A_326, %dma_wait3A_443] : memref<2x25x80xi32, #tpu.memory_space<vmem>> -> memref<1x1x80xi32, #tpu.memory_space<vmem>>
        %dma_wait3A_445 = tpu.memref_squeeze %dma_wait3A_444 : memref<1x1x80xi32, #tpu.memory_space<vmem>> -> memref<80xi32, #tpu.memory_space<vmem>>
        %dma_wait3A_446 = arith.constant 0 : i32
        %dma_wait3A_447 = arith.constant 0 : i32
        %dma_wait3A_448 = tpu.memref_slice %arg12[%dma_wait3A_446, %dma_wait3A_447] : memref<10112x112xf32, #tpu.memory_space<vmem_shared>> -> memref<10112x112xf32, #tpu.memory_space<vmem_shared>>
        tpu.wait_indirect_dma semaphore(%run_scoped3A_436 : memref<!tpu.dma_semaphore, #tpu.memory_space<semaphore_mem>>) src(%arg7 : memref<80x112xf32, #tpu.memory_space<vmem>>) dst(%dma_wait3A_448 : memref<10112x112xf32, #tpu.memory_space<vmem_shared>>)
        tpu.yield
      }) : () -> ()
      %add3A_335 = arith.constant 5 : i32
      %add3A_336 = arith.addi %add3A_328, %add3A_335 : i32
      %min3A = arith.constant 124 : i32
      %min3A_337 = arith.minsi %add3A_336, %min3A : i32
      %dma_start3A_338 = arith.constant 0 : i32
      %dma_start3A_339 = tpu.memref_slice %arg5[%min3A_337, %dma_start3A_338] : memref<125x80xi32, #tpu.memory_space<vmem>> -> memref<1x80xi32, #tpu.memory_space<vmem>>
      %dma_start3A_340 = tpu.memref_squeeze %dma_start3A_339 : memref<1x80xi32, #tpu.memory_space<vmem>> -> memref<80xi32, #tpu.memory_space<vmem>>
      %dma_start3A_341 = arith.constant 0 : i32
      %dma_start3A_342 = arith.constant 0 : i32
      %dma_start3A_343 = tpu.memref_slice %arg2[%dma_start3A_341, %dma_start3A_342] : memref<10000x112xf32, #tpu.memory_space<hbm>> -> memref<10000x112xf32, #tpu.memory_space<hbm>>
      tpu.enqueue_indirect_dma source(%dma_start3A_343 : memref<10000x112xf32, #tpu.memory_space<hbm>>) target(%arg7 : memref<80x112xf32, #tpu.memory_space<vmem>>) offsets(%dma_start3A_340 : memref<80xi32, #tpu.memory_space<vmem>>) semaphore(%arg13 : memref<!tpu.dma_semaphore, #tpu.memory_space<semaphore_mem>>)
      %mul3A_344 = arith.constant 5 : i32
      %mul3A_345 = arith.muli %mul3A_344, %scan3A_322 : i32
      %add3A_346 = arith.constant 1 : i32
      %add3A_347 = arith.addi %mul3A_345, %add3A_346 : i32
      %add3A_348 = arith.constant 0 : i32
      %add3A_349 = arith.addi %add3A_348, %add3A_347 : i32
      %dma_wait3A_350 = arith.constant 0 : i32
      %dma_wait3A_351 = tpu.memref_slice %arg5[%add3A_349, %dma_wait3A_350] : memref<125x80xi32, #tpu.memory_space<vmem>> -> memref<1x80xi32, #tpu.memory_space<vmem>>
      %dma_wait3A_352 = tpu.memref_squeeze %dma_wait3A_351 : memref<1x80xi32, #tpu.memory_space<vmem>> -> memref<80xi32, #tpu.memory_space<vmem>>
      %dma_wait3A_353 = arith.constant 0 : i32
      %dma_wait3A_354 = arith.constant 0 : i32
      %dma_wait3A_355 = tpu.memref_slice %arg2[%dma_wait3A_353, %dma_wait3A_354] : memref<10000x112xf32, #tpu.memory_space<hbm>> -> memref<10000x112xf32, #tpu.memory_space<hbm>>
      tpu.wait_indirect_dma semaphore(%arg14 : memref<!tpu.dma_semaphore, #tpu.memory_space<semaphore_mem>>) src(%dma_wait3A_355 : memref<10000x112xf32, #tpu.memory_space<hbm>>) dst(%arg8 : memref<80x112xf32, #tpu.memory_space<vmem>>)
      %run_scoped3A_356 = arith.constant 0 : i32
      "tpu.region"() ({
        %run_scoped3A_436 = tpu.sem_alloc : memref<!tpu.dma_semaphore, #tpu.memory_space<semaphore_mem>>
        %dma_start3A_437 = arith.constant 0 : i32
        %dma_start3A_438 = tpu.memref_slice %arg6[%run_scoped3A_356, %add3A_347, %dma_start3A_437] : memref<2x25x80xi32, #tpu.memory_space<vmem>> -> memref<1x1x80xi32, #tpu.memory_space<vmem>>
        %dma_start3A_439 = tpu.memref_squeeze %dma_start3A_438 : memref<1x1x80xi32, #tpu.memory_space<vmem>> -> memref<80xi32, #tpu.memory_space<vmem>>
        %dma_start3A_440 = arith.constant 0 : i32
        %dma_start3A_441 = arith.constant 0 : i32
        %dma_start3A_442 = tpu.memref_slice %arg12[%dma_start3A_440, %dma_start3A_441] : memref<10112x112xf32, #tpu.memory_space<vmem_shared>> -> memref<10112x112xf32, #tpu.memory_space<vmem_shared>>
        tpu.enqueue_indirect_dma source(%arg8 : memref<80x112xf32, #tpu.memory_space<vmem>>) target(%dma_start3A_442 : memref<10112x112xf32, #tpu.memory_space<vmem_shared>>) offsets(%dma_start3A_439 : memref<80xi32, #tpu.memory_space<vmem>>) semaphore(%run_scoped3A_436 : memref<!tpu.dma_semaphore, #tpu.memory_space<semaphore_mem>>) {add = true}
        %dma_wait3A_443 = arith.constant 0 : i32
        %dma_wait3A_444 = tpu.memref_slice %arg6[%run_scoped3A_356, %add3A_347, %dma_wait3A_443] : memref<2x25x80xi32, #tpu.memory_space<vmem>> -> memref<1x1x80xi32, #tpu.memory_space<vmem>>
        %dma_wait3A_445 = tpu.memref_squeeze %dma_wait3A_444 : memref<1x1x80xi32, #tpu.memory_space<vmem>> -> memref<80xi32, #tpu.memory_space<vmem>>
        %dma_wait3A_446 = arith.constant 0 : i32
        %dma_wait3A_447 = arith.constant 0 : i32
        %dma_wait3A_448 = tpu.memref_slice %arg12[%dma_wait3A_446, %dma_wait3A_447] : memref<10112x112xf32, #tpu.memory_space<vmem_shared>> -> memref<10112x112xf32, #tpu.memory_space<vmem_shared>>
        tpu.wait_indirect_dma semaphore(%run_scoped3A_436 : memref<!tpu.dma_semaphore, #tpu.memory_space<semaphore_mem>>) src(%arg8 : memref<80x112xf32, #tpu.memory_space<vmem>>) dst(%dma_wait3A_448 : memref<10112x112xf32, #tpu.memory_space<vmem_shared>>)
        tpu.yield
      }) : () -> ()
      %add3A_357 = arith.constant 5 : i32
      %add3A_358 = arith.addi %add3A_349, %add3A_357 : i32
      %min3A_359 = arith.constant 124 : i32
      %min3A_360 = arith.minsi %add3A_358, %min3A_359 : i32
      %dma_start3A_361 = arith.constant 0 : i32
      %dma_start3A_362 = tpu.memref_slice %arg5[%min3A_360, %dma_start3A_361] : memref<125x80xi32, #tpu.memory_space<vmem>> -> memref<1x80xi32, #tpu.memory_space<vmem>>
      %dma_start3A_363 = tpu.memref_squeeze %dma_start3A_362 : memref<1x80xi32, #tpu.memory_space<vmem>> -> memref<80xi32, #tpu.memory_space<vmem>>
      %dma_start3A_364 = arith.constant 0 : i32
      %dma_start3A_365 = arith.constant 0 : i32
      %dma_start3A_366 = tpu.memref_slice %arg2[%dma_start3A_364, %dma_start3A_365] : memref<10000x112xf32, #tpu.memory_space<hbm>> -> memref<10000x112xf32, #tpu.memory_space<hbm>>
      tpu.enqueue_indirect_dma source(%dma_start3A_366 : memref<10000x112xf32, #tpu.memory_space<hbm>>) target(%arg8 : memref<80x112xf32, #tpu.memory_space<vmem>>) offsets(%dma_start3A_363 : memref<80xi32, #tpu.memory_space<vmem>>) semaphore(%arg14 : memref<!tpu.dma_semaphore, #tpu.memory_space<semaphore_mem>>)
      %mul3A_367 = arith.constant 5 : i32
      %mul3A_368 = arith.muli %mul3A_367, %scan3A_322 : i32
      %add3A_369 = arith.constant 2 : i32
      %add3A_370 = arith.addi %mul3A_368, %add3A_369 : i32
      %add3A_371 = arith.constant 0 : i32
      %add3A_372 = arith.addi %add3A_371, %add3A_370 : i32
      %dma_wait3A_373 = arith.constant 0 : i32
      %dma_wait3A_374 = tpu.memref_slice %arg5[%add3A_372, %dma_wait3A_373] : memref<125x80xi32, #tpu.memory_space<vmem>> -> memref<1x80xi32, #tpu.memory_space<vmem>>
      %dma_wait3A_375 = tpu.memref_squeeze %dma_wait3A_374 : memref<1x80xi32, #tpu.memory_space<vmem>> -> memref<80xi32, #tpu.memory_space<vmem>>
      %dma_wait3A_376 = arith.constant 0 : i32
      %dma_wait3A_377 = arith.constant 0 : i32
      %dma_wait3A_378 = tpu.memref_slice %arg2[%dma_wait3A_376, %dma_wait3A_377] : memref<10000x112xf32, #tpu.memory_space<hbm>> -> memref<10000x112xf32, #tpu.memory_space<hbm>>
      tpu.wait_indirect_dma semaphore(%arg15 : memref<!tpu.dma_semaphore, #tpu.memory_space<semaphore_mem>>) src(%dma_wait3A_378 : memref<10000x112xf32, #tpu.memory_space<hbm>>) dst(%arg9 : memref<80x112xf32, #tpu.memory_space<vmem>>)
      %run_scoped3A_379 = arith.constant 0 : i32
      "tpu.region"() ({
        %run_scoped3A_436 = tpu.sem_alloc : memref<!tpu.dma_semaphore, #tpu.memory_space<semaphore_mem>>
        %dma_start3A_437 = arith.constant 0 : i32
        %dma_start3A_438 = tpu.memref_slice %arg6[%run_scoped3A_379, %add3A_370, %dma_start3A_437] : memref<2x25x80xi32, #tpu.memory_space<vmem>> -> memref<1x1x80xi32, #tpu.memory_space<vmem>>
        %dma_start3A_439 = tpu.memref_squeeze %dma_start3A_438 : memref<1x1x80xi32, #tpu.memory_space<vmem>> -> memref<80xi32, #tpu.memory_space<vmem>>
        %dma_start3A_440 = arith.constant 0 : i32
        %dma_start3A_441 = arith.constant 0 : i32
        %dma_start3A_442 = tpu.memref_slice %arg12[%dma_start3A_440, %dma_start3A_441] : memref<10112x112xf32, #tpu.memory_space<vmem_shared>> -> memref<10112x112xf32, #tpu.memory_space<vmem_shared>>
        tpu.enqueue_indirect_dma source(%arg9 : memref<80x112xf32, #tpu.memory_space<vmem>>) target(%dma_start3A_442 : memref<10112x112xf32, #tpu.memory_space<vmem_shared>>) offsets(%dma_start3A_439 : memref<80xi32, #tpu.memory_space<vmem>>) semaphore(%run_scoped3A_436 : memref<!tpu.dma_semaphore, #tpu.memory_space<semaphore_mem>>) {add = true}
        %dma_wait3A_443 = arith.constant 0 : i32
        %dma_wait3A_444 = tpu.memref_slice %arg6[%run_scoped3A_379, %add3A_370, %dma_wait3A_443] : memref<2x25x80xi32, #tpu.memory_space<vmem>> -> memref<1x1x80xi32, #tpu.memory_space<vmem>>
        %dma_wait3A_445 = tpu.memref_squeeze %dma_wait3A_444 : memref<1x1x80xi32, #tpu.memory_space<vmem>> -> memref<80xi32, #tpu.memory_space<vmem>>
        %dma_wait3A_446 = arith.constant 0 : i32
        %dma_wait3A_447 = arith.constant 0 : i32
        %dma_wait3A_448 = tpu.memref_slice %arg12[%dma_wait3A_446, %dma_wait3A_447] : memref<10112x112xf32, #tpu.memory_space<vmem_shared>> -> memref<10112x112xf32, #tpu.memory_space<vmem_shared>>
        tpu.wait_indirect_dma semaphore(%run_scoped3A_436 : memref<!tpu.dma_semaphore, #tpu.memory_space<semaphore_mem>>) src(%arg9 : memref<80x112xf32, #tpu.memory_space<vmem>>) dst(%dma_wait3A_448 : memref<10112x112xf32, #tpu.memory_space<vmem_shared>>)
        tpu.yield
      }) : () -> ()
      %add3A_380 = arith.constant 5 : i32
      %add3A_381 = arith.addi %add3A_372, %add3A_380 : i32
      %min3A_382 = arith.constant 124 : i32
      %min3A_383 = arith.minsi %add3A_381, %min3A_382 : i32
      %dma_start3A_384 = arith.constant 0 : i32
      %dma_start3A_385 = tpu.memref_slice %arg5[%min3A_383, %dma_start3A_384] : memref<125x80xi32, #tpu.memory_space<vmem>> -> memref<1x80xi32, #tpu.memory_space<vmem>>
      %dma_start3A_386 = tpu.memref_squeeze %dma_start3A_385 : memref<1x80xi32, #tpu.memory_space<vmem>> -> memref<80xi32, #tpu.memory_space<vmem>>
      %dma_start3A_387 = arith.constant 0 : i32
      %dma_start3A_388 = arith.constant 0 : i32
      %dma_start3A_389 = tpu.memref_slice %arg2[%dma_start3A_387, %dma_start3A_388] : memref<10000x112xf32, #tpu.memory_space<hbm>> -> memref<10000x112xf32, #tpu.memory_space<hbm>>
      tpu.enqueue_indirect_dma source(%dma_start3A_389 : memref<10000x112xf32, #tpu.memory_space<hbm>>) target(%arg9 : memref<80x112xf32, #tpu.memory_space<vmem>>) offsets(%dma_start3A_386 : memref<80xi32, #tpu.memory_space<vmem>>) semaphore(%arg15 : memref<!tpu.dma_semaphore, #tpu.memory_space<semaphore_mem>>)
      %mul3A_390 = arith.constant 5 : i32
      %mul3A_391 = arith.muli %mul3A_390, %scan3A_322 : i32
      %add3A_392 = arith.constant 3 : i32
      %add3A_393 = arith.addi %mul3A_391, %add3A_392 : i32
      %add3A_394 = arith.constant 0 : i32
      %add3A_395 = arith.addi %add3A_394, %add3A_393 : i32
      %dma_wait3A_396 = arith.constant 0 : i32
      %dma_wait3A_397 = tpu.memref_slice %arg5[%add3A_395, %dma_wait3A_396] : memref<125x80xi32, #tpu.memory_space<vmem>> -> memref<1x80xi32, #tpu.memory_space<vmem>>
      %dma_wait3A_398 = tpu.memref_squeeze %dma_wait3A_397 : memref<1x80xi32, #tpu.memory_space<vmem>> -> memref<80xi32, #tpu.memory_space<vmem>>
      %dma_wait3A_399 = arith.constant 0 : i32
      %dma_wait3A_400 = arith.constant 0 : i32
      %dma_wait3A_401 = tpu.memref_slice %arg2[%dma_wait3A_399, %dma_wait3A_400] : memref<10000x112xf32, #tpu.memory_space<hbm>> -> memref<10000x112xf32, #tpu.memory_space<hbm>>
      tpu.wait_indirect_dma semaphore(%arg16 : memref<!tpu.dma_semaphore, #tpu.memory_space<semaphore_mem>>) src(%dma_wait3A_401 : memref<10000x112xf32, #tpu.memory_space<hbm>>) dst(%arg10 : memref<80x112xf32, #tpu.memory_space<vmem>>)
      %run_scoped3A_402 = arith.constant 0 : i32
      "tpu.region"() ({
        %run_scoped3A_436 = tpu.sem_alloc : memref<!tpu.dma_semaphore, #tpu.memory_space<semaphore_mem>>
        %dma_start3A_437 = arith.constant 0 : i32
        %dma_start3A_438 = tpu.memref_slice %arg6[%run_scoped3A_402, %add3A_393, %dma_start3A_437] : memref<2x25x80xi32, #tpu.memory_space<vmem>> -> memref<1x1x80xi32, #tpu.memory_space<vmem>>
        %dma_start3A_439 = tpu.memref_squeeze %dma_start3A_438 : memref<1x1x80xi32, #tpu.memory_space<vmem>> -> memref<80xi32, #tpu.memory_space<vmem>>
        %dma_start3A_440 = arith.constant 0 : i32
        %dma_start3A_441 = arith.constant 0 : i32
        %dma_start3A_442 = tpu.memref_slice %arg12[%dma_start3A_440, %dma_start3A_441] : memref<10112x112xf32, #tpu.memory_space<vmem_shared>> -> memref<10112x112xf32, #tpu.memory_space<vmem_shared>>
        tpu.enqueue_indirect_dma source(%arg10 : memref<80x112xf32, #tpu.memory_space<vmem>>) target(%dma_start3A_442 : memref<10112x112xf32, #tpu.memory_space<vmem_shared>>) offsets(%dma_start3A_439 : memref<80xi32, #tpu.memory_space<vmem>>) semaphore(%run_scoped3A_436 : memref<!tpu.dma_semaphore, #tpu.memory_space<semaphore_mem>>) {add = true}
        %dma_wait3A_443 = arith.constant 0 : i32
        %dma_wait3A_444 = tpu.memref_slice %arg6[%run_scoped3A_402, %add3A_393, %dma_wait3A_443] : memref<2x25x80xi32, #tpu.memory_space<vmem>> -> memref<1x1x80xi32, #tpu.memory_space<vmem>>
        %dma_wait3A_445 = tpu.memref_squeeze %dma_wait3A_444 : memref<1x1x80xi32, #tpu.memory_space<vmem>> -> memref<80xi32, #tpu.memory_space<vmem>>
        %dma_wait3A_446 = arith.constant 0 : i32
        %dma_wait3A_447 = arith.constant 0 : i32
        %dma_wait3A_448 = tpu.memref_slice %arg12[%dma_wait3A_446, %dma_wait3A_447] : memref<10112x112xf32, #tpu.memory_space<vmem_shared>> -> memref<10112x112xf32, #tpu.memory_space<vmem_shared>>
        tpu.wait_indirect_dma semaphore(%run_scoped3A_436 : memref<!tpu.dma_semaphore, #tpu.memory_space<semaphore_mem>>) src(%arg10 : memref<80x112xf32, #tpu.memory_space<vmem>>) dst(%dma_wait3A_448 : memref<10112x112xf32, #tpu.memory_space<vmem_shared>>)
        tpu.yield
      }) : () -> ()
      %add3A_403 = arith.constant 5 : i32
      %add3A_404 = arith.addi %add3A_395, %add3A_403 : i32
      %min3A_405 = arith.constant 124 : i32
      %min3A_406 = arith.minsi %add3A_404, %min3A_405 : i32
      %dma_start3A_407 = arith.constant 0 : i32
      %dma_start3A_408 = tpu.memref_slice %arg5[%min3A_406, %dma_start3A_407] : memref<125x80xi32, #tpu.memory_space<vmem>> -> memref<1x80xi32, #tpu.memory_space<vmem>>
      %dma_start3A_409 = tpu.memref_squeeze %dma_start3A_408 : memref<1x80xi32, #tpu.memory_space<vmem>> -> memref<80xi32, #tpu.memory_space<vmem>>
      %dma_start3A_410 = arith.constant 0 : i32
      %dma_start3A_411 = arith.constant 0 : i32
      %dma_start3A_412 = tpu.memref_slice %arg2[%dma_start3A_410, %dma_start3A_411] : memref<10000x112xf32, #tpu.memory_space<hbm>> -> memref<10000x112xf32, #tpu.memory_space<hbm>>
      tpu.enqueue_indirect_dma source(%dma_start3A_412 : memref<10000x112xf32, #tpu.memory_space<hbm>>) target(%arg10 : memref<80x112xf32, #tpu.memory_space<vmem>>) offsets(%dma_start3A_409 : memref<80xi32, #tpu.memory_space<vmem>>) semaphore(%arg16 : memref<!tpu.dma_semaphore, #tpu.memory_space<semaphore_mem>>)
      %mul3A_413 = arith.constant 5 : i32
      %mul3A_414 = arith.muli %mul3A_413, %scan3A_322 : i32
      %add3A_415 = arith.constant 4 : i32
      %add3A_416 = arith.addi %mul3A_414, %add3A_415 : i32
      %add3A_417 = arith.constant 0 : i32
      %add3A_418 = arith.addi %add3A_417, %add3A_416 : i32
      %dma_wait3A_419 = arith.constant 0 : i32
      %dma_wait3A_420 = tpu.memref_slice %arg5[%add3A_418, %dma_wait3A_419] : memref<125x80xi32, #tpu.memory_space<vmem>> -> memref<1x80xi32, #tpu.memory_space<vmem>>
      %dma_wait3A_421 = tpu.memref_squeeze %dma_wait3A_420 : memref<1x80xi32, #tpu.memory_space<vmem>> -> memref<80xi32, #tpu.memory_space<vmem>>
      %dma_wait3A_422 = arith.constant 0 : i32
      %dma_wait3A_423 = arith.constant 0 : i32
      %dma_wait3A_424 = tpu.memref_slice %arg2[%dma_wait3A_422, %dma_wait3A_423] : memref<10000x112xf32, #tpu.memory_space<hbm>> -> memref<10000x112xf32, #tpu.memory_space<hbm>>
      tpu.wait_indirect_dma semaphore(%arg17 : memref<!tpu.dma_semaphore, #tpu.memory_space<semaphore_mem>>) src(%dma_wait3A_424 : memref<10000x112xf32, #tpu.memory_space<hbm>>) dst(%arg11 : memref<80x112xf32, #tpu.memory_space<vmem>>)
      %run_scoped3A_425 = arith.constant 0 : i32
      "tpu.region"() ({
        %run_scoped3A_436 = tpu.sem_alloc : memref<!tpu.dma_semaphore, #tpu.memory_space<semaphore_mem>>
        %dma_start3A_437 = arith.constant 0 : i32
        %dma_start3A_438 = tpu.memref_slice %arg6[%run_scoped3A_425, %add3A_416, %dma_start3A_437] : memref<2x25x80xi32, #tpu.memory_space<vmem>> -> memref<1x1x80xi32, #tpu.memory_space<vmem>>
        %dma_start3A_439 = tpu.memref_squeeze %dma_start3A_438 : memref<1x1x80xi32, #tpu.memory_space<vmem>> -> memref<80xi32, #tpu.memory_space<vmem>>
        %dma_start3A_440 = arith.constant 0 : i32
        %dma_start3A_441 = arith.constant 0 : i32
        %dma_start3A_442 = tpu.memref_slice %arg12[%dma_start3A_440, %dma_start3A_441] : memref<10112x112xf32, #tpu.memory_space<vmem_shared>> -> memref<10112x112xf32, #tpu.memory_space<vmem_shared>>
        tpu.enqueue_indirect_dma source(%arg11 : memref<80x112xf32, #tpu.memory_space<vmem>>) target(%dma_start3A_442 : memref<10112x112xf32, #tpu.memory_space<vmem_shared>>) offsets(%dma_start3A_439 : memref<80xi32, #tpu.memory_space<vmem>>) semaphore(%run_scoped3A_436 : memref<!tpu.dma_semaphore, #tpu.memory_space<semaphore_mem>>) {add = true}
        %dma_wait3A_443 = arith.constant 0 : i32
        %dma_wait3A_444 = tpu.memref_slice %arg6[%run_scoped3A_425, %add3A_416, %dma_wait3A_443] : memref<2x25x80xi32, #tpu.memory_space<vmem>> -> memref<1x1x80xi32, #tpu.memory_space<vmem>>
        %dma_wait3A_445 = tpu.memref_squeeze %dma_wait3A_444 : memref<1x1x80xi32, #tpu.memory_space<vmem>> -> memref<80xi32, #tpu.memory_space<vmem>>
        %dma_wait3A_446 = arith.constant 0 : i32
        %dma_wait3A_447 = arith.constant 0 : i32
        %dma_wait3A_448 = tpu.memref_slice %arg12[%dma_wait3A_446, %dma_wait3A_447] : memref<10112x112xf32, #tpu.memory_space<vmem_shared>> -> memref<10112x112xf32, #tpu.memory_space<vmem_shared>>
        tpu.wait_indirect_dma semaphore(%run_scoped3A_436 : memref<!tpu.dma_semaphore, #tpu.memory_space<semaphore_mem>>) src(%arg11 : memref<80x112xf32, #tpu.memory_space<vmem>>) dst(%dma_wait3A_448 : memref<10112x112xf32, #tpu.memory_space<vmem_shared>>)
        tpu.yield
      }) : () -> ()
      %add3A_426 = arith.constant 5 : i32
      %add3A_427 = arith.addi %add3A_418, %add3A_426 : i32
      %min3A_428 = arith.constant 124 : i32
      %min3A_429 = arith.minsi %add3A_427, %min3A_428 : i32
      %dma_start3A_430 = arith.constant 0 : i32
      %dma_start3A_431 = tpu.memref_slice %arg5[%min3A_429, %dma_start3A_430] : memref<125x80xi32, #tpu.memory_space<vmem>> -> memref<1x80xi32, #tpu.memory_space<vmem>>
      %dma_start3A_432 = tpu.memref_squeeze %dma_start3A_431 : memref<1x80xi32, #tpu.memory_space<vmem>> -> memref<80xi32, #tpu.memory_space<vmem>>
      %dma_start3A_433 = arith.constant 0 : i32
      %dma_start3A_434 = arith.constant 0 : i32
      %dma_start3A_435 = tpu.memref_slice %arg2[%dma_start3A_433, %dma_start3A_434] : memref<10000x112xf32, #tpu.memory_space<hbm>> -> memref<10000x112xf32, #tpu.memory_space<hbm>>
      tpu.enqueue_indirect_dma source(%dma_start3A_435 : memref<10000x112xf32, #tpu.memory_space<hbm>>) target(%arg11 : memref<80x112xf32, #tpu.memory_space<vmem>>) offsets(%dma_start3A_432 : memref<80xi32, #tpu.memory_space<vmem>>) semaphore(%arg17 : memref<!tpu.dma_semaphore, #tpu.memory_space<semaphore_mem>>)
    }
    %scan3A_135 = arith.constant 5 : i32
    %dma_start3A_136 = arith.constant 1 : i32
    %dma_start3A_137 = arith.constant 0 : i32
    %dma_start3A_138 = arith.constant 0 : i32
    %dma_start3A_139 = arith.constant 0 : i32
    %dma_start3A_140 = tpu.memref_slice %arg6[%dma_start3A_137, %dma_start3A_138, %dma_start3A_139] : memref<2x25x80xi32, #tpu.memory_space<vmem>> -> memref<1x25x80xi32, #tpu.memory_space<vmem>>
    %dma_start3A_141 = tpu.memref_squeeze %dma_start3A_140 : memref<1x25x80xi32, #tpu.memory_space<vmem>> -> memref<25x80xi32, #tpu.memory_space<vmem>>
    %dma_start3A_142 = arith.constant 50 : i32
    %dma_start3A_143 = arith.constant 0 : i32
    %dma_start3A_144 = tpu.memref_slice %arg3[%dma_start3A_136, %add3A, %dma_start3A_142, %dma_start3A_143] : memref<2x32x125x80xi32, #tpu.memory_space<hbm>> -> memref<1x1x25x80xi32, #tpu.memory_space<hbm>>
    %dma_start3A_145 = tpu.memref_squeeze %dma_start3A_144 : memref<1x1x25x80xi32, #tpu.memory_space<hbm>> -> memref<25x80xi32, #tpu.memory_space<hbm>>
    %dma_start3A_146 = arith.constant 0 : i32
    %dma_start3A_147 = arith.constant 0 : i32
    %dma_start3A_148 = tpu.memref_slice %arg6[%dma_start3A_137, %dma_start3A_146, %dma_start3A_147] : memref<2x25x80xi32, #tpu.memory_space<vmem>> -> memref<1x25x80xi32, #tpu.memory_space<vmem>>
    %dma_start3A_149 = tpu.memref_squeeze %dma_start3A_148 : memref<1x25x80xi32, #tpu.memory_space<vmem>> -> memref<25x80xi32, #tpu.memory_space<vmem>>
    %dma_start3A_150 = arith.constant 50 : i32
    %dma_start3A_151 = arith.constant 0 : i32
    %dma_start3A_152 = tpu.memref_slice %arg3[%dma_start3A_136, %add3A, %dma_start3A_150, %dma_start3A_151] : memref<2x32x125x80xi32, #tpu.memory_space<hbm>> -> memref<1x1x25x80xi32, #tpu.memory_space<hbm>>
    %dma_start3A_153 = tpu.memref_squeeze %dma_start3A_152 : memref<1x1x25x80xi32, #tpu.memory_space<hbm>> -> memref<25x80xi32, #tpu.memory_space<hbm>>
    tpu.enqueue_dma source(%dma_start3A_153 : memref<25x80xi32, #tpu.memory_space<hbm>>) target(%dma_start3A_149 : memref<25x80xi32, #tpu.memory_space<vmem>>) target_semaphore(%arg19 : memref<!tpu.dma_semaphore, #tpu.memory_space<semaphore_mem>>)
    %dma_wait3A_154 = arith.constant 1 : i32
    %dma_wait3A_155 = arith.constant 1 : i32
    %dma_wait3A_156 = arith.constant 0 : i32
    %dma_wait3A_157 = arith.constant 0 : i32
    %dma_wait3A_158 = tpu.memref_slice %arg6[%dma_wait3A_155, %dma_wait3A_156, %dma_wait3A_157] : memref<2x25x80xi32, #tpu.memory_space<vmem>> -> memref<1x25x80xi32, #tpu.memory_space<vmem>>
    %dma_wait3A_159 = tpu.memref_squeeze %dma_wait3A_158 : memref<1x25x80xi32, #tpu.memory_space<vmem>> -> memref<25x80xi32, #tpu.memory_space<vmem>>
    %dma_wait3A_160 = arith.constant 25 : i32
    %dma_wait3A_161 = arith.constant 0 : i32
    %dma_wait3A_162 = tpu.memref_slice %arg3[%dma_wait3A_154, %add3A, %dma_wait3A_160, %dma_wait3A_161] : memref<2x32x125x80xi32, #tpu.memory_space<hbm>> -> memref<1x1x25x80xi32, #tpu.memory_space<hbm>>
    %dma_wait3A_163 = tpu.memref_squeeze %dma_wait3A_162 : memref<1x1x25x80xi32, #tpu.memory_space<hbm>> -> memref<25x80xi32, #tpu.memory_space<hbm>>
    %dma_wait3A_164 = arith.constant 0 : i32
    %dma_wait3A_165 = arith.constant 0 : i32
    %dma_wait3A_166 = tpu.memref_slice %arg6[%dma_wait3A_155, %dma_wait3A_164, %dma_wait3A_165] : memref<2x25x80xi32, #tpu.memory_space<vmem>> -> memref<1x25x80xi32, #tpu.memory_space<vmem>>
    %dma_wait3A_167 = tpu.memref_squeeze %dma_wait3A_166 : memref<1x25x80xi32, #tpu.memory_space<vmem>> -> memref<25x80xi32, #tpu.memory_space<vmem>>
    %dma_wait3A_168 = arith.constant 25 : i32
    %dma_wait3A_169 = arith.constant 0 : i32
    %dma_wait3A_170 = tpu.memref_slice %arg3[%dma_wait3A_154, %add3A, %dma_wait3A_168, %dma_wait3A_169] : memref<2x32x125x80xi32, #tpu.memory_space<hbm>> -> memref<1x1x25x80xi32, #tpu.memory_space<hbm>>
    %dma_wait3A_171 = tpu.memref_squeeze %dma_wait3A_170 : memref<1x1x25x80xi32, #tpu.memory_space<hbm>> -> memref<25x80xi32, #tpu.memory_space<hbm>>
    tpu.wait_dma2 semaphore(%arg20 : memref<!tpu.dma_semaphore, #tpu.memory_space<semaphore_mem>>) src(%dma_wait3A_171 : memref<25x80xi32, #tpu.memory_space<hbm>>) dst(%dma_wait3A_167 : memref<25x80xi32, #tpu.memory_space<vmem>>)
    %scan3A_172 = arith.constant 0 : i32
    %scan3A_173 = arith.constant 0 : i32
    %scan3A_174 = arith.constant 5 : i32
    %scan3A_175 = arith.addi %scan3A_173, %scan3A_174 : i32
    %scan3A_176 = arith.constant 1 : i32
    scf.for %scan3A_322 = %scan3A_173 to %scan3A_175 step %scan3A_176  : i32 {
      %mul3A_323 = arith.constant 5 : i32
      %mul3A_324 = arith.muli %mul3A_323, %scan3A_322 : i32
      %add3A_325 = arith.constant 0 : i32
      %add3A_326 = arith.addi %mul3A_324, %add3A_325 : i32
      %add3A_327 = arith.constant 25 : i32
      %add3A_328 = arith.addi %add3A_327, %add3A_326 : i32
      %dma_wait3A_329 = arith.constant 0 : i32
      %dma_wait3A_330 = tpu.memref_slice %arg5[%add3A_328, %dma_wait3A_329] : memref<125x80xi32, #tpu.memory_space<vmem>> -> memref<1x80xi32, #tpu.memory_space<vmem>>
      %dma_wait3A_331 = tpu.memref_squeeze %dma_wait3A_330 : memref<1x80xi32, #tpu.memory_space<vmem>> -> memref<80xi32, #tpu.memory_space<vmem>>
      %dma_wait3A_332 = arith.constant 0 : i32
      %dma_wait3A_333 = arith.constant 0 : i32
      %dma_wait3A_334 = tpu.memref_slice %arg2[%dma_wait3A_332, %dma_wait3A_333] : memref<10000x112xf32, #tpu.memory_space<hbm>> -> memref<10000x112xf32, #tpu.memory_space<hbm>>
      tpu.wait_indirect_dma semaphore(%arg13 : memref<!tpu.dma_semaphore, #tpu.memory_space<semaphore_mem>>) src(%dma_wait3A_334 : memref<10000x112xf32, #tpu.memory_space<hbm>>) dst(%arg7 : memref<80x112xf32, #tpu.memory_space<vmem>>)
      %run_scoped3A = arith.constant 1 : i32
      "tpu.region"() ({
        %run_scoped3A_436 = tpu.sem_alloc : memref<!tpu.dma_semaphore, #tpu.memory_space<semaphore_mem>>
        %dma_start3A_437 = arith.constant 0 : i32
        %dma_start3A_438 = tpu.memref_slice %arg6[%run_scoped3A, %add3A_326, %dma_start3A_437] : memref<2x25x80xi32, #tpu.memory_space<vmem>> -> memref<1x1x80xi32, #tpu.memory_space<vmem>>
        %dma_start3A_439 = tpu.memref_squeeze %dma_start3A_438 : memref<1x1x80xi32, #tpu.memory_space<vmem>> -> memref<80xi32, #tpu.memory_space<vmem>>
        %dma_start3A_440 = arith.constant 0 : i32
        %dma_start3A_441 = arith.constant 0 : i32
        %dma_start3A_442 = tpu.memref_slice %arg12[%dma_start3A_440, %dma_start3A_441] : memref<10112x112xf32, #tpu.memory_space<vmem_shared>> -> memref<10112x112xf32, #tpu.memory_space<vmem_shared>>
        tpu.enqueue_indirect_dma source(%arg7 : memref<80x112xf32, #tpu.memory_space<vmem>>) target(%dma_start3A_442 : memref<10112x112xf32, #tpu.memory_space<vmem_shared>>) offsets(%dma_start3A_439 : memref<80xi32, #tpu.memory_space<vmem>>) semaphore(%run_scoped3A_436 : memref<!tpu.dma_semaphore, #tpu.memory_space<semaphore_mem>>) {add = true}
        %dma_wait3A_443 = arith.constant 0 : i32
        %dma_wait3A_444 = tpu.memref_slice %arg6[%run_scoped3A, %add3A_326, %dma_wait3A_443] : memref<2x25x80xi32, #tpu.memory_space<vmem>> -> memref<1x1x80xi32, #tpu.memory_space<vmem>>
        %dma_wait3A_445 = tpu.memref_squeeze %dma_wait3A_444 : memref<1x1x80xi32, #tpu.memory_space<vmem>> -> memref<80xi32, #tpu.memory_space<vmem>>
        %dma_wait3A_446 = arith.constant 0 : i32
        %dma_wait3A_447 = arith.constant 0 : i32
        %dma_wait3A_448 = tpu.memref_slice %arg12[%dma_wait3A_446, %dma_wait3A_447] : memref<10112x112xf32, #tpu.memory_space<vmem_shared>> -> memref<10112x112xf32, #tpu.memory_space<vmem_shared>>
        tpu.wait_indirect_dma semaphore(%run_scoped3A_436 : memref<!tpu.dma_semaphore, #tpu.memory_space<semaphore_mem>>) src(%arg7 : memref<80x112xf32, #tpu.memory_space<vmem>>) dst(%dma_wait3A_448 : memref<10112x112xf32, #tpu.memory_space<vmem_shared>>)
        tpu.yield
      }) : () -> ()
      %add3A_335 = arith.constant 5 : i32
      %add3A_336 = arith.addi %add3A_328, %add3A_335 : i32
      %min3A = arith.constant 124 : i32
      %min3A_337 = arith.minsi %add3A_336, %min3A : i32
      %dma_start3A_338 = arith.constant 0 : i32
      %dma_start3A_339 = tpu.memref_slice %arg5[%min3A_337, %dma_start3A_338] : memref<125x80xi32, #tpu.memory_space<vmem>> -> memref<1x80xi32, #tpu.memory_space<vmem>>
      %dma_start3A_340 = tpu.memref_squeeze %dma_start3A_339 : memref<1x80xi32, #tpu.memory_space<vmem>> -> memref<80xi32, #tpu.memory_space<vmem>>
      %dma_start3A_341 = arith.constant 0 : i32
      %dma_start3A_342 = arith.constant 0 : i32
      %dma_start3A_343 = tpu.memref_slice %arg2[%dma_start3A_341, %dma_start3A_342] : memref<10000x112xf32, #tpu.memory_space<hbm>> -> memref<10000x112xf32, #tpu.memory_space<hbm>>
      tpu.enqueue_indirect_dma source(%dma_start3A_343 : memref<10000x112xf32, #tpu.memory_space<hbm>>) target(%arg7 : memref<80x112xf32, #tpu.memory_space<vmem>>) offsets(%dma_start3A_340 : memref<80xi32, #tpu.memory_space<vmem>>) semaphore(%arg13 : memref<!tpu.dma_semaphore, #tpu.memory_space<semaphore_mem>>)
      %mul3A_344 = arith.constant 5 : i32
      %mul3A_345 = arith.muli %mul3A_344, %scan3A_322 : i32
      %add3A_346 = arith.constant 1 : i32
      %add3A_347 = arith.addi %mul3A_345, %add3A_346 : i32
      %add3A_348 = arith.constant 25 : i32
      %add3A_349 = arith.addi %add3A_348, %add3A_347 : i32
      %dma_wait3A_350 = arith.constant 0 : i32
      %dma_wait3A_351 = tpu.memref_slice %arg5[%add3A_349, %dma_wait3A_350] : memref<125x80xi32, #tpu.memory_space<vmem>> -> memref<1x80xi32, #tpu.memory_space<vmem>>
      %dma_wait3A_352 = tpu.memref_squeeze %dma_wait3A_351 : memref<1x80xi32, #tpu.memory_space<vmem>> -> memref<80xi32, #tpu.memory_space<vmem>>
      %dma_wait3A_353 = arith.constant 0 : i32
      %dma_wait3A_354 = arith.constant 0 : i32
      %dma_wait3A_355 = tpu.memref_slice %arg2[%dma_wait3A_353, %dma_wait3A_354] : memref<10000x112xf32, #tpu.memory_space<hbm>> -> memref<10000x112xf32, #tpu.memory_space<hbm>>
      tpu.wait_indirect_dma semaphore(%arg14 : memref<!tpu.dma_semaphore, #tpu.memory_space<semaphore_mem>>) src(%dma_wait3A_355 : memref<10000x112xf32, #tpu.memory_space<hbm>>) dst(%arg8 : memref<80x112xf32, #tpu.memory_space<vmem>>)
      %run_scoped3A_356 = arith.constant 1 : i32
      "tpu.region"() ({
        %run_scoped3A_436 = tpu.sem_alloc : memref<!tpu.dma_semaphore, #tpu.memory_space<semaphore_mem>>
        %dma_start3A_437 = arith.constant 0 : i32
        %dma_start3A_438 = tpu.memref_slice %arg6[%run_scoped3A_356, %add3A_347, %dma_start3A_437] : memref<2x25x80xi32, #tpu.memory_space<vmem>> -> memref<1x1x80xi32, #tpu.memory_space<vmem>>
        %dma_start3A_439 = tpu.memref_squeeze %dma_start3A_438 : memref<1x1x80xi32, #tpu.memory_space<vmem>> -> memref<80xi32, #tpu.memory_space<vmem>>
        %dma_start3A_440 = arith.constant 0 : i32
        %dma_start3A_441 = arith.constant 0 : i32
        %dma_start3A_442 = tpu.memref_slice %arg12[%dma_start3A_440, %dma_start3A_441] : memref<10112x112xf32, #tpu.memory_space<vmem_shared>> -> memref<10112x112xf32, #tpu.memory_space<vmem_shared>>
        tpu.enqueue_indirect_dma source(%arg8 : memref<80x112xf32, #tpu.memory_space<vmem>>) target(%dma_start3A_442 : memref<10112x112xf32, #tpu.memory_space<vmem_shared>>) offsets(%dma_start3A_439 : memref<80xi32, #tpu.memory_space<vmem>>) semaphore(%run_scoped3A_436 : memref<!tpu.dma_semaphore, #tpu.memory_space<semaphore_mem>>) {add = true}
        %dma_wait3A_443 = arith.constant 0 : i32
        %dma_wait3A_444 = tpu.memref_slice %arg6[%run_scoped3A_356, %add3A_347, %dma_wait3A_443] : memref<2x25x80xi32, #tpu.memory_space<vmem>> -> memref<1x1x80xi32, #tpu.memory_space<vmem>>
        %dma_wait3A_445 = tpu.memref_squeeze %dma_wait3A_444 : memref<1x1x80xi32, #tpu.memory_space<vmem>> -> memref<80xi32, #tpu.memory_space<vmem>>
        %dma_wait3A_446 = arith.constant 0 : i32
        %dma_wait3A_447 = arith.constant 0 : i32
        %dma_wait3A_448 = tpu.memref_slice %arg12[%dma_wait3A_446, %dma_wait3A_447] : memref<10112x112xf32, #tpu.memory_space<vmem_shared>> -> memref<10112x112xf32, #tpu.memory_space<vmem_shared>>
        tpu.wait_indirect_dma semaphore(%run_scoped3A_436 : memref<!tpu.dma_semaphore, #tpu.memory_space<semaphore_mem>>) src(%arg8 : memref<80x112xf32, #tpu.memory_space<vmem>>) dst(%dma_wait3A_448 : memref<10112x112xf32, #tpu.memory_space<vmem_shared>>)
        tpu.yield
      }) : () -> ()
      %add3A_357 = arith.constant 5 : i32
      %add3A_358 = arith.addi %add3A_349, %add3A_357 : i32
      %min3A_359 = arith.constant 124 : i32
      %min3A_360 = arith.minsi %add3A_358, %min3A_359 : i32
      %dma_start3A_361 = arith.constant 0 : i32
      %dma_start3A_362 = tpu.memref_slice %arg5[%min3A_360, %dma_start3A_361] : memref<125x80xi32, #tpu.memory_space<vmem>> -> memref<1x80xi32, #tpu.memory_space<vmem>>
      %dma_start3A_363 = tpu.memref_squeeze %dma_start3A_362 : memref<1x80xi32, #tpu.memory_space<vmem>> -> memref<80xi32, #tpu.memory_space<vmem>>
      %dma_start3A_364 = arith.constant 0 : i32
      %dma_start3A_365 = arith.constant 0 : i32
      %dma_start3A_366 = tpu.memref_slice %arg2[%dma_start3A_364, %dma_start3A_365] : memref<10000x112xf32, #tpu.memory_space<hbm>> -> memref<10000x112xf32, #tpu.memory_space<hbm>>
      tpu.enqueue_indirect_dma source(%dma_start3A_366 : memref<10000x112xf32, #tpu.memory_space<hbm>>) target(%arg8 : memref<80x112xf32, #tpu.memory_space<vmem>>) offsets(%dma_start3A_363 : memref<80xi32, #tpu.memory_space<vmem>>) semaphore(%arg14 : memref<!tpu.dma_semaphore, #tpu.memory_space<semaphore_mem>>)
      %mul3A_367 = arith.constant 5 : i32
      %mul3A_368 = arith.muli %mul3A_367, %scan3A_322 : i32
      %add3A_369 = arith.constant 2 : i32
      %add3A_370 = arith.addi %mul3A_368, %add3A_369 : i32
      %add3A_371 = arith.constant 25 : i32
      %add3A_372 = arith.addi %add3A_371, %add3A_370 : i32
      %dma_wait3A_373 = arith.constant 0 : i32
      %dma_wait3A_374 = tpu.memref_slice %arg5[%add3A_372, %dma_wait3A_373] : memref<125x80xi32, #tpu.memory_space<vmem>> -> memref<1x80xi32, #tpu.memory_space<vmem>>
      %dma_wait3A_375 = tpu.memref_squeeze %dma_wait3A_374 : memref<1x80xi32, #tpu.memory_space<vmem>> -> memref<80xi32, #tpu.memory_space<vmem>>
      %dma_wait3A_376 = arith.constant 0 : i32
      %dma_wait3A_377 = arith.constant 0 : i32
      %dma_wait3A_378 = tpu.memref_slice %arg2[%dma_wait3A_376, %dma_wait3A_377] : memref<10000x112xf32, #tpu.memory_space<hbm>> -> memref<10000x112xf32, #tpu.memory_space<hbm>>
      tpu.wait_indirect_dma semaphore(%arg15 : memref<!tpu.dma_semaphore, #tpu.memory_space<semaphore_mem>>) src(%dma_wait3A_378 : memref<10000x112xf32, #tpu.memory_space<hbm>>) dst(%arg9 : memref<80x112xf32, #tpu.memory_space<vmem>>)
      %run_scoped3A_379 = arith.constant 1 : i32
      "tpu.region"() ({
        %run_scoped3A_436 = tpu.sem_alloc : memref<!tpu.dma_semaphore, #tpu.memory_space<semaphore_mem>>
        %dma_start3A_437 = arith.constant 0 : i32
        %dma_start3A_438 = tpu.memref_slice %arg6[%run_scoped3A_379, %add3A_370, %dma_start3A_437] : memref<2x25x80xi32, #tpu.memory_space<vmem>> -> memref<1x1x80xi32, #tpu.memory_space<vmem>>
        %dma_start3A_439 = tpu.memref_squeeze %dma_start3A_438 : memref<1x1x80xi32, #tpu.memory_space<vmem>> -> memref<80xi32, #tpu.memory_space<vmem>>
        %dma_start3A_440 = arith.constant 0 : i32
        %dma_start3A_441 = arith.constant 0 : i32
        %dma_start3A_442 = tpu.memref_slice %arg12[%dma_start3A_440, %dma_start3A_441] : memref<10112x112xf32, #tpu.memory_space<vmem_shared>> -> memref<10112x112xf32, #tpu.memory_space<vmem_shared>>
        tpu.enqueue_indirect_dma source(%arg9 : memref<80x112xf32, #tpu.memory_space<vmem>>) target(%dma_start3A_442 : memref<10112x112xf32, #tpu.memory_space<vmem_shared>>) offsets(%dma_start3A_439 : memref<80xi32, #tpu.memory_space<vmem>>) semaphore(%run_scoped3A_436 : memref<!tpu.dma_semaphore, #tpu.memory_space<semaphore_mem>>) {add = true}
        %dma_wait3A_443 = arith.constant 0 : i32
        %dma_wait3A_444 = tpu.memref_slice %arg6[%run_scoped3A_379, %add3A_370, %dma_wait3A_443] : memref<2x25x80xi32, #tpu.memory_space<vmem>> -> memref<1x1x80xi32, #tpu.memory_space<vmem>>
        %dma_wait3A_445 = tpu.memref_squeeze %dma_wait3A_444 : memref<1x1x80xi32, #tpu.memory_space<vmem>> -> memref<80xi32, #tpu.memory_space<vmem>>
        %dma_wait3A_446 = arith.constant 0 : i32
        %dma_wait3A_447 = arith.constant 0 : i32
        %dma_wait3A_448 = tpu.memref_slice %arg12[%dma_wait3A_446, %dma_wait3A_447] : memref<10112x112xf32, #tpu.memory_space<vmem_shared>> -> memref<10112x112xf32, #tpu.memory_space<vmem_shared>>
        tpu.wait_indirect_dma semaphore(%run_scoped3A_436 : memref<!tpu.dma_semaphore, #tpu.memory_space<semaphore_mem>>) src(%arg9 : memref<80x112xf32, #tpu.memory_space<vmem>>) dst(%dma_wait3A_448 : memref<10112x112xf32, #tpu.memory_space<vmem_shared>>)
        tpu.yield
      }) : () -> ()
      %add3A_380 = arith.constant 5 : i32
      %add3A_381 = arith.addi %add3A_372, %add3A_380 : i32
      %min3A_382 = arith.constant 124 : i32
      %min3A_383 = arith.minsi %add3A_381, %min3A_382 : i32
      %dma_start3A_384 = arith.constant 0 : i32
      %dma_start3A_385 = tpu.memref_slice %arg5[%min3A_383, %dma_start3A_384] : memref<125x80xi32, #tpu.memory_space<vmem>> -> memref<1x80xi32, #tpu.memory_space<vmem>>
      %dma_start3A_386 = tpu.memref_squeeze %dma_start3A_385 : memref<1x80xi32, #tpu.memory_space<vmem>> -> memref<80xi32, #tpu.memory_space<vmem>>
      %dma_start3A_387 = arith.constant 0 : i32
      %dma_start3A_388 = arith.constant 0 : i32
      %dma_start3A_389 = tpu.memref_slice %arg2[%dma_start3A_387, %dma_start3A_388] : memref<10000x112xf32, #tpu.memory_space<hbm>> -> memref<10000x112xf32, #tpu.memory_space<hbm>>
      tpu.enqueue_indirect_dma source(%dma_start3A_389 : memref<10000x112xf32, #tpu.memory_space<hbm>>) target(%arg9 : memref<80x112xf32, #tpu.memory_space<vmem>>) offsets(%dma_start3A_386 : memref<80xi32, #tpu.memory_space<vmem>>) semaphore(%arg15 : memref<!tpu.dma_semaphore, #tpu.memory_space<semaphore_mem>>)
      %mul3A_390 = arith.constant 5 : i32
      %mul3A_391 = arith.muli %mul3A_390, %scan3A_322 : i32
      %add3A_392 = arith.constant 3 : i32
      %add3A_393 = arith.addi %mul3A_391, %add3A_392 : i32
      %add3A_394 = arith.constant 25 : i32
      %add3A_395 = arith.addi %add3A_394, %add3A_393 : i32
      %dma_wait3A_396 = arith.constant 0 : i32
      %dma_wait3A_397 = tpu.memref_slice %arg5[%add3A_395, %dma_wait3A_396] : memref<125x80xi32, #tpu.memory_space<vmem>> -> memref<1x80xi32, #tpu.memory_space<vmem>>
      %dma_wait3A_398 = tpu.memref_squeeze %dma_wait3A_397 : memref<1x80xi32, #tpu.memory_space<vmem>> -> memref<80xi32, #tpu.memory_space<vmem>>
      %dma_wait3A_399 = arith.constant 0 : i32
      %dma_wait3A_400 = arith.constant 0 : i32
      %dma_wait3A_401 = tpu.memref_slice %arg2[%dma_wait3A_399, %dma_wait3A_400] : memref<10000x112xf32, #tpu.memory_space<hbm>> -> memref<10000x112xf32, #tpu.memory_space<hbm>>
      tpu.wait_indirect_dma semaphore(%arg16 : memref<!tpu.dma_semaphore, #tpu.memory_space<semaphore_mem>>) src(%dma_wait3A_401 : memref<10000x112xf32, #tpu.memory_space<hbm>>) dst(%arg10 : memref<80x112xf32, #tpu.memory_space<vmem>>)
      %run_scoped3A_402 = arith.constant 1 : i32
      "tpu.region"() ({
        %run_scoped3A_436 = tpu.sem_alloc : memref<!tpu.dma_semaphore, #tpu.memory_space<semaphore_mem>>
        %dma_start3A_437 = arith.constant 0 : i32
        %dma_start3A_438 = tpu.memref_slice %arg6[%run_scoped3A_402, %add3A_393, %dma_start3A_437] : memref<2x25x80xi32, #tpu.memory_space<vmem>> -> memref<1x1x80xi32, #tpu.memory_space<vmem>>
        %dma_start3A_439 = tpu.memref_squeeze %dma_start3A_438 : memref<1x1x80xi32, #tpu.memory_space<vmem>> -> memref<80xi32, #tpu.memory_space<vmem>>
        %dma_start3A_440 = arith.constant 0 : i32
        %dma_start3A_441 = arith.constant 0 : i32
        %dma_start3A_442 = tpu.memref_slice %arg12[%dma_start3A_440, %dma_start3A_441] : memref<10112x112xf32, #tpu.memory_space<vmem_shared>> -> memref<10112x112xf32, #tpu.memory_space<vmem_shared>>
        tpu.enqueue_indirect_dma source(%arg10 : memref<80x112xf32, #tpu.memory_space<vmem>>) target(%dma_start3A_442 : memref<10112x112xf32, #tpu.memory_space<vmem_shared>>) offsets(%dma_start3A_439 : memref<80xi32, #tpu.memory_space<vmem>>) semaphore(%run_scoped3A_436 : memref<!tpu.dma_semaphore, #tpu.memory_space<semaphore_mem>>) {add = true}
        %dma_wait3A_443 = arith.constant 0 : i32
        %dma_wait3A_444 = tpu.memref_slice %arg6[%run_scoped3A_402, %add3A_393, %dma_wait3A_443] : memref<2x25x80xi32, #tpu.memory_space<vmem>> -> memref<1x1x80xi32, #tpu.memory_space<vmem>>
        %dma_wait3A_445 = tpu.memref_squeeze %dma_wait3A_444 : memref<1x1x80xi32, #tpu.memory_space<vmem>> -> memref<80xi32, #tpu.memory_space<vmem>>
        %dma_wait3A_446 = arith.constant 0 : i32
        %dma_wait3A_447 = arith.constant 0 : i32
        %dma_wait3A_448 = tpu.memref_slice %arg12[%dma_wait3A_446, %dma_wait3A_447] : memref<10112x112xf32, #tpu.memory_space<vmem_shared>> -> memref<10112x112xf32, #tpu.memory_space<vmem_shared>>
        tpu.wait_indirect_dma semaphore(%run_scoped3A_436 : memref<!tpu.dma_semaphore, #tpu.memory_space<semaphore_mem>>) src(%arg10 : memref<80x112xf32, #tpu.memory_space<vmem>>) dst(%dma_wait3A_448 : memref<10112x112xf32, #tpu.memory_space<vmem_shared>>)
        tpu.yield
      }) : () -> ()
      %add3A_403 = arith.constant 5 : i32
      %add3A_404 = arith.addi %add3A_395, %add3A_403 : i32
      %min3A_405 = arith.constant 124 : i32
      %min3A_406 = arith.minsi %add3A_404, %min3A_405 : i32
      %dma_start3A_407 = arith.constant 0 : i32
      %dma_start3A_408 = tpu.memref_slice %arg5[%min3A_406, %dma_start3A_407] : memref<125x80xi32, #tpu.memory_space<vmem>> -> memref<1x80xi32, #tpu.memory_space<vmem>>
      %dma_start3A_409 = tpu.memref_squeeze %dma_start3A_408 : memref<1x80xi32, #tpu.memory_space<vmem>> -> memref<80xi32, #tpu.memory_space<vmem>>
      %dma_start3A_410 = arith.constant 0 : i32
      %dma_start3A_411 = arith.constant 0 : i32
      %dma_start3A_412 = tpu.memref_slice %arg2[%dma_start3A_410, %dma_start3A_411] : memref<10000x112xf32, #tpu.memory_space<hbm>> -> memref<10000x112xf32, #tpu.memory_space<hbm>>
      tpu.enqueue_indirect_dma source(%dma_start3A_412 : memref<10000x112xf32, #tpu.memory_space<hbm>>) target(%arg10 : memref<80x112xf32, #tpu.memory_space<vmem>>) offsets(%dma_start3A_409 : memref<80xi32, #tpu.memory_space<vmem>>) semaphore(%arg16 : memref<!tpu.dma_semaphore, #tpu.memory_space<semaphore_mem>>)
      %mul3A_413 = arith.constant 5 : i32
      %mul3A_414 = arith.muli %mul3A_413, %scan3A_322 : i32
      %add3A_415 = arith.constant 4 : i32
      %add3A_416 = arith.addi %mul3A_414, %add3A_415 : i32
      %add3A_417 = arith.constant 25 : i32
      %add3A_418 = arith.addi %add3A_417, %add3A_416 : i32
      %dma_wait3A_419 = arith.constant 0 : i32
      %dma_wait3A_420 = tpu.memref_slice %arg5[%add3A_418, %dma_wait3A_419] : memref<125x80xi32, #tpu.memory_space<vmem>> -> memref<1x80xi32, #tpu.memory_space<vmem>>
      %dma_wait3A_421 = tpu.memref_squeeze %dma_wait3A_420 : memref<1x80xi32, #tpu.memory_space<vmem>> -> memref<80xi32, #tpu.memory_space<vmem>>
      %dma_wait3A_422 = arith.constant 0 : i32
      %dma_wait3A_423 = arith.constant 0 : i32
      %dma_wait3A_424 = tpu.memref_slice %arg2[%dma_wait3A_422, %dma_wait3A_423] : memref<10000x112xf32, #tpu.memory_space<hbm>> -> memref<10000x112xf32, #tpu.memory_space<hbm>>
      tpu.wait_indirect_dma semaphore(%arg17 : memref<!tpu.dma_semaphore, #tpu.memory_space<semaphore_mem>>) src(%dma_wait3A_424 : memref<10000x112xf32, #tpu.memory_space<hbm>>) dst(%arg11 : memref<80x112xf32, #tpu.memory_space<vmem>>)
      %run_scoped3A_425 = arith.constant 1 : i32
      "tpu.region"() ({
        %run_scoped3A_436 = tpu.sem_alloc : memref<!tpu.dma_semaphore, #tpu.memory_space<semaphore_mem>>
        %dma_start3A_437 = arith.constant 0 : i32
        %dma_start3A_438 = tpu.memref_slice %arg6[%run_scoped3A_425, %add3A_416, %dma_start3A_437] : memref<2x25x80xi32, #tpu.memory_space<vmem>> -> memref<1x1x80xi32, #tpu.memory_space<vmem>>
        %dma_start3A_439 = tpu.memref_squeeze %dma_start3A_438 : memref<1x1x80xi32, #tpu.memory_space<vmem>> -> memref<80xi32, #tpu.memory_space<vmem>>
        %dma_start3A_440 = arith.constant 0 : i32
        %dma_start3A_441 = arith.constant 0 : i32
        %dma_start3A_442 = tpu.memref_slice %arg12[%dma_start3A_440, %dma_start3A_441] : memref<10112x112xf32, #tpu.memory_space<vmem_shared>> -> memref<10112x112xf32, #tpu.memory_space<vmem_shared>>
        tpu.enqueue_indirect_dma source(%arg11 : memref<80x112xf32, #tpu.memory_space<vmem>>) target(%dma_start3A_442 : memref<10112x112xf32, #tpu.memory_space<vmem_shared>>) offsets(%dma_start3A_439 : memref<80xi32, #tpu.memory_space<vmem>>) semaphore(%run_scoped3A_436 : memref<!tpu.dma_semaphore, #tpu.memory_space<semaphore_mem>>) {add = true}
        %dma_wait3A_443 = arith.constant 0 : i32
        %dma_wait3A_444 = tpu.memref_slice %arg6[%run_scoped3A_425, %add3A_416, %dma_wait3A_443] : memref<2x25x80xi32, #tpu.memory_space<vmem>> -> memref<1x1x80xi32, #tpu.memory_space<vmem>>
        %dma_wait3A_445 = tpu.memref_squeeze %dma_wait3A_444 : memref<1x1x80xi32, #tpu.memory_space<vmem>> -> memref<80xi32, #tpu.memory_space<vmem>>
        %dma_wait3A_446 = arith.constant 0 : i32
        %dma_wait3A_447 = arith.constant 0 : i32
        %dma_wait3A_448 = tpu.memref_slice %arg12[%dma_wait3A_446, %dma_wait3A_447] : memref<10112x112xf32, #tpu.memory_space<vmem_shared>> -> memref<10112x112xf32, #tpu.memory_space<vmem_shared>>
        tpu.wait_indirect_dma semaphore(%run_scoped3A_436 : memref<!tpu.dma_semaphore, #tpu.memory_space<semaphore_mem>>) src(%arg11 : memref<80x112xf32, #tpu.memory_space<vmem>>) dst(%dma_wait3A_448 : memref<10112x112xf32, #tpu.memory_space<vmem_shared>>)
        tpu.yield
      }) : () -> ()
      %add3A_426 = arith.constant 5 : i32
      %add3A_427 = arith.addi %add3A_418, %add3A_426 : i32
      %min3A_428 = arith.constant 124 : i32
      %min3A_429 = arith.minsi %add3A_427, %min3A_428 : i32
      %dma_start3A_430 = arith.constant 0 : i32
      %dma_start3A_431 = tpu.memref_slice %arg5[%min3A_429, %dma_start3A_430] : memref<125x80xi32, #tpu.memory_space<vmem>> -> memref<1x80xi32, #tpu.memory_space<vmem>>
      %dma_start3A_432 = tpu.memref_squeeze %dma_start3A_431 : memref<1x80xi32, #tpu.memory_space<vmem>> -> memref<80xi32, #tpu.memory_space<vmem>>
      %dma_start3A_433 = arith.constant 0 : i32
      %dma_start3A_434 = arith.constant 0 : i32
      %dma_start3A_435 = tpu.memref_slice %arg2[%dma_start3A_433, %dma_start3A_434] : memref<10000x112xf32, #tpu.memory_space<hbm>> -> memref<10000x112xf32, #tpu.memory_space<hbm>>
      tpu.enqueue_indirect_dma source(%dma_start3A_435 : memref<10000x112xf32, #tpu.memory_space<hbm>>) target(%arg11 : memref<80x112xf32, #tpu.memory_space<vmem>>) offsets(%dma_start3A_432 : memref<80xi32, #tpu.memory_space<vmem>>) semaphore(%arg17 : memref<!tpu.dma_semaphore, #tpu.memory_space<semaphore_mem>>)
    }
    %scan3A_177 = arith.constant 5 : i32
    %dma_start3A_178 = arith.constant 1 : i32
    %dma_start3A_179 = arith.constant 1 : i32
    %dma_start3A_180 = arith.constant 0 : i32
    %dma_start3A_181 = arith.constant 0 : i32
    %dma_start3A_182 = tpu.memref_slice %arg6[%dma_start3A_179, %dma_start3A_180, %dma_start3A_181] : memref<2x25x80xi32, #tpu.memory_space<vmem>> -> memref<1x25x80xi32, #tpu.memory_space<vmem>>
    %dma_start3A_183 = tpu.memref_squeeze %dma_start3A_182 : memref<1x25x80xi32, #tpu.memory_space<vmem>> -> memref<25x80xi32, #tpu.memory_space<vmem>>
    %dma_start3A_184 = arith.constant 75 : i32
    %dma_start3A_185 = arith.constant 0 : i32
    %dma_start3A_186 = tpu.memref_slice %arg3[%dma_start3A_178, %add3A, %dma_start3A_184, %dma_start3A_185] : memref<2x32x125x80xi32, #tpu.memory_space<hbm>> -> memref<1x1x25x80xi32, #tpu.memory_space<hbm>>
    %dma_start3A_187 = tpu.memref_squeeze %dma_start3A_186 : memref<1x1x25x80xi32, #tpu.memory_space<hbm>> -> memref<25x80xi32, #tpu.memory_space<hbm>>
    %dma_start3A_188 = arith.constant 0 : i32
    %dma_start3A_189 = arith.constant 0 : i32
    %dma_start3A_190 = tpu.memref_slice %arg6[%dma_start3A_179, %dma_start3A_188, %dma_start3A_189] : memref<2x25x80xi32, #tpu.memory_space<vmem>> -> memref<1x25x80xi32, #tpu.memory_space<vmem>>
    %dma_start3A_191 = tpu.memref_squeeze %dma_start3A_190 : memref<1x25x80xi32, #tpu.memory_space<vmem>> -> memref<25x80xi32, #tpu.memory_space<vmem>>
    %dma_start3A_192 = arith.constant 75 : i32
    %dma_start3A_193 = arith.constant 0 : i32
    %dma_start3A_194 = tpu.memref_slice %arg3[%dma_start3A_178, %add3A, %dma_start3A_192, %dma_start3A_193] : memref<2x32x125x80xi32, #tpu.memory_space<hbm>> -> memref<1x1x25x80xi32, #tpu.memory_space<hbm>>
    %dma_start3A_195 = tpu.memref_squeeze %dma_start3A_194 : memref<1x1x25x80xi32, #tpu.memory_space<hbm>> -> memref<25x80xi32, #tpu.memory_space<hbm>>
    tpu.enqueue_dma source(%dma_start3A_195 : memref<25x80xi32, #tpu.memory_space<hbm>>) target(%dma_start3A_191 : memref<25x80xi32, #tpu.memory_space<vmem>>) target_semaphore(%arg20 : memref<!tpu.dma_semaphore, #tpu.memory_space<semaphore_mem>>)
    %dma_wait3A_196 = arith.constant 1 : i32
    %dma_wait3A_197 = arith.constant 0 : i32
    %dma_wait3A_198 = arith.constant 0 : i32
    %dma_wait3A_199 = arith.constant 0 : i32
    %dma_wait3A_200 = tpu.memref_slice %arg6[%dma_wait3A_197, %dma_wait3A_198, %dma_wait3A_199] : memref<2x25x80xi32, #tpu.memory_space<vmem>> -> memref<1x25x80xi32, #tpu.memory_space<vmem>>
    %dma_wait3A_201 = tpu.memref_squeeze %dma_wait3A_200 : memref<1x25x80xi32, #tpu.memory_space<vmem>> -> memref<25x80xi32, #tpu.memory_space<vmem>>
    %dma_wait3A_202 = arith.constant 50 : i32
    %dma_wait3A_203 = arith.constant 0 : i32
    %dma_wait3A_204 = tpu.memref_slice %arg3[%dma_wait3A_196, %add3A, %dma_wait3A_202, %dma_wait3A_203] : memref<2x32x125x80xi32, #tpu.memory_space<hbm>> -> memref<1x1x25x80xi32, #tpu.memory_space<hbm>>
    %dma_wait3A_205 = tpu.memref_squeeze %dma_wait3A_204 : memref<1x1x25x80xi32, #tpu.memory_space<hbm>> -> memref<25x80xi32, #tpu.memory_space<hbm>>
    %dma_wait3A_206 = arith.constant 0 : i32
    %dma_wait3A_207 = arith.constant 0 : i32
    %dma_wait3A_208 = tpu.memref_slice %arg6[%dma_wait3A_197, %dma_wait3A_206, %dma_wait3A_207] : memref<2x25x80xi32, #tpu.memory_space<vmem>> -> memref<1x25x80xi32, #tpu.memory_space<vmem>>
    %dma_wait3A_209 = tpu.memref_squeeze %dma_wait3A_208 : memref<1x25x80xi32, #tpu.memory_space<vmem>> -> memref<25x80xi32, #tpu.memory_space<vmem>>
    %dma_wait3A_210 = arith.constant 50 : i32
    %dma_wait3A_211 = arith.constant 0 : i32
    %dma_wait3A_212 = tpu.memref_slice %arg3[%dma_wait3A_196, %add3A, %dma_wait3A_210, %dma_wait3A_211] : memref<2x32x125x80xi32, #tpu.memory_space<hbm>> -> memref<1x1x25x80xi32, #tpu.memory_space<hbm>>
    %dma_wait3A_213 = tpu.memref_squeeze %dma_wait3A_212 : memref<1x1x25x80xi32, #tpu.memory_space<hbm>> -> memref<25x80xi32, #tpu.memory_space<hbm>>
    tpu.wait_dma2 semaphore(%arg19 : memref<!tpu.dma_semaphore, #tpu.memory_space<semaphore_mem>>) src(%dma_wait3A_213 : memref<25x80xi32, #tpu.memory_space<hbm>>) dst(%dma_wait3A_209 : memref<25x80xi32, #tpu.memory_space<vmem>>)
    %scan3A_214 = arith.constant 0 : i32
    %scan3A_215 = arith.constant 0 : i32
    %scan3A_216 = arith.constant 5 : i32
    %scan3A_217 = arith.addi %scan3A_215, %scan3A_216 : i32
    %scan3A_218 = arith.constant 1 : i32
    scf.for %scan3A_322 = %scan3A_215 to %scan3A_217 step %scan3A_218  : i32 {
      %mul3A_323 = arith.constant 5 : i32
      %mul3A_324 = arith.muli %mul3A_323, %scan3A_322 : i32
      %add3A_325 = arith.constant 0 : i32
      %add3A_326 = arith.addi %mul3A_324, %add3A_325 : i32
      %add3A_327 = arith.constant 50 : i32
      %add3A_328 = arith.addi %add3A_327, %add3A_326 : i32
      %dma_wait3A_329 = arith.constant 0 : i32
      %dma_wait3A_330 = tpu.memref_slice %arg5[%add3A_328, %dma_wait3A_329] : memref<125x80xi32, #tpu.memory_space<vmem>> -> memref<1x80xi32, #tpu.memory_space<vmem>>
      %dma_wait3A_331 = tpu.memref_squeeze %dma_wait3A_330 : memref<1x80xi32, #tpu.memory_space<vmem>> -> memref<80xi32, #tpu.memory_space<vmem>>
      %dma_wait3A_332 = arith.constant 0 : i32
      %dma_wait3A_333 = arith.constant 0 : i32
      %dma_wait3A_334 = tpu.memref_slice %arg2[%dma_wait3A_332, %dma_wait3A_333] : memref<10000x112xf32, #tpu.memory_space<hbm>> -> memref<10000x112xf32, #tpu.memory_space<hbm>>
      tpu.wait_indirect_dma semaphore(%arg13 : memref<!tpu.dma_semaphore, #tpu.memory_space<semaphore_mem>>) src(%dma_wait3A_334 : memref<10000x112xf32, #tpu.memory_space<hbm>>) dst(%arg7 : memref<80x112xf32, #tpu.memory_space<vmem>>)
      %run_scoped3A = arith.constant 0 : i32
      "tpu.region"() ({
        %run_scoped3A_436 = tpu.sem_alloc : memref<!tpu.dma_semaphore, #tpu.memory_space<semaphore_mem>>
        %dma_start3A_437 = arith.constant 0 : i32
        %dma_start3A_438 = tpu.memref_slice %arg6[%run_scoped3A, %add3A_326, %dma_start3A_437] : memref<2x25x80xi32, #tpu.memory_space<vmem>> -> memref<1x1x80xi32, #tpu.memory_space<vmem>>
        %dma_start3A_439 = tpu.memref_squeeze %dma_start3A_438 : memref<1x1x80xi32, #tpu.memory_space<vmem>> -> memref<80xi32, #tpu.memory_space<vmem>>
        %dma_start3A_440 = arith.constant 0 : i32
        %dma_start3A_441 = arith.constant 0 : i32
        %dma_start3A_442 = tpu.memref_slice %arg12[%dma_start3A_440, %dma_start3A_441] : memref<10112x112xf32, #tpu.memory_space<vmem_shared>> -> memref<10112x112xf32, #tpu.memory_space<vmem_shared>>
        tpu.enqueue_indirect_dma source(%arg7 : memref<80x112xf32, #tpu.memory_space<vmem>>) target(%dma_start3A_442 : memref<10112x112xf32, #tpu.memory_space<vmem_shared>>) offsets(%dma_start3A_439 : memref<80xi32, #tpu.memory_space<vmem>>) semaphore(%run_scoped3A_436 : memref<!tpu.dma_semaphore, #tpu.memory_space<semaphore_mem>>) {add = true}
        %dma_wait3A_443 = arith.constant 0 : i32
        %dma_wait3A_444 = tpu.memref_slice %arg6[%run_scoped3A, %add3A_326, %dma_wait3A_443] : memref<2x25x80xi32, #tpu.memory_space<vmem>> -> memref<1x1x80xi32, #tpu.memory_space<vmem>>
        %dma_wait3A_445 = tpu.memref_squeeze %dma_wait3A_444 : memref<1x1x80xi32, #tpu.memory_space<vmem>> -> memref<80xi32, #tpu.memory_space<vmem>>
        %dma_wait3A_446 = arith.constant 0 : i32
        %dma_wait3A_447 = arith.constant 0 : i32
        %dma_wait3A_448 = tpu.memref_slice %arg12[%dma_wait3A_446, %dma_wait3A_447] : memref<10112x112xf32, #tpu.memory_space<vmem_shared>> -> memref<10112x112xf32, #tpu.memory_space<vmem_shared>>
        tpu.wait_indirect_dma semaphore(%run_scoped3A_436 : memref<!tpu.dma_semaphore, #tpu.memory_space<semaphore_mem>>) src(%arg7 : memref<80x112xf32, #tpu.memory_space<vmem>>) dst(%dma_wait3A_448 : memref<10112x112xf32, #tpu.memory_space<vmem_shared>>)
        tpu.yield
      }) : () -> ()
      %add3A_335 = arith.constant 5 : i32
      %add3A_336 = arith.addi %add3A_328, %add3A_335 : i32
      %min3A = arith.constant 124 : i32
      %min3A_337 = arith.minsi %add3A_336, %min3A : i32
      %dma_start3A_338 = arith.constant 0 : i32
      %dma_start3A_339 = tpu.memref_slice %arg5[%min3A_337, %dma_start3A_338] : memref<125x80xi32, #tpu.memory_space<vmem>> -> memref<1x80xi32, #tpu.memory_space<vmem>>
      %dma_start3A_340 = tpu.memref_squeeze %dma_start3A_339 : memref<1x80xi32, #tpu.memory_space<vmem>> -> memref<80xi32, #tpu.memory_space<vmem>>
      %dma_start3A_341 = arith.constant 0 : i32
      %dma_start3A_342 = arith.constant 0 : i32
      %dma_start3A_343 = tpu.memref_slice %arg2[%dma_start3A_341, %dma_start3A_342] : memref<10000x112xf32, #tpu.memory_space<hbm>> -> memref<10000x112xf32, #tpu.memory_space<hbm>>
      tpu.enqueue_indirect_dma source(%dma_start3A_343 : memref<10000x112xf32, #tpu.memory_space<hbm>>) target(%arg7 : memref<80x112xf32, #tpu.memory_space<vmem>>) offsets(%dma_start3A_340 : memref<80xi32, #tpu.memory_space<vmem>>) semaphore(%arg13 : memref<!tpu.dma_semaphore, #tpu.memory_space<semaphore_mem>>)
      %mul3A_344 = arith.constant 5 : i32
      %mul3A_345 = arith.muli %mul3A_344, %scan3A_322 : i32
      %add3A_346 = arith.constant 1 : i32
      %add3A_347 = arith.addi %mul3A_345, %add3A_346 : i32
      %add3A_348 = arith.constant 50 : i32
      %add3A_349 = arith.addi %add3A_348, %add3A_347 : i32
      %dma_wait3A_350 = arith.constant 0 : i32
      %dma_wait3A_351 = tpu.memref_slice %arg5[%add3A_349, %dma_wait3A_350] : memref<125x80xi32, #tpu.memory_space<vmem>> -> memref<1x80xi32, #tpu.memory_space<vmem>>
      %dma_wait3A_352 = tpu.memref_squeeze %dma_wait3A_351 : memref<1x80xi32, #tpu.memory_space<vmem>> -> memref<80xi32, #tpu.memory_space<vmem>>
      %dma_wait3A_353 = arith.constant 0 : i32
      %dma_wait3A_354 = arith.constant 0 : i32
      %dma_wait3A_355 = tpu.memref_slice %arg2[%dma_wait3A_353, %dma_wait3A_354] : memref<10000x112xf32, #tpu.memory_space<hbm>> -> memref<10000x112xf32, #tpu.memory_space<hbm>>
      tpu.wait_indirect_dma semaphore(%arg14 : memref<!tpu.dma_semaphore, #tpu.memory_space<semaphore_mem>>) src(%dma_wait3A_355 : memref<10000x112xf32, #tpu.memory_space<hbm>>) dst(%arg8 : memref<80x112xf32, #tpu.memory_space<vmem>>)
      %run_scoped3A_356 = arith.constant 0 : i32
      "tpu.region"() ({
        %run_scoped3A_436 = tpu.sem_alloc : memref<!tpu.dma_semaphore, #tpu.memory_space<semaphore_mem>>
        %dma_start3A_437 = arith.constant 0 : i32
        %dma_start3A_438 = tpu.memref_slice %arg6[%run_scoped3A_356, %add3A_347, %dma_start3A_437] : memref<2x25x80xi32, #tpu.memory_space<vmem>> -> memref<1x1x80xi32, #tpu.memory_space<vmem>>
        %dma_start3A_439 = tpu.memref_squeeze %dma_start3A_438 : memref<1x1x80xi32, #tpu.memory_space<vmem>> -> memref<80xi32, #tpu.memory_space<vmem>>
        %dma_start3A_440 = arith.constant 0 : i32
        %dma_start3A_441 = arith.constant 0 : i32
        %dma_start3A_442 = tpu.memref_slice %arg12[%dma_start3A_440, %dma_start3A_441] : memref<10112x112xf32, #tpu.memory_space<vmem_shared>> -> memref<10112x112xf32, #tpu.memory_space<vmem_shared>>
        tpu.enqueue_indirect_dma source(%arg8 : memref<80x112xf32, #tpu.memory_space<vmem>>) target(%dma_start3A_442 : memref<10112x112xf32, #tpu.memory_space<vmem_shared>>) offsets(%dma_start3A_439 : memref<80xi32, #tpu.memory_space<vmem>>) semaphore(%run_scoped3A_436 : memref<!tpu.dma_semaphore, #tpu.memory_space<semaphore_mem>>) {add = true}
        %dma_wait3A_443 = arith.constant 0 : i32
        %dma_wait3A_444 = tpu.memref_slice %arg6[%run_scoped3A_356, %add3A_347, %dma_wait3A_443] : memref<2x25x80xi32, #tpu.memory_space<vmem>> -> memref<1x1x80xi32, #tpu.memory_space<vmem>>
        %dma_wait3A_445 = tpu.memref_squeeze %dma_wait3A_444 : memref<1x1x80xi32, #tpu.memory_space<vmem>> -> memref<80xi32, #tpu.memory_space<vmem>>
        %dma_wait3A_446 = arith.constant 0 : i32
        %dma_wait3A_447 = arith.constant 0 : i32
        %dma_wait3A_448 = tpu.memref_slice %arg12[%dma_wait3A_446, %dma_wait3A_447] : memref<10112x112xf32, #tpu.memory_space<vmem_shared>> -> memref<10112x112xf32, #tpu.memory_space<vmem_shared>>
        tpu.wait_indirect_dma semaphore(%run_scoped3A_436 : memref<!tpu.dma_semaphore, #tpu.memory_space<semaphore_mem>>) src(%arg8 : memref<80x112xf32, #tpu.memory_space<vmem>>) dst(%dma_wait3A_448 : memref<10112x112xf32, #tpu.memory_space<vmem_shared>>)
        tpu.yield
      }) : () -> ()
      %add3A_357 = arith.constant 5 : i32
      %add3A_358 = arith.addi %add3A_349, %add3A_357 : i32
      %min3A_359 = arith.constant 124 : i32
      %min3A_360 = arith.minsi %add3A_358, %min3A_359 : i32
      %dma_start3A_361 = arith.constant 0 : i32
      %dma_start3A_362 = tpu.memref_slice %arg5[%min3A_360, %dma_start3A_361] : memref<125x80xi32, #tpu.memory_space<vmem>> -> memref<1x80xi32, #tpu.memory_space<vmem>>
      %dma_start3A_363 = tpu.memref_squeeze %dma_start3A_362 : memref<1x80xi32, #tpu.memory_space<vmem>> -> memref<80xi32, #tpu.memory_space<vmem>>
      %dma_start3A_364 = arith.constant 0 : i32
      %dma_start3A_365 = arith.constant 0 : i32
      %dma_start3A_366 = tpu.memref_slice %arg2[%dma_start3A_364, %dma_start3A_365] : memref<10000x112xf32, #tpu.memory_space<hbm>> -> memref<10000x112xf32, #tpu.memory_space<hbm>>
      tpu.enqueue_indirect_dma source(%dma_start3A_366 : memref<10000x112xf32, #tpu.memory_space<hbm>>) target(%arg8 : memref<80x112xf32, #tpu.memory_space<vmem>>) offsets(%dma_start3A_363 : memref<80xi32, #tpu.memory_space<vmem>>) semaphore(%arg14 : memref<!tpu.dma_semaphore, #tpu.memory_space<semaphore_mem>>)
      %mul3A_367 = arith.constant 5 : i32
      %mul3A_368 = arith.muli %mul3A_367, %scan3A_322 : i32
      %add3A_369 = arith.constant 2 : i32
      %add3A_370 = arith.addi %mul3A_368, %add3A_369 : i32
      %add3A_371 = arith.constant 50 : i32
      %add3A_372 = arith.addi %add3A_371, %add3A_370 : i32
      %dma_wait3A_373 = arith.constant 0 : i32
      %dma_wait3A_374 = tpu.memref_slice %arg5[%add3A_372, %dma_wait3A_373] : memref<125x80xi32, #tpu.memory_space<vmem>> -> memref<1x80xi32, #tpu.memory_space<vmem>>
      %dma_wait3A_375 = tpu.memref_squeeze %dma_wait3A_374 : memref<1x80xi32, #tpu.memory_space<vmem>> -> memref<80xi32, #tpu.memory_space<vmem>>
      %dma_wait3A_376 = arith.constant 0 : i32
      %dma_wait3A_377 = arith.constant 0 : i32
      %dma_wait3A_378 = tpu.memref_slice %arg2[%dma_wait3A_376, %dma_wait3A_377] : memref<10000x112xf32, #tpu.memory_space<hbm>> -> memref<10000x112xf32, #tpu.memory_space<hbm>>
      tpu.wait_indirect_dma semaphore(%arg15 : memref<!tpu.dma_semaphore, #tpu.memory_space<semaphore_mem>>) src(%dma_wait3A_378 : memref<10000x112xf32, #tpu.memory_space<hbm>>) dst(%arg9 : memref<80x112xf32, #tpu.memory_space<vmem>>)
      %run_scoped3A_379 = arith.constant 0 : i32
      "tpu.region"() ({
        %run_scoped3A_436 = tpu.sem_alloc : memref<!tpu.dma_semaphore, #tpu.memory_space<semaphore_mem>>
        %dma_start3A_437 = arith.constant 0 : i32
        %dma_start3A_438 = tpu.memref_slice %arg6[%run_scoped3A_379, %add3A_370, %dma_start3A_437] : memref<2x25x80xi32, #tpu.memory_space<vmem>> -> memref<1x1x80xi32, #tpu.memory_space<vmem>>
        %dma_start3A_439 = tpu.memref_squeeze %dma_start3A_438 : memref<1x1x80xi32, #tpu.memory_space<vmem>> -> memref<80xi32, #tpu.memory_space<vmem>>
        %dma_start3A_440 = arith.constant 0 : i32
        %dma_start3A_441 = arith.constant 0 : i32
        %dma_start3A_442 = tpu.memref_slice %arg12[%dma_start3A_440, %dma_start3A_441] : memref<10112x112xf32, #tpu.memory_space<vmem_shared>> -> memref<10112x112xf32, #tpu.memory_space<vmem_shared>>
        tpu.enqueue_indirect_dma source(%arg9 : memref<80x112xf32, #tpu.memory_space<vmem>>) target(%dma_start3A_442 : memref<10112x112xf32, #tpu.memory_space<vmem_shared>>) offsets(%dma_start3A_439 : memref<80xi32, #tpu.memory_space<vmem>>) semaphore(%run_scoped3A_436 : memref<!tpu.dma_semaphore, #tpu.memory_space<semaphore_mem>>) {add = true}
        %dma_wait3A_443 = arith.constant 0 : i32
        %dma_wait3A_444 = tpu.memref_slice %arg6[%run_scoped3A_379, %add3A_370, %dma_wait3A_443] : memref<2x25x80xi32, #tpu.memory_space<vmem>> -> memref<1x1x80xi32, #tpu.memory_space<vmem>>
        %dma_wait3A_445 = tpu.memref_squeeze %dma_wait3A_444 : memref<1x1x80xi32, #tpu.memory_space<vmem>> -> memref<80xi32, #tpu.memory_space<vmem>>
        %dma_wait3A_446 = arith.constant 0 : i32
        %dma_wait3A_447 = arith.constant 0 : i32
        %dma_wait3A_448 = tpu.memref_slice %arg12[%dma_wait3A_446, %dma_wait3A_447] : memref<10112x112xf32, #tpu.memory_space<vmem_shared>> -> memref<10112x112xf32, #tpu.memory_space<vmem_shared>>
        tpu.wait_indirect_dma semaphore(%run_scoped3A_436 : memref<!tpu.dma_semaphore, #tpu.memory_space<semaphore_mem>>) src(%arg9 : memref<80x112xf32, #tpu.memory_space<vmem>>) dst(%dma_wait3A_448 : memref<10112x112xf32, #tpu.memory_space<vmem_shared>>)
        tpu.yield
      }) : () -> ()
      %add3A_380 = arith.constant 5 : i32
      %add3A_381 = arith.addi %add3A_372, %add3A_380 : i32
      %min3A_382 = arith.constant 124 : i32
      %min3A_383 = arith.minsi %add3A_381, %min3A_382 : i32
      %dma_start3A_384 = arith.constant 0 : i32
      %dma_start3A_385 = tpu.memref_slice %arg5[%min3A_383, %dma_start3A_384] : memref<125x80xi32, #tpu.memory_space<vmem>> -> memref<1x80xi32, #tpu.memory_space<vmem>>
      %dma_start3A_386 = tpu.memref_squeeze %dma_start3A_385 : memref<1x80xi32, #tpu.memory_space<vmem>> -> memref<80xi32, #tpu.memory_space<vmem>>
      %dma_start3A_387 = arith.constant 0 : i32
      %dma_start3A_388 = arith.constant 0 : i32
      %dma_start3A_389 = tpu.memref_slice %arg2[%dma_start3A_387, %dma_start3A_388] : memref<10000x112xf32, #tpu.memory_space<hbm>> -> memref<10000x112xf32, #tpu.memory_space<hbm>>
      tpu.enqueue_indirect_dma source(%dma_start3A_389 : memref<10000x112xf32, #tpu.memory_space<hbm>>) target(%arg9 : memref<80x112xf32, #tpu.memory_space<vmem>>) offsets(%dma_start3A_386 : memref<80xi32, #tpu.memory_space<vmem>>) semaphore(%arg15 : memref<!tpu.dma_semaphore, #tpu.memory_space<semaphore_mem>>)
      %mul3A_390 = arith.constant 5 : i32
      %mul3A_391 = arith.muli %mul3A_390, %scan3A_322 : i32
      %add3A_392 = arith.constant 3 : i32
      %add3A_393 = arith.addi %mul3A_391, %add3A_392 : i32
      %add3A_394 = arith.constant 50 : i32
      %add3A_395 = arith.addi %add3A_394, %add3A_393 : i32
      %dma_wait3A_396 = arith.constant 0 : i32
      %dma_wait3A_397 = tpu.memref_slice %arg5[%add3A_395, %dma_wait3A_396] : memref<125x80xi32, #tpu.memory_space<vmem>> -> memref<1x80xi32, #tpu.memory_space<vmem>>
      %dma_wait3A_398 = tpu.memref_squeeze %dma_wait3A_397 : memref<1x80xi32, #tpu.memory_space<vmem>> -> memref<80xi32, #tpu.memory_space<vmem>>
      %dma_wait3A_399 = arith.constant 0 : i32
      %dma_wait3A_400 = arith.constant 0 : i32
      %dma_wait3A_401 = tpu.memref_slice %arg2[%dma_wait3A_399, %dma_wait3A_400] : memref<10000x112xf32, #tpu.memory_space<hbm>> -> memref<10000x112xf32, #tpu.memory_space<hbm>>
      tpu.wait_indirect_dma semaphore(%arg16 : memref<!tpu.dma_semaphore, #tpu.memory_space<semaphore_mem>>) src(%dma_wait3A_401 : memref<10000x112xf32, #tpu.memory_space<hbm>>) dst(%arg10 : memref<80x112xf32, #tpu.memory_space<vmem>>)
      %run_scoped3A_402 = arith.constant 0 : i32
      "tpu.region"() ({
        %run_scoped3A_436 = tpu.sem_alloc : memref<!tpu.dma_semaphore, #tpu.memory_space<semaphore_mem>>
        %dma_start3A_437 = arith.constant 0 : i32
        %dma_start3A_438 = tpu.memref_slice %arg6[%run_scoped3A_402, %add3A_393, %dma_start3A_437] : memref<2x25x80xi32, #tpu.memory_space<vmem>> -> memref<1x1x80xi32, #tpu.memory_space<vmem>>
        %dma_start3A_439 = tpu.memref_squeeze %dma_start3A_438 : memref<1x1x80xi32, #tpu.memory_space<vmem>> -> memref<80xi32, #tpu.memory_space<vmem>>
        %dma_start3A_440 = arith.constant 0 : i32
        %dma_start3A_441 = arith.constant 0 : i32
        %dma_start3A_442 = tpu.memref_slice %arg12[%dma_start3A_440, %dma_start3A_441] : memref<10112x112xf32, #tpu.memory_space<vmem_shared>> -> memref<10112x112xf32, #tpu.memory_space<vmem_shared>>
        tpu.enqueue_indirect_dma source(%arg10 : memref<80x112xf32, #tpu.memory_space<vmem>>) target(%dma_start3A_442 : memref<10112x112xf32, #tpu.memory_space<vmem_shared>>) offsets(%dma_start3A_439 : memref<80xi32, #tpu.memory_space<vmem>>) semaphore(%run_scoped3A_436 : memref<!tpu.dma_semaphore, #tpu.memory_space<semaphore_mem>>) {add = true}
        %dma_wait3A_443 = arith.constant 0 : i32
        %dma_wait3A_444 = tpu.memref_slice %arg6[%run_scoped3A_402, %add3A_393, %dma_wait3A_443] : memref<2x25x80xi32, #tpu.memory_space<vmem>> -> memref<1x1x80xi32, #tpu.memory_space<vmem>>
        %dma_wait3A_445 = tpu.memref_squeeze %dma_wait3A_444 : memref<1x1x80xi32, #tpu.memory_space<vmem>> -> memref<80xi32, #tpu.memory_space<vmem>>
        %dma_wait3A_446 = arith.constant 0 : i32
        %dma_wait3A_447 = arith.constant 0 : i32
        %dma_wait3A_448 = tpu.memref_slice %arg12[%dma_wait3A_446, %dma_wait3A_447] : memref<10112x112xf32, #tpu.memory_space<vmem_shared>> -> memref<10112x112xf32, #tpu.memory_space<vmem_shared>>
        tpu.wait_indirect_dma semaphore(%run_scoped3A_436 : memref<!tpu.dma_semaphore, #tpu.memory_space<semaphore_mem>>) src(%arg10 : memref<80x112xf32, #tpu.memory_space<vmem>>) dst(%dma_wait3A_448 : memref<10112x112xf32, #tpu.memory_space<vmem_shared>>)
        tpu.yield
      }) : () -> ()
      %add3A_403 = arith.constant 5 : i32
      %add3A_404 = arith.addi %add3A_395, %add3A_403 : i32
      %min3A_405 = arith.constant 124 : i32
      %min3A_406 = arith.minsi %add3A_404, %min3A_405 : i32
      %dma_start3A_407 = arith.constant 0 : i32
      %dma_start3A_408 = tpu.memref_slice %arg5[%min3A_406, %dma_start3A_407] : memref<125x80xi32, #tpu.memory_space<vmem>> -> memref<1x80xi32, #tpu.memory_space<vmem>>
      %dma_start3A_409 = tpu.memref_squeeze %dma_start3A_408 : memref<1x80xi32, #tpu.memory_space<vmem>> -> memref<80xi32, #tpu.memory_space<vmem>>
      %dma_start3A_410 = arith.constant 0 : i32
      %dma_start3A_411 = arith.constant 0 : i32
      %dma_start3A_412 = tpu.memref_slice %arg2[%dma_start3A_410, %dma_start3A_411] : memref<10000x112xf32, #tpu.memory_space<hbm>> -> memref<10000x112xf32, #tpu.memory_space<hbm>>
      tpu.enqueue_indirect_dma source(%dma_start3A_412 : memref<10000x112xf32, #tpu.memory_space<hbm>>) target(%arg10 : memref<80x112xf32, #tpu.memory_space<vmem>>) offsets(%dma_start3A_409 : memref<80xi32, #tpu.memory_space<vmem>>) semaphore(%arg16 : memref<!tpu.dma_semaphore, #tpu.memory_space<semaphore_mem>>)
      %mul3A_413 = arith.constant 5 : i32
      %mul3A_414 = arith.muli %mul3A_413, %scan3A_322 : i32
      %add3A_415 = arith.constant 4 : i32
      %add3A_416 = arith.addi %mul3A_414, %add3A_415 : i32
      %add3A_417 = arith.constant 50 : i32
      %add3A_418 = arith.addi %add3A_417, %add3A_416 : i32
      %dma_wait3A_419 = arith.constant 0 : i32
      %dma_wait3A_420 = tpu.memref_slice %arg5[%add3A_418, %dma_wait3A_419] : memref<125x80xi32, #tpu.memory_space<vmem>> -> memref<1x80xi32, #tpu.memory_space<vmem>>
      %dma_wait3A_421 = tpu.memref_squeeze %dma_wait3A_420 : memref<1x80xi32, #tpu.memory_space<vmem>> -> memref<80xi32, #tpu.memory_space<vmem>>
      %dma_wait3A_422 = arith.constant 0 : i32
      %dma_wait3A_423 = arith.constant 0 : i32
      %dma_wait3A_424 = tpu.memref_slice %arg2[%dma_wait3A_422, %dma_wait3A_423] : memref<10000x112xf32, #tpu.memory_space<hbm>> -> memref<10000x112xf32, #tpu.memory_space<hbm>>
      tpu.wait_indirect_dma semaphore(%arg17 : memref<!tpu.dma_semaphore, #tpu.memory_space<semaphore_mem>>) src(%dma_wait3A_424 : memref<10000x112xf32, #tpu.memory_space<hbm>>) dst(%arg11 : memref<80x112xf32, #tpu.memory_space<vmem>>)
      %run_scoped3A_425 = arith.constant 0 : i32
      "tpu.region"() ({
        %run_scoped3A_436 = tpu.sem_alloc : memref<!tpu.dma_semaphore, #tpu.memory_space<semaphore_mem>>
        %dma_start3A_437 = arith.constant 0 : i32
        %dma_start3A_438 = tpu.memref_slice %arg6[%run_scoped3A_425, %add3A_416, %dma_start3A_437] : memref<2x25x80xi32, #tpu.memory_space<vmem>> -> memref<1x1x80xi32, #tpu.memory_space<vmem>>
        %dma_start3A_439 = tpu.memref_squeeze %dma_start3A_438 : memref<1x1x80xi32, #tpu.memory_space<vmem>> -> memref<80xi32, #tpu.memory_space<vmem>>
        %dma_start3A_440 = arith.constant 0 : i32
        %dma_start3A_441 = arith.constant 0 : i32
        %dma_start3A_442 = tpu.memref_slice %arg12[%dma_start3A_440, %dma_start3A_441] : memref<10112x112xf32, #tpu.memory_space<vmem_shared>> -> memref<10112x112xf32, #tpu.memory_space<vmem_shared>>
        tpu.enqueue_indirect_dma source(%arg11 : memref<80x112xf32, #tpu.memory_space<vmem>>) target(%dma_start3A_442 : memref<10112x112xf32, #tpu.memory_space<vmem_shared>>) offsets(%dma_start3A_439 : memref<80xi32, #tpu.memory_space<vmem>>) semaphore(%run_scoped3A_436 : memref<!tpu.dma_semaphore, #tpu.memory_space<semaphore_mem>>) {add = true}
        %dma_wait3A_443 = arith.constant 0 : i32
        %dma_wait3A_444 = tpu.memref_slice %arg6[%run_scoped3A_425, %add3A_416, %dma_wait3A_443] : memref<2x25x80xi32, #tpu.memory_space<vmem>> -> memref<1x1x80xi32, #tpu.memory_space<vmem>>
        %dma_wait3A_445 = tpu.memref_squeeze %dma_wait3A_444 : memref<1x1x80xi32, #tpu.memory_space<vmem>> -> memref<80xi32, #tpu.memory_space<vmem>>
        %dma_wait3A_446 = arith.constant 0 : i32
        %dma_wait3A_447 = arith.constant 0 : i32
        %dma_wait3A_448 = tpu.memref_slice %arg12[%dma_wait3A_446, %dma_wait3A_447] : memref<10112x112xf32, #tpu.memory_space<vmem_shared>> -> memref<10112x112xf32, #tpu.memory_space<vmem_shared>>
        tpu.wait_indirect_dma semaphore(%run_scoped3A_436 : memref<!tpu.dma_semaphore, #tpu.memory_space<semaphore_mem>>) src(%arg11 : memref<80x112xf32, #tpu.memory_space<vmem>>) dst(%dma_wait3A_448 : memref<10112x112xf32, #tpu.memory_space<vmem_shared>>)
        tpu.yield
      }) : () -> ()
      %add3A_426 = arith.constant 5 : i32
      %add3A_427 = arith.addi %add3A_418, %add3A_426 : i32
      %min3A_428 = arith.constant 124 : i32
      %min3A_429 = arith.minsi %add3A_427, %min3A_428 : i32
      %dma_start3A_430 = arith.constant 0 : i32
      %dma_start3A_431 = tpu.memref_slice %arg5[%min3A_429, %dma_start3A_430] : memref<125x80xi32, #tpu.memory_space<vmem>> -> memref<1x80xi32, #tpu.memory_space<vmem>>
      %dma_start3A_432 = tpu.memref_squeeze %dma_start3A_431 : memref<1x80xi32, #tpu.memory_space<vmem>> -> memref<80xi32, #tpu.memory_space<vmem>>
      %dma_start3A_433 = arith.constant 0 : i32
      %dma_start3A_434 = arith.constant 0 : i32
      %dma_start3A_435 = tpu.memref_slice %arg2[%dma_start3A_433, %dma_start3A_434] : memref<10000x112xf32, #tpu.memory_space<hbm>> -> memref<10000x112xf32, #tpu.memory_space<hbm>>
      tpu.enqueue_indirect_dma source(%dma_start3A_435 : memref<10000x112xf32, #tpu.memory_space<hbm>>) target(%arg11 : memref<80x112xf32, #tpu.memory_space<vmem>>) offsets(%dma_start3A_432 : memref<80xi32, #tpu.memory_space<vmem>>) semaphore(%arg17 : memref<!tpu.dma_semaphore, #tpu.memory_space<semaphore_mem>>)
    }
    %scan3A_219 = arith.constant 5 : i32
    %dma_start3A_220 = arith.constant 1 : i32
    %dma_start3A_221 = arith.constant 0 : i32
    %dma_start3A_222 = arith.constant 0 : i32
    %dma_start3A_223 = arith.constant 0 : i32
    %dma_start3A_224 = tpu.memref_slice %arg6[%dma_start3A_221, %dma_start3A_222, %dma_start3A_223] : memref<2x25x80xi32, #tpu.memory_space<vmem>> -> memref<1x25x80xi32, #tpu.memory_space<vmem>>
    %dma_start3A_225 = tpu.memref_squeeze %dma_start3A_224 : memref<1x25x80xi32, #tpu.memory_space<vmem>> -> memref<25x80xi32, #tpu.memory_space<vmem>>
    %dma_start3A_226 = arith.constant 100 : i32
    %dma_start3A_227 = arith.constant 0 : i32
    %dma_start3A_228 = tpu.memref_slice %arg3[%dma_start3A_220, %add3A, %dma_start3A_226, %dma_start3A_227] : memref<2x32x125x80xi32, #tpu.memory_space<hbm>> -> memref<1x1x25x80xi32, #tpu.memory_space<hbm>>
    %dma_start3A_229 = tpu.memref_squeeze %dma_start3A_228 : memref<1x1x25x80xi32, #tpu.memory_space<hbm>> -> memref<25x80xi32, #tpu.memory_space<hbm>>
    %dma_start3A_230 = arith.constant 0 : i32
    %dma_start3A_231 = arith.constant 0 : i32
    %dma_start3A_232 = tpu.memref_slice %arg6[%dma_start3A_221, %dma_start3A_230, %dma_start3A_231] : memref<2x25x80xi32, #tpu.memory_space<vmem>> -> memref<1x25x80xi32, #tpu.memory_space<vmem>>
    %dma_start3A_233 = tpu.memref_squeeze %dma_start3A_232 : memref<1x25x80xi32, #tpu.memory_space<vmem>> -> memref<25x80xi32, #tpu.memory_space<vmem>>
    %dma_start3A_234 = arith.constant 100 : i32
    %dma_start3A_235 = arith.constant 0 : i32
    %dma_start3A_236 = tpu.memref_slice %arg3[%dma_start3A_220, %add3A, %dma_start3A_234, %dma_start3A_235] : memref<2x32x125x80xi32, #tpu.memory_space<hbm>> -> memref<1x1x25x80xi32, #tpu.memory_space<hbm>>
    %dma_start3A_237 = tpu.memref_squeeze %dma_start3A_236 : memref<1x1x25x80xi32, #tpu.memory_space<hbm>> -> memref<25x80xi32, #tpu.memory_space<hbm>>
    tpu.enqueue_dma source(%dma_start3A_237 : memref<25x80xi32, #tpu.memory_space<hbm>>) target(%dma_start3A_233 : memref<25x80xi32, #tpu.memory_space<vmem>>) target_semaphore(%arg19 : memref<!tpu.dma_semaphore, #tpu.memory_space<semaphore_mem>>)
    %dma_wait3A_238 = arith.constant 1 : i32
    %dma_wait3A_239 = arith.constant 1 : i32
    %dma_wait3A_240 = arith.constant 0 : i32
    %dma_wait3A_241 = arith.constant 0 : i32
    %dma_wait3A_242 = tpu.memref_slice %arg6[%dma_wait3A_239, %dma_wait3A_240, %dma_wait3A_241] : memref<2x25x80xi32, #tpu.memory_space<vmem>> -> memref<1x25x80xi32, #tpu.memory_space<vmem>>
    %dma_wait3A_243 = tpu.memref_squeeze %dma_wait3A_242 : memref<1x25x80xi32, #tpu.memory_space<vmem>> -> memref<25x80xi32, #tpu.memory_space<vmem>>
    %dma_wait3A_244 = arith.constant 75 : i32
    %dma_wait3A_245 = arith.constant 0 : i32
    %dma_wait3A_246 = tpu.memref_slice %arg3[%dma_wait3A_238, %add3A, %dma_wait3A_244, %dma_wait3A_245] : memref<2x32x125x80xi32, #tpu.memory_space<hbm>> -> memref<1x1x25x80xi32, #tpu.memory_space<hbm>>
    %dma_wait3A_247 = tpu.memref_squeeze %dma_wait3A_246 : memref<1x1x25x80xi32, #tpu.memory_space<hbm>> -> memref<25x80xi32, #tpu.memory_space<hbm>>
    %dma_wait3A_248 = arith.constant 0 : i32
    %dma_wait3A_249 = arith.constant 0 : i32
    %dma_wait3A_250 = tpu.memref_slice %arg6[%dma_wait3A_239, %dma_wait3A_248, %dma_wait3A_249] : memref<2x25x80xi32, #tpu.memory_space<vmem>> -> memref<1x25x80xi32, #tpu.memory_space<vmem>>
    %dma_wait3A_251 = tpu.memref_squeeze %dma_wait3A_250 : memref<1x25x80xi32, #tpu.memory_space<vmem>> -> memref<25x80xi32, #tpu.memory_space<vmem>>
    %dma_wait3A_252 = arith.constant 75 : i32
    %dma_wait3A_253 = arith.constant 0 : i32
    %dma_wait3A_254 = tpu.memref_slice %arg3[%dma_wait3A_238, %add3A, %dma_wait3A_252, %dma_wait3A_253] : memref<2x32x125x80xi32, #tpu.memory_space<hbm>> -> memref<1x1x25x80xi32, #tpu.memory_space<hbm>>
    %dma_wait3A_255 = tpu.memref_squeeze %dma_wait3A_254 : memref<1x1x25x80xi32, #tpu.memory_space<hbm>> -> memref<25x80xi32, #tpu.memory_space<hbm>>
    tpu.wait_dma2 semaphore(%arg20 : memref<!tpu.dma_semaphore, #tpu.memory_space<semaphore_mem>>) src(%dma_wait3A_255 : memref<25x80xi32, #tpu.memory_space<hbm>>) dst(%dma_wait3A_251 : memref<25x80xi32, #tpu.memory_space<vmem>>)
    %scan3A_256 = arith.constant 0 : i32
    %scan3A_257 = arith.constant 0 : i32
    %scan3A_258 = arith.constant 5 : i32
    %scan3A_259 = arith.addi %scan3A_257, %scan3A_258 : i32
    %scan3A_260 = arith.constant 1 : i32
    scf.for %scan3A_322 = %scan3A_257 to %scan3A_259 step %scan3A_260  : i32 {
      %mul3A_323 = arith.constant 5 : i32
      %mul3A_324 = arith.muli %mul3A_323, %scan3A_322 : i32
      %add3A_325 = arith.constant 0 : i32
      %add3A_326 = arith.addi %mul3A_324, %add3A_325 : i32
      %add3A_327 = arith.constant 75 : i32
      %add3A_328 = arith.addi %add3A_327, %add3A_326 : i32
      %dma_wait3A_329 = arith.constant 0 : i32
      %dma_wait3A_330 = tpu.memref_slice %arg5[%add3A_328, %dma_wait3A_329] : memref<125x80xi32, #tpu.memory_space<vmem>> -> memref<1x80xi32, #tpu.memory_space<vmem>>
      %dma_wait3A_331 = tpu.memref_squeeze %dma_wait3A_330 : memref<1x80xi32, #tpu.memory_space<vmem>> -> memref<80xi32, #tpu.memory_space<vmem>>
      %dma_wait3A_332 = arith.constant 0 : i32
      %dma_wait3A_333 = arith.constant 0 : i32
      %dma_wait3A_334 = tpu.memref_slice %arg2[%dma_wait3A_332, %dma_wait3A_333] : memref<10000x112xf32, #tpu.memory_space<hbm>> -> memref<10000x112xf32, #tpu.memory_space<hbm>>
      tpu.wait_indirect_dma semaphore(%arg13 : memref<!tpu.dma_semaphore, #tpu.memory_space<semaphore_mem>>) src(%dma_wait3A_334 : memref<10000x112xf32, #tpu.memory_space<hbm>>) dst(%arg7 : memref<80x112xf32, #tpu.memory_space<vmem>>)
      %run_scoped3A = arith.constant 1 : i32
      "tpu.region"() ({
        %run_scoped3A_436 = tpu.sem_alloc : memref<!tpu.dma_semaphore, #tpu.memory_space<semaphore_mem>>
        %dma_start3A_437 = arith.constant 0 : i32
        %dma_start3A_438 = tpu.memref_slice %arg6[%run_scoped3A, %add3A_326, %dma_start3A_437] : memref<2x25x80xi32, #tpu.memory_space<vmem>> -> memref<1x1x80xi32, #tpu.memory_space<vmem>>
        %dma_start3A_439 = tpu.memref_squeeze %dma_start3A_438 : memref<1x1x80xi32, #tpu.memory_space<vmem>> -> memref<80xi32, #tpu.memory_space<vmem>>
        %dma_start3A_440 = arith.constant 0 : i32
        %dma_start3A_441 = arith.constant 0 : i32
        %dma_start3A_442 = tpu.memref_slice %arg12[%dma_start3A_440, %dma_start3A_441] : memref<10112x112xf32, #tpu.memory_space<vmem_shared>> -> memref<10112x112xf32, #tpu.memory_space<vmem_shared>>
        tpu.enqueue_indirect_dma source(%arg7 : memref<80x112xf32, #tpu.memory_space<vmem>>) target(%dma_start3A_442 : memref<10112x112xf32, #tpu.memory_space<vmem_shared>>) offsets(%dma_start3A_439 : memref<80xi32, #tpu.memory_space<vmem>>) semaphore(%run_scoped3A_436 : memref<!tpu.dma_semaphore, #tpu.memory_space<semaphore_mem>>) {add = true}
        %dma_wait3A_443 = arith.constant 0 : i32
        %dma_wait3A_444 = tpu.memref_slice %arg6[%run_scoped3A, %add3A_326, %dma_wait3A_443] : memref<2x25x80xi32, #tpu.memory_space<vmem>> -> memref<1x1x80xi32, #tpu.memory_space<vmem>>
        %dma_wait3A_445 = tpu.memref_squeeze %dma_wait3A_444 : memref<1x1x80xi32, #tpu.memory_space<vmem>> -> memref<80xi32, #tpu.memory_space<vmem>>
        %dma_wait3A_446 = arith.constant 0 : i32
        %dma_wait3A_447 = arith.constant 0 : i32
        %dma_wait3A_448 = tpu.memref_slice %arg12[%dma_wait3A_446, %dma_wait3A_447] : memref<10112x112xf32, #tpu.memory_space<vmem_shared>> -> memref<10112x112xf32, #tpu.memory_space<vmem_shared>>
        tpu.wait_indirect_dma semaphore(%run_scoped3A_436 : memref<!tpu.dma_semaphore, #tpu.memory_space<semaphore_mem>>) src(%arg7 : memref<80x112xf32, #tpu.memory_space<vmem>>) dst(%dma_wait3A_448 : memref<10112x112xf32, #tpu.memory_space<vmem_shared>>)
        tpu.yield
      }) : () -> ()
      %add3A_335 = arith.constant 5 : i32
      %add3A_336 = arith.addi %add3A_328, %add3A_335 : i32
      %min3A = arith.constant 124 : i32
      %min3A_337 = arith.minsi %add3A_336, %min3A : i32
      %dma_start3A_338 = arith.constant 0 : i32
      %dma_start3A_339 = tpu.memref_slice %arg5[%min3A_337, %dma_start3A_338] : memref<125x80xi32, #tpu.memory_space<vmem>> -> memref<1x80xi32, #tpu.memory_space<vmem>>
      %dma_start3A_340 = tpu.memref_squeeze %dma_start3A_339 : memref<1x80xi32, #tpu.memory_space<vmem>> -> memref<80xi32, #tpu.memory_space<vmem>>
      %dma_start3A_341 = arith.constant 0 : i32
      %dma_start3A_342 = arith.constant 0 : i32
      %dma_start3A_343 = tpu.memref_slice %arg2[%dma_start3A_341, %dma_start3A_342] : memref<10000x112xf32, #tpu.memory_space<hbm>> -> memref<10000x112xf32, #tpu.memory_space<hbm>>
      tpu.enqueue_indirect_dma source(%dma_start3A_343 : memref<10000x112xf32, #tpu.memory_space<hbm>>) target(%arg7 : memref<80x112xf32, #tpu.memory_space<vmem>>) offsets(%dma_start3A_340 : memref<80xi32, #tpu.memory_space<vmem>>) semaphore(%arg13 : memref<!tpu.dma_semaphore, #tpu.memory_space<semaphore_mem>>)
      %mul3A_344 = arith.constant 5 : i32
      %mul3A_345 = arith.muli %mul3A_344, %scan3A_322 : i32
      %add3A_346 = arith.constant 1 : i32
      %add3A_347 = arith.addi %mul3A_345, %add3A_346 : i32
      %add3A_348 = arith.constant 75 : i32
      %add3A_349 = arith.addi %add3A_348, %add3A_347 : i32
      %dma_wait3A_350 = arith.constant 0 : i32
      %dma_wait3A_351 = tpu.memref_slice %arg5[%add3A_349, %dma_wait3A_350] : memref<125x80xi32, #tpu.memory_space<vmem>> -> memref<1x80xi32, #tpu.memory_space<vmem>>
      %dma_wait3A_352 = tpu.memref_squeeze %dma_wait3A_351 : memref<1x80xi32, #tpu.memory_space<vmem>> -> memref<80xi32, #tpu.memory_space<vmem>>
      %dma_wait3A_353 = arith.constant 0 : i32
      %dma_wait3A_354 = arith.constant 0 : i32
      %dma_wait3A_355 = tpu.memref_slice %arg2[%dma_wait3A_353, %dma_wait3A_354] : memref<10000x112xf32, #tpu.memory_space<hbm>> -> memref<10000x112xf32, #tpu.memory_space<hbm>>
      tpu.wait_indirect_dma semaphore(%arg14 : memref<!tpu.dma_semaphore, #tpu.memory_space<semaphore_mem>>) src(%dma_wait3A_355 : memref<10000x112xf32, #tpu.memory_space<hbm>>) dst(%arg8 : memref<80x112xf32, #tpu.memory_space<vmem>>)
      %run_scoped3A_356 = arith.constant 1 : i32
      "tpu.region"() ({
        %run_scoped3A_436 = tpu.sem_alloc : memref<!tpu.dma_semaphore, #tpu.memory_space<semaphore_mem>>
        %dma_start3A_437 = arith.constant 0 : i32
        %dma_start3A_438 = tpu.memref_slice %arg6[%run_scoped3A_356, %add3A_347, %dma_start3A_437] : memref<2x25x80xi32, #tpu.memory_space<vmem>> -> memref<1x1x80xi32, #tpu.memory_space<vmem>>
        %dma_start3A_439 = tpu.memref_squeeze %dma_start3A_438 : memref<1x1x80xi32, #tpu.memory_space<vmem>> -> memref<80xi32, #tpu.memory_space<vmem>>
        %dma_start3A_440 = arith.constant 0 : i32
        %dma_start3A_441 = arith.constant 0 : i32
        %dma_start3A_442 = tpu.memref_slice %arg12[%dma_start3A_440, %dma_start3A_441] : memref<10112x112xf32, #tpu.memory_space<vmem_shared>> -> memref<10112x112xf32, #tpu.memory_space<vmem_shared>>
        tpu.enqueue_indirect_dma source(%arg8 : memref<80x112xf32, #tpu.memory_space<vmem>>) target(%dma_start3A_442 : memref<10112x112xf32, #tpu.memory_space<vmem_shared>>) offsets(%dma_start3A_439 : memref<80xi32, #tpu.memory_space<vmem>>) semaphore(%run_scoped3A_436 : memref<!tpu.dma_semaphore, #tpu.memory_space<semaphore_mem>>) {add = true}
        %dma_wait3A_443 = arith.constant 0 : i32
        %dma_wait3A_444 = tpu.memref_slice %arg6[%run_scoped3A_356, %add3A_347, %dma_wait3A_443] : memref<2x25x80xi32, #tpu.memory_space<vmem>> -> memref<1x1x80xi32, #tpu.memory_space<vmem>>
        %dma_wait3A_445 = tpu.memref_squeeze %dma_wait3A_444 : memref<1x1x80xi32, #tpu.memory_space<vmem>> -> memref<80xi32, #tpu.memory_space<vmem>>
        %dma_wait3A_446 = arith.constant 0 : i32
        %dma_wait3A_447 = arith.constant 0 : i32
        %dma_wait3A_448 = tpu.memref_slice %arg12[%dma_wait3A_446, %dma_wait3A_447] : memref<10112x112xf32, #tpu.memory_space<vmem_shared>> -> memref<10112x112xf32, #tpu.memory_space<vmem_shared>>
        tpu.wait_indirect_dma semaphore(%run_scoped3A_436 : memref<!tpu.dma_semaphore, #tpu.memory_space<semaphore_mem>>) src(%arg8 : memref<80x112xf32, #tpu.memory_space<vmem>>) dst(%dma_wait3A_448 : memref<10112x112xf32, #tpu.memory_space<vmem_shared>>)
        tpu.yield
      }) : () -> ()
      %add3A_357 = arith.constant 5 : i32
      %add3A_358 = arith.addi %add3A_349, %add3A_357 : i32
      %min3A_359 = arith.constant 124 : i32
      %min3A_360 = arith.minsi %add3A_358, %min3A_359 : i32
      %dma_start3A_361 = arith.constant 0 : i32
      %dma_start3A_362 = tpu.memref_slice %arg5[%min3A_360, %dma_start3A_361] : memref<125x80xi32, #tpu.memory_space<vmem>> -> memref<1x80xi32, #tpu.memory_space<vmem>>
      %dma_start3A_363 = tpu.memref_squeeze %dma_start3A_362 : memref<1x80xi32, #tpu.memory_space<vmem>> -> memref<80xi32, #tpu.memory_space<vmem>>
      %dma_start3A_364 = arith.constant 0 : i32
      %dma_start3A_365 = arith.constant 0 : i32
      %dma_start3A_366 = tpu.memref_slice %arg2[%dma_start3A_364, %dma_start3A_365] : memref<10000x112xf32, #tpu.memory_space<hbm>> -> memref<10000x112xf32, #tpu.memory_space<hbm>>
      tpu.enqueue_indirect_dma source(%dma_start3A_366 : memref<10000x112xf32, #tpu.memory_space<hbm>>) target(%arg8 : memref<80x112xf32, #tpu.memory_space<vmem>>) offsets(%dma_start3A_363 : memref<80xi32, #tpu.memory_space<vmem>>) semaphore(%arg14 : memref<!tpu.dma_semaphore, #tpu.memory_space<semaphore_mem>>)
      %mul3A_367 = arith.constant 5 : i32
      %mul3A_368 = arith.muli %mul3A_367, %scan3A_322 : i32
      %add3A_369 = arith.constant 2 : i32
      %add3A_370 = arith.addi %mul3A_368, %add3A_369 : i32
      %add3A_371 = arith.constant 75 : i32
      %add3A_372 = arith.addi %add3A_371, %add3A_370 : i32
      %dma_wait3A_373 = arith.constant 0 : i32
      %dma_wait3A_374 = tpu.memref_slice %arg5[%add3A_372, %dma_wait3A_373] : memref<125x80xi32, #tpu.memory_space<vmem>> -> memref<1x80xi32, #tpu.memory_space<vmem>>
      %dma_wait3A_375 = tpu.memref_squeeze %dma_wait3A_374 : memref<1x80xi32, #tpu.memory_space<vmem>> -> memref<80xi32, #tpu.memory_space<vmem>>
      %dma_wait3A_376 = arith.constant 0 : i32
      %dma_wait3A_377 = arith.constant 0 : i32
      %dma_wait3A_378 = tpu.memref_slice %arg2[%dma_wait3A_376, %dma_wait3A_377] : memref<10000x112xf32, #tpu.memory_space<hbm>> -> memref<10000x112xf32, #tpu.memory_space<hbm>>
      tpu.wait_indirect_dma semaphore(%arg15 : memref<!tpu.dma_semaphore, #tpu.memory_space<semaphore_mem>>) src(%dma_wait3A_378 : memref<10000x112xf32, #tpu.memory_space<hbm>>) dst(%arg9 : memref<80x112xf32, #tpu.memory_space<vmem>>)
      %run_scoped3A_379 = arith.constant 1 : i32
      "tpu.region"() ({
        %run_scoped3A_436 = tpu.sem_alloc : memref<!tpu.dma_semaphore, #tpu.memory_space<semaphore_mem>>
        %dma_start3A_437 = arith.constant 0 : i32
        %dma_start3A_438 = tpu.memref_slice %arg6[%run_scoped3A_379, %add3A_370, %dma_start3A_437] : memref<2x25x80xi32, #tpu.memory_space<vmem>> -> memref<1x1x80xi32, #tpu.memory_space<vmem>>
        %dma_start3A_439 = tpu.memref_squeeze %dma_start3A_438 : memref<1x1x80xi32, #tpu.memory_space<vmem>> -> memref<80xi32, #tpu.memory_space<vmem>>
        %dma_start3A_440 = arith.constant 0 : i32
        %dma_start3A_441 = arith.constant 0 : i32
        %dma_start3A_442 = tpu.memref_slice %arg12[%dma_start3A_440, %dma_start3A_441] : memref<10112x112xf32, #tpu.memory_space<vmem_shared>> -> memref<10112x112xf32, #tpu.memory_space<vmem_shared>>
        tpu.enqueue_indirect_dma source(%arg9 : memref<80x112xf32, #tpu.memory_space<vmem>>) target(%dma_start3A_442 : memref<10112x112xf32, #tpu.memory_space<vmem_shared>>) offsets(%dma_start3A_439 : memref<80xi32, #tpu.memory_space<vmem>>) semaphore(%run_scoped3A_436 : memref<!tpu.dma_semaphore, #tpu.memory_space<semaphore_mem>>) {add = true}
        %dma_wait3A_443 = arith.constant 0 : i32
        %dma_wait3A_444 = tpu.memref_slice %arg6[%run_scoped3A_379, %add3A_370, %dma_wait3A_443] : memref<2x25x80xi32, #tpu.memory_space<vmem>> -> memref<1x1x80xi32, #tpu.memory_space<vmem>>
        %dma_wait3A_445 = tpu.memref_squeeze %dma_wait3A_444 : memref<1x1x80xi32, #tpu.memory_space<vmem>> -> memref<80xi32, #tpu.memory_space<vmem>>
        %dma_wait3A_446 = arith.constant 0 : i32
        %dma_wait3A_447 = arith.constant 0 : i32
        %dma_wait3A_448 = tpu.memref_slice %arg12[%dma_wait3A_446, %dma_wait3A_447] : memref<10112x112xf32, #tpu.memory_space<vmem_shared>> -> memref<10112x112xf32, #tpu.memory_space<vmem_shared>>
        tpu.wait_indirect_dma semaphore(%run_scoped3A_436 : memref<!tpu.dma_semaphore, #tpu.memory_space<semaphore_mem>>) src(%arg9 : memref<80x112xf32, #tpu.memory_space<vmem>>) dst(%dma_wait3A_448 : memref<10112x112xf32, #tpu.memory_space<vmem_shared>>)
        tpu.yield
      }) : () -> ()
      %add3A_380 = arith.constant 5 : i32
      %add3A_381 = arith.addi %add3A_372, %add3A_380 : i32
      %min3A_382 = arith.constant 124 : i32
      %min3A_383 = arith.minsi %add3A_381, %min3A_382 : i32
      %dma_start3A_384 = arith.constant 0 : i32
      %dma_start3A_385 = tpu.memref_slice %arg5[%min3A_383, %dma_start3A_384] : memref<125x80xi32, #tpu.memory_space<vmem>> -> memref<1x80xi32, #tpu.memory_space<vmem>>
      %dma_start3A_386 = tpu.memref_squeeze %dma_start3A_385 : memref<1x80xi32, #tpu.memory_space<vmem>> -> memref<80xi32, #tpu.memory_space<vmem>>
      %dma_start3A_387 = arith.constant 0 : i32
      %dma_start3A_388 = arith.constant 0 : i32
      %dma_start3A_389 = tpu.memref_slice %arg2[%dma_start3A_387, %dma_start3A_388] : memref<10000x112xf32, #tpu.memory_space<hbm>> -> memref<10000x112xf32, #tpu.memory_space<hbm>>
      tpu.enqueue_indirect_dma source(%dma_start3A_389 : memref<10000x112xf32, #tpu.memory_space<hbm>>) target(%arg9 : memref<80x112xf32, #tpu.memory_space<vmem>>) offsets(%dma_start3A_386 : memref<80xi32, #tpu.memory_space<vmem>>) semaphore(%arg15 : memref<!tpu.dma_semaphore, #tpu.memory_space<semaphore_mem>>)
      %mul3A_390 = arith.constant 5 : i32
      %mul3A_391 = arith.muli %mul3A_390, %scan3A_322 : i32
      %add3A_392 = arith.constant 3 : i32
      %add3A_393 = arith.addi %mul3A_391, %add3A_392 : i32
      %add3A_394 = arith.constant 75 : i32
      %add3A_395 = arith.addi %add3A_394, %add3A_393 : i32
      %dma_wait3A_396 = arith.constant 0 : i32
      %dma_wait3A_397 = tpu.memref_slice %arg5[%add3A_395, %dma_wait3A_396] : memref<125x80xi32, #tpu.memory_space<vmem>> -> memref<1x80xi32, #tpu.memory_space<vmem>>
      %dma_wait3A_398 = tpu.memref_squeeze %dma_wait3A_397 : memref<1x80xi32, #tpu.memory_space<vmem>> -> memref<80xi32, #tpu.memory_space<vmem>>
      %dma_wait3A_399 = arith.constant 0 : i32
      %dma_wait3A_400 = arith.constant 0 : i32
      %dma_wait3A_401 = tpu.memref_slice %arg2[%dma_wait3A_399, %dma_wait3A_400] : memref<10000x112xf32, #tpu.memory_space<hbm>> -> memref<10000x112xf32, #tpu.memory_space<hbm>>
      tpu.wait_indirect_dma semaphore(%arg16 : memref<!tpu.dma_semaphore, #tpu.memory_space<semaphore_mem>>) src(%dma_wait3A_401 : memref<10000x112xf32, #tpu.memory_space<hbm>>) dst(%arg10 : memref<80x112xf32, #tpu.memory_space<vmem>>)
      %run_scoped3A_402 = arith.constant 1 : i32
      "tpu.region"() ({
        %run_scoped3A_436 = tpu.sem_alloc : memref<!tpu.dma_semaphore, #tpu.memory_space<semaphore_mem>>
        %dma_start3A_437 = arith.constant 0 : i32
        %dma_start3A_438 = tpu.memref_slice %arg6[%run_scoped3A_402, %add3A_393, %dma_start3A_437] : memref<2x25x80xi32, #tpu.memory_space<vmem>> -> memref<1x1x80xi32, #tpu.memory_space<vmem>>
        %dma_start3A_439 = tpu.memref_squeeze %dma_start3A_438 : memref<1x1x80xi32, #tpu.memory_space<vmem>> -> memref<80xi32, #tpu.memory_space<vmem>>
        %dma_start3A_440 = arith.constant 0 : i32
        %dma_start3A_441 = arith.constant 0 : i32
        %dma_start3A_442 = tpu.memref_slice %arg12[%dma_start3A_440, %dma_start3A_441] : memref<10112x112xf32, #tpu.memory_space<vmem_shared>> -> memref<10112x112xf32, #tpu.memory_space<vmem_shared>>
        tpu.enqueue_indirect_dma source(%arg10 : memref<80x112xf32, #tpu.memory_space<vmem>>) target(%dma_start3A_442 : memref<10112x112xf32, #tpu.memory_space<vmem_shared>>) offsets(%dma_start3A_439 : memref<80xi32, #tpu.memory_space<vmem>>) semaphore(%run_scoped3A_436 : memref<!tpu.dma_semaphore, #tpu.memory_space<semaphore_mem>>) {add = true}
        %dma_wait3A_443 = arith.constant 0 : i32
        %dma_wait3A_444 = tpu.memref_slice %arg6[%run_scoped3A_402, %add3A_393, %dma_wait3A_443] : memref<2x25x80xi32, #tpu.memory_space<vmem>> -> memref<1x1x80xi32, #tpu.memory_space<vmem>>
        %dma_wait3A_445 = tpu.memref_squeeze %dma_wait3A_444 : memref<1x1x80xi32, #tpu.memory_space<vmem>> -> memref<80xi32, #tpu.memory_space<vmem>>
        %dma_wait3A_446 = arith.constant 0 : i32
        %dma_wait3A_447 = arith.constant 0 : i32
        %dma_wait3A_448 = tpu.memref_slice %arg12[%dma_wait3A_446, %dma_wait3A_447] : memref<10112x112xf32, #tpu.memory_space<vmem_shared>> -> memref<10112x112xf32, #tpu.memory_space<vmem_shared>>
        tpu.wait_indirect_dma semaphore(%run_scoped3A_436 : memref<!tpu.dma_semaphore, #tpu.memory_space<semaphore_mem>>) src(%arg10 : memref<80x112xf32, #tpu.memory_space<vmem>>) dst(%dma_wait3A_448 : memref<10112x112xf32, #tpu.memory_space<vmem_shared>>)
        tpu.yield
      }) : () -> ()
      %add3A_403 = arith.constant 5 : i32
      %add3A_404 = arith.addi %add3A_395, %add3A_403 : i32
      %min3A_405 = arith.constant 124 : i32
      %min3A_406 = arith.minsi %add3A_404, %min3A_405 : i32
      %dma_start3A_407 = arith.constant 0 : i32
      %dma_start3A_408 = tpu.memref_slice %arg5[%min3A_406, %dma_start3A_407] : memref<125x80xi32, #tpu.memory_space<vmem>> -> memref<1x80xi32, #tpu.memory_space<vmem>>
      %dma_start3A_409 = tpu.memref_squeeze %dma_start3A_408 : memref<1x80xi32, #tpu.memory_space<vmem>> -> memref<80xi32, #tpu.memory_space<vmem>>
      %dma_start3A_410 = arith.constant 0 : i32
      %dma_start3A_411 = arith.constant 0 : i32
      %dma_start3A_412 = tpu.memref_slice %arg2[%dma_start3A_410, %dma_start3A_411] : memref<10000x112xf32, #tpu.memory_space<hbm>> -> memref<10000x112xf32, #tpu.memory_space<hbm>>
      tpu.enqueue_indirect_dma source(%dma_start3A_412 : memref<10000x112xf32, #tpu.memory_space<hbm>>) target(%arg10 : memref<80x112xf32, #tpu.memory_space<vmem>>) offsets(%dma_start3A_409 : memref<80xi32, #tpu.memory_space<vmem>>) semaphore(%arg16 : memref<!tpu.dma_semaphore, #tpu.memory_space<semaphore_mem>>)
      %mul3A_413 = arith.constant 5 : i32
      %mul3A_414 = arith.muli %mul3A_413, %scan3A_322 : i32
      %add3A_415 = arith.constant 4 : i32
      %add3A_416 = arith.addi %mul3A_414, %add3A_415 : i32
      %add3A_417 = arith.constant 75 : i32
      %add3A_418 = arith.addi %add3A_417, %add3A_416 : i32
      %dma_wait3A_419 = arith.constant 0 : i32
      %dma_wait3A_420 = tpu.memref_slice %arg5[%add3A_418, %dma_wait3A_419] : memref<125x80xi32, #tpu.memory_space<vmem>> -> memref<1x80xi32, #tpu.memory_space<vmem>>
      %dma_wait3A_421 = tpu.memref_squeeze %dma_wait3A_420 : memref<1x80xi32, #tpu.memory_space<vmem>> -> memref<80xi32, #tpu.memory_space<vmem>>
      %dma_wait3A_422 = arith.constant 0 : i32
      %dma_wait3A_423 = arith.constant 0 : i32
      %dma_wait3A_424 = tpu.memref_slice %arg2[%dma_wait3A_422, %dma_wait3A_423] : memref<10000x112xf32, #tpu.memory_space<hbm>> -> memref<10000x112xf32, #tpu.memory_space<hbm>>
      tpu.wait_indirect_dma semaphore(%arg17 : memref<!tpu.dma_semaphore, #tpu.memory_space<semaphore_mem>>) src(%dma_wait3A_424 : memref<10000x112xf32, #tpu.memory_space<hbm>>) dst(%arg11 : memref<80x112xf32, #tpu.memory_space<vmem>>)
      %run_scoped3A_425 = arith.constant 1 : i32
      "tpu.region"() ({
        %run_scoped3A_436 = tpu.sem_alloc : memref<!tpu.dma_semaphore, #tpu.memory_space<semaphore_mem>>
        %dma_start3A_437 = arith.constant 0 : i32
        %dma_start3A_438 = tpu.memref_slice %arg6[%run_scoped3A_425, %add3A_416, %dma_start3A_437] : memref<2x25x80xi32, #tpu.memory_space<vmem>> -> memref<1x1x80xi32, #tpu.memory_space<vmem>>
        %dma_start3A_439 = tpu.memref_squeeze %dma_start3A_438 : memref<1x1x80xi32, #tpu.memory_space<vmem>> -> memref<80xi32, #tpu.memory_space<vmem>>
        %dma_start3A_440 = arith.constant 0 : i32
        %dma_start3A_441 = arith.constant 0 : i32
        %dma_start3A_442 = tpu.memref_slice %arg12[%dma_start3A_440, %dma_start3A_441] : memref<10112x112xf32, #tpu.memory_space<vmem_shared>> -> memref<10112x112xf32, #tpu.memory_space<vmem_shared>>
        tpu.enqueue_indirect_dma source(%arg11 : memref<80x112xf32, #tpu.memory_space<vmem>>) target(%dma_start3A_442 : memref<10112x112xf32, #tpu.memory_space<vmem_shared>>) offsets(%dma_start3A_439 : memref<80xi32, #tpu.memory_space<vmem>>) semaphore(%run_scoped3A_436 : memref<!tpu.dma_semaphore, #tpu.memory_space<semaphore_mem>>) {add = true}
        %dma_wait3A_443 = arith.constant 0 : i32
        %dma_wait3A_444 = tpu.memref_slice %arg6[%run_scoped3A_425, %add3A_416, %dma_wait3A_443] : memref<2x25x80xi32, #tpu.memory_space<vmem>> -> memref<1x1x80xi32, #tpu.memory_space<vmem>>
        %dma_wait3A_445 = tpu.memref_squeeze %dma_wait3A_444 : memref<1x1x80xi32, #tpu.memory_space<vmem>> -> memref<80xi32, #tpu.memory_space<vmem>>
        %dma_wait3A_446 = arith.constant 0 : i32
        %dma_wait3A_447 = arith.constant 0 : i32
        %dma_wait3A_448 = tpu.memref_slice %arg12[%dma_wait3A_446, %dma_wait3A_447] : memref<10112x112xf32, #tpu.memory_space<vmem_shared>> -> memref<10112x112xf32, #tpu.memory_space<vmem_shared>>
        tpu.wait_indirect_dma semaphore(%run_scoped3A_436 : memref<!tpu.dma_semaphore, #tpu.memory_space<semaphore_mem>>) src(%arg11 : memref<80x112xf32, #tpu.memory_space<vmem>>) dst(%dma_wait3A_448 : memref<10112x112xf32, #tpu.memory_space<vmem_shared>>)
        tpu.yield
      }) : () -> ()
      %add3A_426 = arith.constant 5 : i32
      %add3A_427 = arith.addi %add3A_418, %add3A_426 : i32
      %min3A_428 = arith.constant 124 : i32
      %min3A_429 = arith.minsi %add3A_427, %min3A_428 : i32
      %dma_start3A_430 = arith.constant 0 : i32
      %dma_start3A_431 = tpu.memref_slice %arg5[%min3A_429, %dma_start3A_430] : memref<125x80xi32, #tpu.memory_space<vmem>> -> memref<1x80xi32, #tpu.memory_space<vmem>>
      %dma_start3A_432 = tpu.memref_squeeze %dma_start3A_431 : memref<1x80xi32, #tpu.memory_space<vmem>> -> memref<80xi32, #tpu.memory_space<vmem>>
      %dma_start3A_433 = arith.constant 0 : i32
      %dma_start3A_434 = arith.constant 0 : i32
      %dma_start3A_435 = tpu.memref_slice %arg2[%dma_start3A_433, %dma_start3A_434] : memref<10000x112xf32, #tpu.memory_space<hbm>> -> memref<10000x112xf32, #tpu.memory_space<hbm>>
      tpu.enqueue_indirect_dma source(%dma_start3A_435 : memref<10000x112xf32, #tpu.memory_space<hbm>>) target(%arg11 : memref<80x112xf32, #tpu.memory_space<vmem>>) offsets(%dma_start3A_432 : memref<80xi32, #tpu.memory_space<vmem>>) semaphore(%arg17 : memref<!tpu.dma_semaphore, #tpu.memory_space<semaphore_mem>>)
    }
    %scan3A_261 = arith.constant 5 : i32
    %dma_wait3A_262 = arith.constant 1 : i32
    %dma_wait3A_263 = arith.constant 0 : i32
    %dma_wait3A_264 = arith.constant 0 : i32
    %dma_wait3A_265 = arith.constant 0 : i32
    %dma_wait3A_266 = tpu.memref_slice %arg6[%dma_wait3A_263, %dma_wait3A_264, %dma_wait3A_265] : memref<2x25x80xi32, #tpu.memory_space<vmem>> -> memref<1x25x80xi32, #tpu.memory_space<vmem>>
    %dma_wait3A_267 = tpu.memref_squeeze %dma_wait3A_266 : memref<1x25x80xi32, #tpu.memory_space<vmem>> -> memref<25x80xi32, #tpu.memory_space<vmem>>
    %dma_wait3A_268 = arith.constant 100 : i32
    %dma_wait3A_269 = arith.constant 0 : i32
    %dma_wait3A_270 = tpu.memref_slice %arg3[%dma_wait3A_262, %add3A, %dma_wait3A_268, %dma_wait3A_269] : memref<2x32x125x80xi32, #tpu.memory_space<hbm>> -> memref<1x1x25x80xi32, #tpu.memory_space<hbm>>
    %dma_wait3A_271 = tpu.memref_squeeze %dma_wait3A_270 : memref<1x1x25x80xi32, #tpu.memory_space<hbm>> -> memref<25x80xi32, #tpu.memory_space<hbm>>
    %dma_wait3A_272 = arith.constant 0 : i32
    %dma_wait3A_273 = arith.constant 0 : i32
    %dma_wait3A_274 = tpu.memref_slice %arg6[%dma_wait3A_263, %dma_wait3A_272, %dma_wait3A_273] : memref<2x25x80xi32, #tpu.memory_space<vmem>> -> memref<1x25x80xi32, #tpu.memory_space<vmem>>
    %dma_wait3A_275 = tpu.memref_squeeze %dma_wait3A_274 : memref<1x25x80xi32, #tpu.memory_space<vmem>> -> memref<25x80xi32, #tpu.memory_space<vmem>>
    %dma_wait3A_276 = arith.constant 100 : i32
    %dma_wait3A_277 = arith.constant 0 : i32
    %dma_wait3A_278 = tpu.memref_slice %arg3[%dma_wait3A_262, %add3A, %dma_wait3A_276, %dma_wait3A_277] : memref<2x32x125x80xi32, #tpu.memory_space<hbm>> -> memref<1x1x25x80xi32, #tpu.memory_space<hbm>>
    %dma_wait3A_279 = tpu.memref_squeeze %dma_wait3A_278 : memref<1x1x25x80xi32, #tpu.memory_space<hbm>> -> memref<25x80xi32, #tpu.memory_space<hbm>>
    tpu.wait_dma2 semaphore(%arg19 : memref<!tpu.dma_semaphore, #tpu.memory_space<semaphore_mem>>) src(%dma_wait3A_279 : memref<25x80xi32, #tpu.memory_space<hbm>>) dst(%dma_wait3A_275 : memref<25x80xi32, #tpu.memory_space<vmem>>)
    %scan3A_280 = arith.constant 0 : i32
    %scan3A_281 = arith.constant 0 : i32
    %scan3A_282 = arith.constant 5 : i32
    %scan3A_283 = arith.addi %scan3A_281, %scan3A_282 : i32
    %scan3A_284 = arith.constant 1 : i32
    scf.for %scan3A_322 = %scan3A_281 to %scan3A_283 step %scan3A_284  : i32 {
      %mul3A_323 = arith.constant 5 : i32
      %mul3A_324 = arith.muli %mul3A_323, %scan3A_322 : i32
      %add3A_325 = arith.constant 0 : i32
      %add3A_326 = arith.addi %mul3A_324, %add3A_325 : i32
      %add3A_327 = arith.constant 100 : i32
      %add3A_328 = arith.addi %add3A_327, %add3A_326 : i32
      %dma_wait3A_329 = arith.constant 0 : i32
      %dma_wait3A_330 = tpu.memref_slice %arg5[%add3A_328, %dma_wait3A_329] : memref<125x80xi32, #tpu.memory_space<vmem>> -> memref<1x80xi32, #tpu.memory_space<vmem>>
      %dma_wait3A_331 = tpu.memref_squeeze %dma_wait3A_330 : memref<1x80xi32, #tpu.memory_space<vmem>> -> memref<80xi32, #tpu.memory_space<vmem>>
      %dma_wait3A_332 = arith.constant 0 : i32
      %dma_wait3A_333 = arith.constant 0 : i32
      %dma_wait3A_334 = tpu.memref_slice %arg2[%dma_wait3A_332, %dma_wait3A_333] : memref<10000x112xf32, #tpu.memory_space<hbm>> -> memref<10000x112xf32, #tpu.memory_space<hbm>>
      tpu.wait_indirect_dma semaphore(%arg13 : memref<!tpu.dma_semaphore, #tpu.memory_space<semaphore_mem>>) src(%dma_wait3A_334 : memref<10000x112xf32, #tpu.memory_space<hbm>>) dst(%arg7 : memref<80x112xf32, #tpu.memory_space<vmem>>)
      %run_scoped3A = arith.constant 0 : i32
      "tpu.region"() ({
        %run_scoped3A_436 = tpu.sem_alloc : memref<!tpu.dma_semaphore, #tpu.memory_space<semaphore_mem>>
        %dma_start3A_437 = arith.constant 0 : i32
        %dma_start3A_438 = tpu.memref_slice %arg6[%run_scoped3A, %add3A_326, %dma_start3A_437] : memref<2x25x80xi32, #tpu.memory_space<vmem>> -> memref<1x1x80xi32, #tpu.memory_space<vmem>>
        %dma_start3A_439 = tpu.memref_squeeze %dma_start3A_438 : memref<1x1x80xi32, #tpu.memory_space<vmem>> -> memref<80xi32, #tpu.memory_space<vmem>>
        %dma_start3A_440 = arith.constant 0 : i32
        %dma_start3A_441 = arith.constant 0 : i32
        %dma_start3A_442 = tpu.memref_slice %arg12[%dma_start3A_440, %dma_start3A_441] : memref<10112x112xf32, #tpu.memory_space<vmem_shared>> -> memref<10112x112xf32, #tpu.memory_space<vmem_shared>>
        tpu.enqueue_indirect_dma source(%arg7 : memref<80x112xf32, #tpu.memory_space<vmem>>) target(%dma_start3A_442 : memref<10112x112xf32, #tpu.memory_space<vmem_shared>>) offsets(%dma_start3A_439 : memref<80xi32, #tpu.memory_space<vmem>>) semaphore(%run_scoped3A_436 : memref<!tpu.dma_semaphore, #tpu.memory_space<semaphore_mem>>) {add = true}
        %dma_wait3A_443 = arith.constant 0 : i32
        %dma_wait3A_444 = tpu.memref_slice %arg6[%run_scoped3A, %add3A_326, %dma_wait3A_443] : memref<2x25x80xi32, #tpu.memory_space<vmem>> -> memref<1x1x80xi32, #tpu.memory_space<vmem>>
        %dma_wait3A_445 = tpu.memref_squeeze %dma_wait3A_444 : memref<1x1x80xi32, #tpu.memory_space<vmem>> -> memref<80xi32, #tpu.memory_space<vmem>>
        %dma_wait3A_446 = arith.constant 0 : i32
        %dma_wait3A_447 = arith.constant 0 : i32
        %dma_wait3A_448 = tpu.memref_slice %arg12[%dma_wait3A_446, %dma_wait3A_447] : memref<10112x112xf32, #tpu.memory_space<vmem_shared>> -> memref<10112x112xf32, #tpu.memory_space<vmem_shared>>
        tpu.wait_indirect_dma semaphore(%run_scoped3A_436 : memref<!tpu.dma_semaphore, #tpu.memory_space<semaphore_mem>>) src(%arg7 : memref<80x112xf32, #tpu.memory_space<vmem>>) dst(%dma_wait3A_448 : memref<10112x112xf32, #tpu.memory_space<vmem_shared>>)
        tpu.yield
      }) : () -> ()
      %add3A_335 = arith.constant 5 : i32
      %add3A_336 = arith.addi %add3A_328, %add3A_335 : i32
      %min3A = arith.constant 124 : i32
      %min3A_337 = arith.minsi %add3A_336, %min3A : i32
      %dma_start3A_338 = arith.constant 0 : i32
      %dma_start3A_339 = tpu.memref_slice %arg5[%min3A_337, %dma_start3A_338] : memref<125x80xi32, #tpu.memory_space<vmem>> -> memref<1x80xi32, #tpu.memory_space<vmem>>
      %dma_start3A_340 = tpu.memref_squeeze %dma_start3A_339 : memref<1x80xi32, #tpu.memory_space<vmem>> -> memref<80xi32, #tpu.memory_space<vmem>>
      %dma_start3A_341 = arith.constant 0 : i32
      %dma_start3A_342 = arith.constant 0 : i32
      %dma_start3A_343 = tpu.memref_slice %arg2[%dma_start3A_341, %dma_start3A_342] : memref<10000x112xf32, #tpu.memory_space<hbm>> -> memref<10000x112xf32, #tpu.memory_space<hbm>>
      tpu.enqueue_indirect_dma source(%dma_start3A_343 : memref<10000x112xf32, #tpu.memory_space<hbm>>) target(%arg7 : memref<80x112xf32, #tpu.memory_space<vmem>>) offsets(%dma_start3A_340 : memref<80xi32, #tpu.memory_space<vmem>>) semaphore(%arg13 : memref<!tpu.dma_semaphore, #tpu.memory_space<semaphore_mem>>)
      %mul3A_344 = arith.constant 5 : i32
      %mul3A_345 = arith.muli %mul3A_344, %scan3A_322 : i32
      %add3A_346 = arith.constant 1 : i32
      %add3A_347 = arith.addi %mul3A_345, %add3A_346 : i32
      %add3A_348 = arith.constant 100 : i32
      %add3A_349 = arith.addi %add3A_348, %add3A_347 : i32
      %dma_wait3A_350 = arith.constant 0 : i32
      %dma_wait3A_351 = tpu.memref_slice %arg5[%add3A_349, %dma_wait3A_350] : memref<125x80xi32, #tpu.memory_space<vmem>> -> memref<1x80xi32, #tpu.memory_space<vmem>>
      %dma_wait3A_352 = tpu.memref_squeeze %dma_wait3A_351 : memref<1x80xi32, #tpu.memory_space<vmem>> -> memref<80xi32, #tpu.memory_space<vmem>>
      %dma_wait3A_353 = arith.constant 0 : i32
      %dma_wait3A_354 = arith.constant 0 : i32
      %dma_wait3A_355 = tpu.memref_slice %arg2[%dma_wait3A_353, %dma_wait3A_354] : memref<10000x112xf32, #tpu.memory_space<hbm>> -> memref<10000x112xf32, #tpu.memory_space<hbm>>
      tpu.wait_indirect_dma semaphore(%arg14 : memref<!tpu.dma_semaphore, #tpu.memory_space<semaphore_mem>>) src(%dma_wait3A_355 : memref<10000x112xf32, #tpu.memory_space<hbm>>) dst(%arg8 : memref<80x112xf32, #tpu.memory_space<vmem>>)
      %run_scoped3A_356 = arith.constant 0 : i32
      "tpu.region"() ({
        %run_scoped3A_436 = tpu.sem_alloc : memref<!tpu.dma_semaphore, #tpu.memory_space<semaphore_mem>>
        %dma_start3A_437 = arith.constant 0 : i32
        %dma_start3A_438 = tpu.memref_slice %arg6[%run_scoped3A_356, %add3A_347, %dma_start3A_437] : memref<2x25x80xi32, #tpu.memory_space<vmem>> -> memref<1x1x80xi32, #tpu.memory_space<vmem>>
        %dma_start3A_439 = tpu.memref_squeeze %dma_start3A_438 : memref<1x1x80xi32, #tpu.memory_space<vmem>> -> memref<80xi32, #tpu.memory_space<vmem>>
        %dma_start3A_440 = arith.constant 0 : i32
        %dma_start3A_441 = arith.constant 0 : i32
        %dma_start3A_442 = tpu.memref_slice %arg12[%dma_start3A_440, %dma_start3A_441] : memref<10112x112xf32, #tpu.memory_space<vmem_shared>> -> memref<10112x112xf32, #tpu.memory_space<vmem_shared>>
        tpu.enqueue_indirect_dma source(%arg8 : memref<80x112xf32, #tpu.memory_space<vmem>>) target(%dma_start3A_442 : memref<10112x112xf32, #tpu.memory_space<vmem_shared>>) offsets(%dma_start3A_439 : memref<80xi32, #tpu.memory_space<vmem>>) semaphore(%run_scoped3A_436 : memref<!tpu.dma_semaphore, #tpu.memory_space<semaphore_mem>>) {add = true}
        %dma_wait3A_443 = arith.constant 0 : i32
        %dma_wait3A_444 = tpu.memref_slice %arg6[%run_scoped3A_356, %add3A_347, %dma_wait3A_443] : memref<2x25x80xi32, #tpu.memory_space<vmem>> -> memref<1x1x80xi32, #tpu.memory_space<vmem>>
        %dma_wait3A_445 = tpu.memref_squeeze %dma_wait3A_444 : memref<1x1x80xi32, #tpu.memory_space<vmem>> -> memref<80xi32, #tpu.memory_space<vmem>>
        %dma_wait3A_446 = arith.constant 0 : i32
        %dma_wait3A_447 = arith.constant 0 : i32
        %dma_wait3A_448 = tpu.memref_slice %arg12[%dma_wait3A_446, %dma_wait3A_447] : memref<10112x112xf32, #tpu.memory_space<vmem_shared>> -> memref<10112x112xf32, #tpu.memory_space<vmem_shared>>
        tpu.wait_indirect_dma semaphore(%run_scoped3A_436 : memref<!tpu.dma_semaphore, #tpu.memory_space<semaphore_mem>>) src(%arg8 : memref<80x112xf32, #tpu.memory_space<vmem>>) dst(%dma_wait3A_448 : memref<10112x112xf32, #tpu.memory_space<vmem_shared>>)
        tpu.yield
      }) : () -> ()
      %add3A_357 = arith.constant 5 : i32
      %add3A_358 = arith.addi %add3A_349, %add3A_357 : i32
      %min3A_359 = arith.constant 124 : i32
      %min3A_360 = arith.minsi %add3A_358, %min3A_359 : i32
      %dma_start3A_361 = arith.constant 0 : i32
      %dma_start3A_362 = tpu.memref_slice %arg5[%min3A_360, %dma_start3A_361] : memref<125x80xi32, #tpu.memory_space<vmem>> -> memref<1x80xi32, #tpu.memory_space<vmem>>
      %dma_start3A_363 = tpu.memref_squeeze %dma_start3A_362 : memref<1x80xi32, #tpu.memory_space<vmem>> -> memref<80xi32, #tpu.memory_space<vmem>>
      %dma_start3A_364 = arith.constant 0 : i32
      %dma_start3A_365 = arith.constant 0 : i32
      %dma_start3A_366 = tpu.memref_slice %arg2[%dma_start3A_364, %dma_start3A_365] : memref<10000x112xf32, #tpu.memory_space<hbm>> -> memref<10000x112xf32, #tpu.memory_space<hbm>>
      tpu.enqueue_indirect_dma source(%dma_start3A_366 : memref<10000x112xf32, #tpu.memory_space<hbm>>) target(%arg8 : memref<80x112xf32, #tpu.memory_space<vmem>>) offsets(%dma_start3A_363 : memref<80xi32, #tpu.memory_space<vmem>>) semaphore(%arg14 : memref<!tpu.dma_semaphore, #tpu.memory_space<semaphore_mem>>)
      %mul3A_367 = arith.constant 5 : i32
      %mul3A_368 = arith.muli %mul3A_367, %scan3A_322 : i32
      %add3A_369 = arith.constant 2 : i32
      %add3A_370 = arith.addi %mul3A_368, %add3A_369 : i32
      %add3A_371 = arith.constant 100 : i32
      %add3A_372 = arith.addi %add3A_371, %add3A_370 : i32
      %dma_wait3A_373 = arith.constant 0 : i32
      %dma_wait3A_374 = tpu.memref_slice %arg5[%add3A_372, %dma_wait3A_373] : memref<125x80xi32, #tpu.memory_space<vmem>> -> memref<1x80xi32, #tpu.memory_space<vmem>>
      %dma_wait3A_375 = tpu.memref_squeeze %dma_wait3A_374 : memref<1x80xi32, #tpu.memory_space<vmem>> -> memref<80xi32, #tpu.memory_space<vmem>>
      %dma_wait3A_376 = arith.constant 0 : i32
      %dma_wait3A_377 = arith.constant 0 : i32
      %dma_wait3A_378 = tpu.memref_slice %arg2[%dma_wait3A_376, %dma_wait3A_377] : memref<10000x112xf32, #tpu.memory_space<hbm>> -> memref<10000x112xf32, #tpu.memory_space<hbm>>
      tpu.wait_indirect_dma semaphore(%arg15 : memref<!tpu.dma_semaphore, #tpu.memory_space<semaphore_mem>>) src(%dma_wait3A_378 : memref<10000x112xf32, #tpu.memory_space<hbm>>) dst(%arg9 : memref<80x112xf32, #tpu.memory_space<vmem>>)
      %run_scoped3A_379 = arith.constant 0 : i32
      "tpu.region"() ({
        %run_scoped3A_436 = tpu.sem_alloc : memref<!tpu.dma_semaphore, #tpu.memory_space<semaphore_mem>>
        %dma_start3A_437 = arith.constant 0 : i32
        %dma_start3A_438 = tpu.memref_slice %arg6[%run_scoped3A_379, %add3A_370, %dma_start3A_437] : memref<2x25x80xi32, #tpu.memory_space<vmem>> -> memref<1x1x80xi32, #tpu.memory_space<vmem>>
        %dma_start3A_439 = tpu.memref_squeeze %dma_start3A_438 : memref<1x1x80xi32, #tpu.memory_space<vmem>> -> memref<80xi32, #tpu.memory_space<vmem>>
        %dma_start3A_440 = arith.constant 0 : i32
        %dma_start3A_441 = arith.constant 0 : i32
        %dma_start3A_442 = tpu.memref_slice %arg12[%dma_start3A_440, %dma_start3A_441] : memref<10112x112xf32, #tpu.memory_space<vmem_shared>> -> memref<10112x112xf32, #tpu.memory_space<vmem_shared>>
        tpu.enqueue_indirect_dma source(%arg9 : memref<80x112xf32, #tpu.memory_space<vmem>>) target(%dma_start3A_442 : memref<10112x112xf32, #tpu.memory_space<vmem_shared>>) offsets(%dma_start3A_439 : memref<80xi32, #tpu.memory_space<vmem>>) semaphore(%run_scoped3A_436 : memref<!tpu.dma_semaphore, #tpu.memory_space<semaphore_mem>>) {add = true}
        %dma_wait3A_443 = arith.constant 0 : i32
        %dma_wait3A_444 = tpu.memref_slice %arg6[%run_scoped3A_379, %add3A_370, %dma_wait3A_443] : memref<2x25x80xi32, #tpu.memory_space<vmem>> -> memref<1x1x80xi32, #tpu.memory_space<vmem>>
        %dma_wait3A_445 = tpu.memref_squeeze %dma_wait3A_444 : memref<1x1x80xi32, #tpu.memory_space<vmem>> -> memref<80xi32, #tpu.memory_space<vmem>>
        %dma_wait3A_446 = arith.constant 0 : i32
        %dma_wait3A_447 = arith.constant 0 : i32
        %dma_wait3A_448 = tpu.memref_slice %arg12[%dma_wait3A_446, %dma_wait3A_447] : memref<10112x112xf32, #tpu.memory_space<vmem_shared>> -> memref<10112x112xf32, #tpu.memory_space<vmem_shared>>
        tpu.wait_indirect_dma semaphore(%run_scoped3A_436 : memref<!tpu.dma_semaphore, #tpu.memory_space<semaphore_mem>>) src(%arg9 : memref<80x112xf32, #tpu.memory_space<vmem>>) dst(%dma_wait3A_448 : memref<10112x112xf32, #tpu.memory_space<vmem_shared>>)
        tpu.yield
      }) : () -> ()
      %add3A_380 = arith.constant 5 : i32
      %add3A_381 = arith.addi %add3A_372, %add3A_380 : i32
      %min3A_382 = arith.constant 124 : i32
      %min3A_383 = arith.minsi %add3A_381, %min3A_382 : i32
      %dma_start3A_384 = arith.constant 0 : i32
      %dma_start3A_385 = tpu.memref_slice %arg5[%min3A_383, %dma_start3A_384] : memref<125x80xi32, #tpu.memory_space<vmem>> -> memref<1x80xi32, #tpu.memory_space<vmem>>
      %dma_start3A_386 = tpu.memref_squeeze %dma_start3A_385 : memref<1x80xi32, #tpu.memory_space<vmem>> -> memref<80xi32, #tpu.memory_space<vmem>>
      %dma_start3A_387 = arith.constant 0 : i32
      %dma_start3A_388 = arith.constant 0 : i32
      %dma_start3A_389 = tpu.memref_slice %arg2[%dma_start3A_387, %dma_start3A_388] : memref<10000x112xf32, #tpu.memory_space<hbm>> -> memref<10000x112xf32, #tpu.memory_space<hbm>>
      tpu.enqueue_indirect_dma source(%dma_start3A_389 : memref<10000x112xf32, #tpu.memory_space<hbm>>) target(%arg9 : memref<80x112xf32, #tpu.memory_space<vmem>>) offsets(%dma_start3A_386 : memref<80xi32, #tpu.memory_space<vmem>>) semaphore(%arg15 : memref<!tpu.dma_semaphore, #tpu.memory_space<semaphore_mem>>)
      %mul3A_390 = arith.constant 5 : i32
      %mul3A_391 = arith.muli %mul3A_390, %scan3A_322 : i32
      %add3A_392 = arith.constant 3 : i32
      %add3A_393 = arith.addi %mul3A_391, %add3A_392 : i32
      %add3A_394 = arith.constant 100 : i32
      %add3A_395 = arith.addi %add3A_394, %add3A_393 : i32
      %dma_wait3A_396 = arith.constant 0 : i32
      %dma_wait3A_397 = tpu.memref_slice %arg5[%add3A_395, %dma_wait3A_396] : memref<125x80xi32, #tpu.memory_space<vmem>> -> memref<1x80xi32, #tpu.memory_space<vmem>>
      %dma_wait3A_398 = tpu.memref_squeeze %dma_wait3A_397 : memref<1x80xi32, #tpu.memory_space<vmem>> -> memref<80xi32, #tpu.memory_space<vmem>>
      %dma_wait3A_399 = arith.constant 0 : i32
      %dma_wait3A_400 = arith.constant 0 : i32
      %dma_wait3A_401 = tpu.memref_slice %arg2[%dma_wait3A_399, %dma_wait3A_400] : memref<10000x112xf32, #tpu.memory_space<hbm>> -> memref<10000x112xf32, #tpu.memory_space<hbm>>
      tpu.wait_indirect_dma semaphore(%arg16 : memref<!tpu.dma_semaphore, #tpu.memory_space<semaphore_mem>>) src(%dma_wait3A_401 : memref<10000x112xf32, #tpu.memory_space<hbm>>) dst(%arg10 : memref<80x112xf32, #tpu.memory_space<vmem>>)
      %run_scoped3A_402 = arith.constant 0 : i32
      "tpu.region"() ({
        %run_scoped3A_436 = tpu.sem_alloc : memref<!tpu.dma_semaphore, #tpu.memory_space<semaphore_mem>>
        %dma_start3A_437 = arith.constant 0 : i32
        %dma_start3A_438 = tpu.memref_slice %arg6[%run_scoped3A_402, %add3A_393, %dma_start3A_437] : memref<2x25x80xi32, #tpu.memory_space<vmem>> -> memref<1x1x80xi32, #tpu.memory_space<vmem>>
        %dma_start3A_439 = tpu.memref_squeeze %dma_start3A_438 : memref<1x1x80xi32, #tpu.memory_space<vmem>> -> memref<80xi32, #tpu.memory_space<vmem>>
        %dma_start3A_440 = arith.constant 0 : i32
        %dma_start3A_441 = arith.constant 0 : i32
        %dma_start3A_442 = tpu.memref_slice %arg12[%dma_start3A_440, %dma_start3A_441] : memref<10112x112xf32, #tpu.memory_space<vmem_shared>> -> memref<10112x112xf32, #tpu.memory_space<vmem_shared>>
        tpu.enqueue_indirect_dma source(%arg10 : memref<80x112xf32, #tpu.memory_space<vmem>>) target(%dma_start3A_442 : memref<10112x112xf32, #tpu.memory_space<vmem_shared>>) offsets(%dma_start3A_439 : memref<80xi32, #tpu.memory_space<vmem>>) semaphore(%run_scoped3A_436 : memref<!tpu.dma_semaphore, #tpu.memory_space<semaphore_mem>>) {add = true}
        %dma_wait3A_443 = arith.constant 0 : i32
        %dma_wait3A_444 = tpu.memref_slice %arg6[%run_scoped3A_402, %add3A_393, %dma_wait3A_443] : memref<2x25x80xi32, #tpu.memory_space<vmem>> -> memref<1x1x80xi32, #tpu.memory_space<vmem>>
        %dma_wait3A_445 = tpu.memref_squeeze %dma_wait3A_444 : memref<1x1x80xi32, #tpu.memory_space<vmem>> -> memref<80xi32, #tpu.memory_space<vmem>>
        %dma_wait3A_446 = arith.constant 0 : i32
        %dma_wait3A_447 = arith.constant 0 : i32
        %dma_wait3A_448 = tpu.memref_slice %arg12[%dma_wait3A_446, %dma_wait3A_447] : memref<10112x112xf32, #tpu.memory_space<vmem_shared>> -> memref<10112x112xf32, #tpu.memory_space<vmem_shared>>
        tpu.wait_indirect_dma semaphore(%run_scoped3A_436 : memref<!tpu.dma_semaphore, #tpu.memory_space<semaphore_mem>>) src(%arg10 : memref<80x112xf32, #tpu.memory_space<vmem>>) dst(%dma_wait3A_448 : memref<10112x112xf32, #tpu.memory_space<vmem_shared>>)
        tpu.yield
      }) : () -> ()
      %add3A_403 = arith.constant 5 : i32
      %add3A_404 = arith.addi %add3A_395, %add3A_403 : i32
      %min3A_405 = arith.constant 124 : i32
      %min3A_406 = arith.minsi %add3A_404, %min3A_405 : i32
      %dma_start3A_407 = arith.constant 0 : i32
      %dma_start3A_408 = tpu.memref_slice %arg5[%min3A_406, %dma_start3A_407] : memref<125x80xi32, #tpu.memory_space<vmem>> -> memref<1x80xi32, #tpu.memory_space<vmem>>
      %dma_start3A_409 = tpu.memref_squeeze %dma_start3A_408 : memref<1x80xi32, #tpu.memory_space<vmem>> -> memref<80xi32, #tpu.memory_space<vmem>>
      %dma_start3A_410 = arith.constant 0 : i32
      %dma_start3A_411 = arith.constant 0 : i32
      %dma_start3A_412 = tpu.memref_slice %arg2[%dma_start3A_410, %dma_start3A_411] : memref<10000x112xf32, #tpu.memory_space<hbm>> -> memref<10000x112xf32, #tpu.memory_space<hbm>>
      tpu.enqueue_indirect_dma source(%dma_start3A_412 : memref<10000x112xf32, #tpu.memory_space<hbm>>) target(%arg10 : memref<80x112xf32, #tpu.memory_space<vmem>>) offsets(%dma_start3A_409 : memref<80xi32, #tpu.memory_space<vmem>>) semaphore(%arg16 : memref<!tpu.dma_semaphore, #tpu.memory_space<semaphore_mem>>)
      %mul3A_413 = arith.constant 5 : i32
      %mul3A_414 = arith.muli %mul3A_413, %scan3A_322 : i32
      %add3A_415 = arith.constant 4 : i32
      %add3A_416 = arith.addi %mul3A_414, %add3A_415 : i32
      %add3A_417 = arith.constant 100 : i32
      %add3A_418 = arith.addi %add3A_417, %add3A_416 : i32
      %dma_wait3A_419 = arith.constant 0 : i32
      %dma_wait3A_420 = tpu.memref_slice %arg5[%add3A_418, %dma_wait3A_419] : memref<125x80xi32, #tpu.memory_space<vmem>> -> memref<1x80xi32, #tpu.memory_space<vmem>>
      %dma_wait3A_421 = tpu.memref_squeeze %dma_wait3A_420 : memref<1x80xi32, #tpu.memory_space<vmem>> -> memref<80xi32, #tpu.memory_space<vmem>>
      %dma_wait3A_422 = arith.constant 0 : i32
      %dma_wait3A_423 = arith.constant 0 : i32
      %dma_wait3A_424 = tpu.memref_slice %arg2[%dma_wait3A_422, %dma_wait3A_423] : memref<10000x112xf32, #tpu.memory_space<hbm>> -> memref<10000x112xf32, #tpu.memory_space<hbm>>
      tpu.wait_indirect_dma semaphore(%arg17 : memref<!tpu.dma_semaphore, #tpu.memory_space<semaphore_mem>>) src(%dma_wait3A_424 : memref<10000x112xf32, #tpu.memory_space<hbm>>) dst(%arg11 : memref<80x112xf32, #tpu.memory_space<vmem>>)
      %run_scoped3A_425 = arith.constant 0 : i32
      "tpu.region"() ({
        %run_scoped3A_436 = tpu.sem_alloc : memref<!tpu.dma_semaphore, #tpu.memory_space<semaphore_mem>>
        %dma_start3A_437 = arith.constant 0 : i32
        %dma_start3A_438 = tpu.memref_slice %arg6[%run_scoped3A_425, %add3A_416, %dma_start3A_437] : memref<2x25x80xi32, #tpu.memory_space<vmem>> -> memref<1x1x80xi32, #tpu.memory_space<vmem>>
        %dma_start3A_439 = tpu.memref_squeeze %dma_start3A_438 : memref<1x1x80xi32, #tpu.memory_space<vmem>> -> memref<80xi32, #tpu.memory_space<vmem>>
        %dma_start3A_440 = arith.constant 0 : i32
        %dma_start3A_441 = arith.constant 0 : i32
        %dma_start3A_442 = tpu.memref_slice %arg12[%dma_start3A_440, %dma_start3A_441] : memref<10112x112xf32, #tpu.memory_space<vmem_shared>> -> memref<10112x112xf32, #tpu.memory_space<vmem_shared>>
        tpu.enqueue_indirect_dma source(%arg11 : memref<80x112xf32, #tpu.memory_space<vmem>>) target(%dma_start3A_442 : memref<10112x112xf32, #tpu.memory_space<vmem_shared>>) offsets(%dma_start3A_439 : memref<80xi32, #tpu.memory_space<vmem>>) semaphore(%run_scoped3A_436 : memref<!tpu.dma_semaphore, #tpu.memory_space<semaphore_mem>>) {add = true}
        %dma_wait3A_443 = arith.constant 0 : i32
        %dma_wait3A_444 = tpu.memref_slice %arg6[%run_scoped3A_425, %add3A_416, %dma_wait3A_443] : memref<2x25x80xi32, #tpu.memory_space<vmem>> -> memref<1x1x80xi32, #tpu.memory_space<vmem>>
        %dma_wait3A_445 = tpu.memref_squeeze %dma_wait3A_444 : memref<1x1x80xi32, #tpu.memory_space<vmem>> -> memref<80xi32, #tpu.memory_space<vmem>>
        %dma_wait3A_446 = arith.constant 0 : i32
        %dma_wait3A_447 = arith.constant 0 : i32
        %dma_wait3A_448 = tpu.memref_slice %arg12[%dma_wait3A_446, %dma_wait3A_447] : memref<10112x112xf32, #tpu.memory_space<vmem_shared>> -> memref<10112x112xf32, #tpu.memory_space<vmem_shared>>
        tpu.wait_indirect_dma semaphore(%run_scoped3A_436 : memref<!tpu.dma_semaphore, #tpu.memory_space<semaphore_mem>>) src(%arg11 : memref<80x112xf32, #tpu.memory_space<vmem>>) dst(%dma_wait3A_448 : memref<10112x112xf32, #tpu.memory_space<vmem_shared>>)
        tpu.yield
      }) : () -> ()
      %add3A_426 = arith.constant 5 : i32
      %add3A_427 = arith.addi %add3A_418, %add3A_426 : i32
      %min3A_428 = arith.constant 124 : i32
      %min3A_429 = arith.minsi %add3A_427, %min3A_428 : i32
      %dma_start3A_430 = arith.constant 0 : i32
      %dma_start3A_431 = tpu.memref_slice %arg5[%min3A_429, %dma_start3A_430] : memref<125x80xi32, #tpu.memory_space<vmem>> -> memref<1x80xi32, #tpu.memory_space<vmem>>
      %dma_start3A_432 = tpu.memref_squeeze %dma_start3A_431 : memref<1x80xi32, #tpu.memory_space<vmem>> -> memref<80xi32, #tpu.memory_space<vmem>>
      %dma_start3A_433 = arith.constant 0 : i32
      %dma_start3A_434 = arith.constant 0 : i32
      %dma_start3A_435 = tpu.memref_slice %arg2[%dma_start3A_433, %dma_start3A_434] : memref<10000x112xf32, #tpu.memory_space<hbm>> -> memref<10000x112xf32, #tpu.memory_space<hbm>>
      tpu.enqueue_indirect_dma source(%dma_start3A_435 : memref<10000x112xf32, #tpu.memory_space<hbm>>) target(%arg11 : memref<80x112xf32, #tpu.memory_space<vmem>>) offsets(%dma_start3A_432 : memref<80xi32, #tpu.memory_space<vmem>>) semaphore(%arg17 : memref<!tpu.dma_semaphore, #tpu.memory_space<semaphore_mem>>)
    }
    %scan3A_285 = arith.constant 5 : i32
    %dma_wait3A_286 = arith.constant 124 : i32
    %dma_wait3A_287 = arith.constant 0 : i32
    %dma_wait3A_288 = tpu.memref_slice %arg5[%dma_wait3A_286, %dma_wait3A_287] : memref<125x80xi32, #tpu.memory_space<vmem>> -> memref<1x80xi32, #tpu.memory_space<vmem>>
    %dma_wait3A_289 = tpu.memref_squeeze %dma_wait3A_288 : memref<1x80xi32, #tpu.memory_space<vmem>> -> memref<80xi32, #tpu.memory_space<vmem>>
    %dma_wait3A_290 = arith.constant 0 : i32
    %dma_wait3A_291 = arith.constant 0 : i32
    %dma_wait3A_292 = tpu.memref_slice %arg2[%dma_wait3A_290, %dma_wait3A_291] : memref<10000x112xf32, #tpu.memory_space<hbm>> -> memref<10000x112xf32, #tpu.memory_space<hbm>>
    tpu.wait_indirect_dma semaphore(%arg13 : memref<!tpu.dma_semaphore, #tpu.memory_space<semaphore_mem>>) src(%dma_wait3A_292 : memref<10000x112xf32, #tpu.memory_space<hbm>>) dst(%arg7 : memref<80x112xf32, #tpu.memory_space<vmem>>)
    %dma_wait3A_293 = arith.constant 124 : i32
    %dma_wait3A_294 = arith.constant 0 : i32
    %dma_wait3A_295 = tpu.memref_slice %arg5[%dma_wait3A_293, %dma_wait3A_294] : memref<125x80xi32, #tpu.memory_space<vmem>> -> memref<1x80xi32, #tpu.memory_space<vmem>>
    %dma_wait3A_296 = tpu.memref_squeeze %dma_wait3A_295 : memref<1x80xi32, #tpu.memory_space<vmem>> -> memref<80xi32, #tpu.memory_space<vmem>>
    %dma_wait3A_297 = arith.constant 0 : i32
    %dma_wait3A_298 = arith.constant 0 : i32
    %dma_wait3A_299 = tpu.memref_slice %arg2[%dma_wait3A_297, %dma_wait3A_298] : memref<10000x112xf32, #tpu.memory_space<hbm>> -> memref<10000x112xf32, #tpu.memory_space<hbm>>
    tpu.wait_indirect_dma semaphore(%arg14 : memref<!tpu.dma_semaphore, #tpu.memory_space<semaphore_mem>>) src(%dma_wait3A_299 : memref<10000x112xf32, #tpu.memory_space<hbm>>) dst(%arg8 : memref<80x112xf32, #tpu.memory_space<vmem>>)
    %dma_wait3A_300 = arith.constant 124 : i32
    %dma_wait3A_301 = arith.constant 0 : i32
    %dma_wait3A_302 = tpu.memref_slice %arg5[%dma_wait3A_300, %dma_wait3A_301] : memref<125x80xi32, #tpu.memory_space<vmem>> -> memref<1x80xi32, #tpu.memory_space<vmem>>
    %dma_wait3A_303 = tpu.memref_squeeze %dma_wait3A_302 : memref<1x80xi32, #tpu.memory_space<vmem>> -> memref<80xi32, #tpu.memory_space<vmem>>
    %dma_wait3A_304 = arith.constant 0 : i32
    %dma_wait3A_305 = arith.constant 0 : i32
    %dma_wait3A_306 = tpu.memref_slice %arg2[%dma_wait3A_304, %dma_wait3A_305] : memref<10000x112xf32, #tpu.memory_space<hbm>> -> memref<10000x112xf32, #tpu.memory_space<hbm>>
    tpu.wait_indirect_dma semaphore(%arg15 : memref<!tpu.dma_semaphore, #tpu.memory_space<semaphore_mem>>) src(%dma_wait3A_306 : memref<10000x112xf32, #tpu.memory_space<hbm>>) dst(%arg9 : memref<80x112xf32, #tpu.memory_space<vmem>>)
    %dma_wait3A_307 = arith.constant 124 : i32
    %dma_wait3A_308 = arith.constant 0 : i32
    %dma_wait3A_309 = tpu.memref_slice %arg5[%dma_wait3A_307, %dma_wait3A_308] : memref<125x80xi32, #tpu.memory_space<vmem>> -> memref<1x80xi32, #tpu.memory_space<vmem>>
    %dma_wait3A_310 = tpu.memref_squeeze %dma_wait3A_309 : memref<1x80xi32, #tpu.memory_space<vmem>> -> memref<80xi32, #tpu.memory_space<vmem>>
    %dma_wait3A_311 = arith.constant 0 : i32
    %dma_wait3A_312 = arith.constant 0 : i32
    %dma_wait3A_313 = tpu.memref_slice %arg2[%dma_wait3A_311, %dma_wait3A_312] : memref<10000x112xf32, #tpu.memory_space<hbm>> -> memref<10000x112xf32, #tpu.memory_space<hbm>>
    tpu.wait_indirect_dma semaphore(%arg16 : memref<!tpu.dma_semaphore, #tpu.memory_space<semaphore_mem>>) src(%dma_wait3A_313 : memref<10000x112xf32, #tpu.memory_space<hbm>>) dst(%arg10 : memref<80x112xf32, #tpu.memory_space<vmem>>)
    %dma_wait3A_314 = arith.constant 124 : i32
    %dma_wait3A_315 = arith.constant 0 : i32
    %dma_wait3A_316 = tpu.memref_slice %arg5[%dma_wait3A_314, %dma_wait3A_315] : memref<125x80xi32, #tpu.memory_space<vmem>> -> memref<1x80xi32, #tpu.memory_space<vmem>>
    %dma_wait3A_317 = tpu.memref_squeeze %dma_wait3A_316 : memref<1x80xi32, #tpu.memory_space<vmem>> -> memref<80xi32, #tpu.memory_space<vmem>>
    %dma_wait3A_318 = arith.constant 0 : i32
    %dma_wait3A_319 = arith.constant 0 : i32
    %dma_wait3A_320 = tpu.memref_slice %arg2[%dma_wait3A_318, %dma_wait3A_319] : memref<10000x112xf32, #tpu.memory_space<hbm>> -> memref<10000x112xf32, #tpu.memory_space<hbm>>
    tpu.wait_indirect_dma semaphore(%arg17 : memref<!tpu.dma_semaphore, #tpu.memory_space<semaphore_mem>>) src(%dma_wait3A_320 : memref<10000x112xf32, #tpu.memory_space<hbm>>) dst(%arg11 : memref<80x112xf32, #tpu.memory_space<vmem>>)
    %barrier3A_321 = arith.constant 0 : index
    tpu.barrier barrier_id(%barrier3A_321)
    "tpu.region"() ({
      %run_scoped3A = tpu.sem_alloc : memref<!tpu.dma_semaphore, #tpu.memory_space<semaphore_mem>>
      %dma_start3A_322 = arith.constant 0 : i32
      %dma_start3A_323 = tpu.memref_slice %arg4[%arg0, %mul3A_2, %dma_start3A_322] : memref<2x10112x112xf32, #tpu.memory_space<hbm>> -> memref<1x632x112xf32, #tpu.memory_space<hbm>>
      %dma_start3A_324 = tpu.memref_squeeze %dma_start3A_323 : memref<1x632x112xf32, #tpu.memory_space<hbm>> -> memref<632x112xf32, #tpu.memory_space<hbm>>
      %dma_start3A_325 = arith.constant 0 : i32
      %dma_start3A_326 = tpu.memref_slice %arg12[%mul3A_2, %dma_start3A_325] : memref<10112x112xf32, #tpu.memory_space<vmem_shared>> -> memref<632x112xf32, #tpu.memory_space<vmem_shared>>
      tpu.enqueue_dma source(%dma_start3A_326 : memref<632x112xf32, #tpu.memory_space<vmem_shared>>) target(%dma_start3A_324 : memref<632x112xf32, #tpu.memory_space<hbm>>) target_semaphore(%run_scoped3A : memref<!tpu.dma_semaphore, #tpu.memory_space<semaphore_mem>>)
      %dma_wait3A_327 = arith.constant 0 : i32
      %dma_wait3A_328 = tpu.memref_slice %arg4[%arg0, %mul3A_2, %dma_wait3A_327] : memref<2x10112x112xf32, #tpu.memory_space<hbm>> -> memref<1x632x112xf32, #tpu.memory_space<hbm>>
      %dma_wait3A_329 = tpu.memref_squeeze %dma_wait3A_328 : memref<1x632x112xf32, #tpu.memory_space<hbm>> -> memref<632x112xf32, #tpu.memory_space<hbm>>
      %dma_wait3A_330 = arith.constant 0 : i32
      %dma_wait3A_331 = tpu.memref_slice %arg12[%mul3A_2, %dma_wait3A_330] : memref<10112x112xf32, #tpu.memory_space<vmem_shared>> -> memref<632x112xf32, #tpu.memory_space<vmem_shared>>
      tpu.wait_dma2 semaphore(%run_scoped3A : memref<!tpu.dma_semaphore, #tpu.memory_space<semaphore_mem>>) src(%dma_wait3A_331 : memref<632x112xf32, #tpu.memory_space<vmem_shared>>) dst(%dma_wait3A_329 : memref<632x112xf32, #tpu.memory_space<hbm>>)
      tpu.yield
    }) : () -> ()
    return
  }
}

module attributes {stable_mosaic.version = 14 : i64} {
  func.func @_pre_body(%arg0: i32, %arg1: memref<2000x128xf32, #tpu.memory_space<vmem>>, %arg2: memref<128x112xf32, #tpu.memory_space<vmem>>, %arg3: memref<1x112xf32, #tpu.memory_space<vmem>>, %arg4: memref<2000x112xf32, #tpu.memory_space<vmem>>) attributes {dimension_semantics = [#tpu.dimension_semantics<arbitrary>], iteration_bounds = array<i64: 5>, scalar_prefetch = 0 : i64, scratch_operands = 0 : i64, tpu.core_type = #tpu.core_type<tc>, window_params = [{transform_indices = @transform_0, window_bounds = array<i64: 2000, 128>}, {pipeline_mode = #tpu.pipeline_mode<synchronous>, transform_indices = @transform_1, window_bounds = array<i64: 128, 112>}, {pipeline_mode = #tpu.pipeline_mode<synchronous>, transform_indices = @transform_2, window_bounds = array<i64: 1, 112>}, {transform_indices = @transform_3, window_bounds = array<i64: 2000, 112>}]} {
    %get3A = arith.constant 0 : index
    %get3A_0 = arith.constant 0 : index
    %get3A_1 = vector.load %arg1[%get3A, %get3A_0] : memref<2000x128xf32, #tpu.memory_space<vmem>>, vector<2000x128xf32>
    %get3A_2 = arith.constant 0 : index
    %get3A_3 = arith.constant 0 : index
    %get3A_4 = vector.load %arg2[%get3A_2, %get3A_3] : memref<128x112xf32, #tpu.memory_space<vmem>>, vector<128x112xf32>
    %dot_general3A = arith.constant dense<0.000000e+00> : vector<2000x112xf32>
    %dot_general3A_5 = tpu.matmul %get3A_1, %get3A_4, %dot_general3A {dimension_numbers = #tpu.dot_dimension_numbers<[1], [0], [0], [1], [0, 0, 1, 1], [], []>, transpose_lhs_hint = false} : vector<2000x128xf32>, vector<128x112xf32>, vector<2000x112xf32> -> vector<2000x112xf32>
    %get3A_6 = arith.constant 0 : index
    %get3A_7 = arith.constant 0 : index
    %get3A_8 = vector.load %arg3[%get3A_6, %get3A_7] : memref<1x112xf32, #tpu.memory_space<vmem>>, vector<1x112xf32>
    %add3A = vector.broadcast %get3A_8 : vector<1x112xf32> to vector<2000x112xf32>
    %add3A_9 = arith.addf %dot_general3A_5, %add3A : vector<2000x112xf32>
    %swap3A = arith.constant 0 : index
    %swap3A_10 = arith.constant 0 : index
    %swap3A_11 = vector.load %arg4[%swap3A, %swap3A_10] : memref<2000x112xf32, #tpu.memory_space<vmem>>, vector<2000x112xf32>
    tpu.vector_store %arg4[%swap3A, %swap3A_10], %add3A_9 {strides = array<i32>} : memref<2000x112xf32, #tpu.memory_space<vmem>>, vector<2000x112xf32>,
    return
  }
  func.func @transform_0(%arg0: i32) -> (i32, i32) {
    %c0_i32 = arith.constant 0 : i32
    %c0_i32_0 = arith.constant 0 : i32
    return %arg0, %c0_i32 : i32, i32
  }
  func.func @transform_1(%arg0: i32) -> (i32, i32) {
    %c0_i32 = arith.constant 0 : i32
    %c0_i32_0 = arith.constant 0 : i32
    %c0_i32_1 = arith.constant 0 : i32
    return %c0_i32, %c0_i32_0 : i32, i32
  }
  func.func @transform_2(%arg0: i32) -> (i32, i32) {
    %c0_i32 = arith.constant 0 : i32
    %c0_i32_0 = arith.constant 0 : i32
    %c0_i32_1 = arith.constant 0 : i32
    return %c0_i32, %c0_i32_0 : i32, i32
  }
  func.func @transform_3(%arg0: i32) -> (i32, i32) {
    %c0_i32 = arith.constant 0 : i32
    %c0_i32_0 = arith.constant 0 : i32
    return %arg0, %c0_i32 : i32, i32
  }
}

module attributes {stable_mosaic.version = 14 : i64} {
  func.func @_post_body(%arg0: i32, %arg1: memref<1x2000x112xf32, #tpu.memory_space<vmem>>, %arg2: memref<1x2000x112xf32, #tpu.memory_space<vmem>>, %arg3: memref<1x100xf32, #tpu.memory_space<vmem>>, %arg4: memref<100x1xf32, #tpu.memory_space<vmem>>, %arg5: memref<1x1xf32, #tpu.memory_space<vmem>>, %arg6: memref<2000x1xf32, #tpu.memory_space<vmem>>) attributes {dimension_semantics = [#tpu.dimension_semantics<arbitrary>], iteration_bounds = array<i64: 5>, scalar_prefetch = 0 : i64, scratch_operands = 0 : i64, tpu.core_type = #tpu.core_type<tc>, window_params = [{transform_indices = @transform_0, window_bounds = array<i64: 1, 2000, 112>}, {transform_indices = @transform_1, window_bounds = array<i64: 1, 2000, 112>}, {pipeline_mode = #tpu.pipeline_mode<synchronous>, transform_indices = @transform_2, window_bounds = array<i64: 1, 100>}, {pipeline_mode = #tpu.pipeline_mode<synchronous>, transform_indices = @transform_3, window_bounds = array<i64: 100, 1>}, {pipeline_mode = #tpu.pipeline_mode<synchronous>, transform_indices = @transform_4, window_bounds = array<i64: 1, 1>}, {transform_indices = @transform_5, window_bounds = array<i64: 2000, 1>}]} {
    %get3A = arith.constant 0 : index
    %get3A_0 = arith.constant 0 : index
    %get3A_1 = arith.constant 0 : index
    %get3A_2 = vector.load %arg1[%get3A, %get3A_0, %get3A_1] : memref<1x2000x112xf32, #tpu.memory_space<vmem>>, vector<1x2000x112xf32>
    %get3A_3 = vector.shape_cast %get3A_2 : vector<1x2000x112xf32> to vector<2000x112xf32>
    %get3A_4 = arith.constant 0 : index
    %get3A_5 = arith.constant 0 : index
    %get3A_6 = arith.constant 0 : index
    %get3A_7 = vector.load %arg2[%get3A_4, %get3A_5, %get3A_6] : memref<1x2000x112xf32, #tpu.memory_space<vmem>>, vector<1x2000x112xf32>
    %get3A_8 = vector.shape_cast %get3A_7 : vector<1x2000x112xf32> to vector<2000x112xf32>
    %add3A = arith.addf %get3A_3, %get3A_8 : vector<2000x112xf32>
    %slice3A = vector.extract_strided_slice %add3A {offsets = [0, 100], sizes = [2000, 1], strides = [1, 1]} : vector<2000x112xf32> to vector<2000x1xf32>
    %max3A = arith.constant 1.000000e+00 : f32
    %max3A_9 = vector.broadcast %max3A : f32 to vector<2000x1xf32>
    %max3A_10 = arith.maximumf %slice3A, %max3A_9 : vector<2000x1xf32>
    %slice3A_11 = vector.extract_strided_slice %add3A {offsets = [0, 0], sizes = [2000, 100], strides = [1, 1]} : vector<2000x112xf32> to vector<2000x100xf32>
    %div3A = vector.broadcast %max3A_10 : vector<2000x1xf32> to vector<2000x100xf32>
    %div3A_12 = arith.divf %slice3A_11, %div3A : vector<2000x100xf32>
    %get3A_13 = arith.constant 0 : index
    %get3A_14 = arith.constant 0 : index
    %get3A_15 = vector.load %arg3[%get3A_13, %get3A_14] : memref<1x100xf32, #tpu.memory_space<vmem>>, vector<1x100xf32>
    %add3A_16 = vector.broadcast %get3A_15 : vector<1x100xf32> to vector<2000x100xf32>
    %add3A_17 = arith.addf %div3A_12, %add3A_16 : vector<2000x100xf32>
    %max3A_18 = arith.constant 0.000000e+00 : f32
    %max3A_19 = vector.broadcast %max3A_18 : f32 to vector<2000x100xf32>
    %max3A_20 = arith.maximumf %add3A_17, %max3A_19 : vector<2000x100xf32>
    %get3A_21 = arith.constant 0 : index
    %get3A_22 = arith.constant 0 : index
    %get3A_23 = vector.load %arg4[%get3A_21, %get3A_22] : memref<100x1xf32, #tpu.memory_space<vmem>>, vector<100x1xf32>
    %dot_general3A = arith.constant dense<0.000000e+00> : vector<2000x1xf32>
    %dot_general3A_24 = tpu.matmul %max3A_20, %get3A_23, %dot_general3A {dimension_numbers = #tpu.dot_dimension_numbers<[1], [0], [0], [1], [0, 0, 1, 1], [], []>, transpose_lhs_hint = false} : vector<2000x100xf32>, vector<100x1xf32>, vector<2000x1xf32> -> vector<2000x1xf32>
    %get3A_25 = arith.constant 0 : index
    %get3A_26 = arith.constant 0 : index
    %get3A_27 = vector.load %arg5[%get3A_25, %get3A_26] : memref<1x1xf32, #tpu.memory_space<vmem>>, vector<1x1xf32>
    %add3A_28 = vector.broadcast %get3A_27 : vector<1x1xf32> to vector<2000x1xf32>
    %add3A_29 = arith.addf %dot_general3A_24, %add3A_28 : vector<2000x1xf32>
    %swap3A = arith.constant 0 : index
    %swap3A_30 = arith.constant 0 : index
    %swap3A_31 = vector.load %arg6[%swap3A, %swap3A_30] : memref<2000x1xf32, #tpu.memory_space<vmem>>, vector<2000x1xf32>
    tpu.vector_store %arg6[%swap3A, %swap3A_30], %add3A_29 {strides = array<i32>} : memref<2000x1xf32, #tpu.memory_space<vmem>>, vector<2000x1xf32>,
    return
  }
  func.func @transform_0(%arg0: i32) -> (i32, i32, i32) {
    %c0_i32 = arith.constant 0 : i32
    %c0_i32_0 = arith.constant 0 : i32
    %c0_i32_1 = arith.constant 0 : i32
    return %c0_i32, %arg0, %c0_i32_0 : i32, i32, i32
  }
  func.func @transform_1(%arg0: i32) -> (i32, i32, i32) {
    %c1_i32 = arith.constant 1 : i32
    %c0_i32 = arith.constant 0 : i32
    %c0_i32_0 = arith.constant 0 : i32
    return %c1_i32, %arg0, %c0_i32 : i32, i32, i32
  }
  func.func @transform_2(%arg0: i32) -> (i32, i32) {
    %c0_i32 = arith.constant 0 : i32
    %c0_i32_0 = arith.constant 0 : i32
    %c0_i32_1 = arith.constant 0 : i32
    return %c0_i32, %c0_i32_0 : i32, i32
  }
  func.func @transform_3(%arg0: i32) -> (i32, i32) {
    %c0_i32 = arith.constant 0 : i32
    %c0_i32_0 = arith.constant 0 : i32
    %c0_i32_1 = arith.constant 0 : i32
    return %c0_i32, %c0_i32_0 : i32, i32
  }
  func.func @transform_4(%arg0: i32) -> (i32, i32) {
    %c0_i32 = arith.constant 0 : i32
    %c0_i32_0 = arith.constant 0 : i32
    %c0_i32_1 = arith.constant 0 : i32
    return %c0_i32, %c0_i32_0 : i32, i32
  }
  func.func @transform_5(%arg0: i32) -> (i32, i32) {
    %c0_i32 = arith.constant 0 : i32
    %c0_i32_0 = arith.constant 0 : i32
    return %arg0, %c0_i32 : i32, i32
  }
}

</mosaic_0001>

<sc_bundles>
// kernel: kernel.5.cloned.1.call-start
scs
__scs_entry_jumppad:
0x0: {  	(pc) =	sbr.rel $0x88, $3  }
0x1: {  	(tag) =	ssettag $0x0;
	lr =	simm.s32 $0x1  }
0x2: {  	[smem:$0x3F9B] =	sst lr;
	_ =	strace $0xD0000000  }
0x3: {  	_ = 	snop  }
0x4: {  	_ = 	snop  }
0x5: {  	_ = 	snop  }
0x6: {  	_ = 	snop  }
0x7: {  	_ = 	snop  }
__scs_overlays_trampoline_lowered:
0x8: {  	[smem:$0x3FAA] =	sst s0  }
0x9: {  	[smem:$0x3FAB] =	sst s1  }
0xa: {  	[smem:$0x3FAC] =	sst s2  }
0xb: {  	[smem:$0x3FAD] =	sst s3  }
0xc: {  	[smem:$0x3FAE] =	sst s4  }
0xd: {  	[smem:$0x3FAF] =	sst s5  }
0xe: {  	[smem:$0x3FB0] =	sst s6  }
0xf: {  	[smem:$0x3FB1] =	sst s7  }
0x10: {  	[smem:$0x3FB2] =	sst s8  }
0x11: {  	[smem:$0x3FB3] =	sst s9;
	s0 =	simm.s32 @!p0 $0x0  }
0x12: {  	s1 =	sld [smem:$0x3F99];
	s0 =	simm.s32 @p0 $0x1  }
0x13: {  	[smem:$0x3FB4] =	sst s0;
	s0 =	simm.s32 @!p1 $0x0  }
0x14: {  	s2 =	sld [smem:$0x3F98];
	s0 =	simm.s32 @p1 $0x1  }
0x15: {  	[smem:$0x3FB5] =	sst s0;
	s0 =	simm.s32 @!p2 $0x0  }
0x16: {  	s3 =	sld [smem:$0x3FDB];
	s0 =	simm.s32 @p2 $0x1  }
0x17: {  	s4 =	simm.s32 $0x1BF5;
	[smem:$0x3FB7] =	sst s0  }
0x18: {  	s0 =	sld [smem:$0x3F9A];
	_ =	swait.ge [sflag:s4], $0x0  }
0x19: {  	s7 =	sld [smem:$0x3F9B]  }
0x1a: {  	s8 =	sadd.s32 $0xFFFFE003, lr  }
0x1b: {  	s9 =	sadd.s32 $0xFFFFFEF7, lr;
	s5 =	simm.s32 $0xFFFFFFFF;
	p2 =	slt.u32 s8, $0xFFFFF086  }
0x1c: {  	p1 =	slt.u32 s9, $0xF7A;
	s5 =	simm.s32 @!p2 $0x0  }
0x1d: {  	s5 =	simm.s32 @p1 $0x1;
	p0 =	seq.s32 s7, s2  }
0x1e: {  	s7 =	smul.u32 @!p0 $0xF7A, s2;
	p2 =	seq.s32 @!p0 s5, $0x0  }
0x1f: {  	s9 =	smul.u32 $0xF7A, s1;
	s8 =	simm.s32 @!p0 $0x1BF5;
	p2 =	por !p2, p0  }
0x20: {  	[sflag:s8] =	ssyncset.s32 @!p0 $0xFFFFF086;
	s6 =	sadd.s32 @!p0 s3, s7;
	s7 =	simm.s32 @!p0 $0x108  }
0x21: {  	s3 =	sadd.s32 s3, s9;
	s6 =	sadd.s32 @!p0 $0x88, s6;
	s7 =	simm.s32 @p2 $0x1082  }
0x22: {  	[simem:s7], [sflag:s8] =	dma.local @!p0 [hbm:s6], $0xF7A  }
0x23: {  	s9 =	sor.u32 $0xD0000000, s2;
	s6 =	simm.s32 $0x108;
	_ =	swait.ge @!p0 [sflag:s8], $0x0  }
0x24: {  	s3 =	sadd.s32 $0x88, s3;
	s6 =	simm.s32 @!p1 $0x1082;
	[sflag:s4] =	ssyncset.s32 $0xFFFFF086  }
0x25: {  	[simem:s6], [sflag:s4] =	dma.local [hbm:s3], $0xF7A  }
0x26: {  	[smem:$0x3F9B] =	sst s1;
	(tag) =	ssettag s2;
	_ =	strace s9  }
0x27: {  	s1 =	sld [smem:$0x3FAB]  }
0x28: {  	s2 =	sld [smem:$0x3FAC]  }
0x29: {  	s4 =	sld [smem:$0x3FAE]  }
0x2a: {  	p0 =	seq.s32 s5, $0x0;
	s5 =	sld [smem:$0x3FAF]  }
0x2b: {  	s6 =	sld [smem:$0x3FB0]  }
0x2c: {  	s7 =	sld [smem:$0x3FB1]  }
0x2d: {  	s3 =	simm.s32 $0x108;
	s8 =	sld [smem:$0x3FB2]  }
0x2e: {  	s3 =	simm.s32 @!p0 $0x1082;
	s9 =	sld [smem:$0x3FB3]  }
0x2f: {  	lr =	sadd.s32 s0, s3;
	s0 =	sld [smem:$0x3FAA]  }
0x30: {  	s3 =	sld [smem:$0x3FAD]  }
0x31: {  	[smem:$0x3FB6] =	sst s10  }
0x32: {  	s10 =	sld [smem:$0x3FB4];
	_ =	sdelay $0x3  }
0x33: {  	p0 =	seq.s32 s10, $0x1;
	s10 =	sld [smem:$0x3FB6];
	_ =	sdelay $0x3  }
0x34: {  	[smem:$0x3FB6] =	sst s10  }
0x35: {  	s10 =	sld [smem:$0x3FB5];
	_ =	sdelay $0x3  }
0x36: {  	p1 =	seq.s32 s10, $0x1;
	s10 =	sld [smem:$0x3FB6];
	_ =	sdelay $0x3  }
0x37: {  	[smem:$0x3FB6] =	sst s10  }
0x38: {  	s10 =	sld [smem:$0x3FB7]  }
0x39: {  	_ = 	snop;
	(pc) =	sbr.ind lr, $3  }
0x3a: {  	_ = 	snop  }
0x3b: {  	_ = 	snop  }
0x3c: {  	p2 =	seq.s32 s10, $0x1;
	s10 =	sld [smem:$0x3FB6]  }
0x3d: {  	_ =	shalt  }
0x3e: {  	_ =	shalt  }
0x3f: {  	_ =	shalt  }
0x40: {  	_ =	shalt  }
0x41: {  	_ =	shalt  }
0x42: {  	_ =	shalt  }
0x43: {  	_ =	shalt  }
0x44: {  	_ =	shalt  }
0x45: {  	_ =	shalt  }
0x46: {  	_ =	shalt  }
0x47: {  	_ =	shalt  }
0x48: {  	_ =	shalt  }
0x49: {  	_ =	shalt  }
0x4a: {  	_ =	shalt  }
0x4b: {  	_ =	shalt  }
0x4c: {  	_ =	shalt  }
0x4d: {  	_ =	shalt  }
0x4e: {  	_ =	shalt  }
0x4f: {  	_ =	shalt  }
0x50: {  	_ =	shalt  }
0x51: {  	_ =	shalt  }
0x52: {  	_ =	shalt  }
0x53: {  	_ =	shalt  }
0x54: {  	_ =	shalt  }
0x55: {  	_ =	shalt  }
0x56: {  	_ =	shalt  }
0x57: {  	_ =	shalt  }
0x58: {  	_ =	shalt  }
0x59: {  	_ =	shalt  }
0x5a: {  	_ =	shalt  }
0x5b: {  	_ =	shalt  }
0x5c: {  	_ =	shalt  }
0x5d: {  	_ =	shalt  }
0x5e: {  	_ =	shalt  }
0x5f: {  	_ =	shalt  }
0x60: {  	_ =	shalt  }
0x61: {  	_ =	shalt  }
0x62: {  	_ =	shalt  }
0x63: {  	_ =	shalt  }
0x64: {  	_ =	shalt  }
0x65: {  	_ =	shalt  }
0x66: {  	_ =	shalt  }
0x67: {  	_ =	shalt  }
0x68: {  	_ =	shalt  }
0x69: {  	_ =	shalt  }
0x6a: {  	_ =	shalt  }
0x6b: {  	_ =	shalt  }
0x6c: {  	_ =	shalt  }
0x6d: {  	_ =	shalt  }
0x6e: {  	_ =	shalt  }
0x6f: {  	_ =	shalt  }
0x70: {  	_ =	shalt  }
0x71: {  	_ =	shalt  }
0x72: {  	_ =	shalt  }
0x73: {  	_ =	shalt  }
0x74: {  	_ =	shalt  }
0x75: {  	_ =	shalt  }
0x76: {  	_ =	shalt  }
0x77: {  	_ =	shalt  }
0x78: {  	_ =	shalt  }
0x79: {  	_ =	shalt  }
0x7a: {  	_ =	shalt  }
0x7b: {  	_ =	shalt  }
0x7c: {  	_ =	shalt  }
0x7d: {  	_ =	shalt  }
0x7e: {  	_ =	shalt  }
0x7f: {  	_ =	shalt  }
0x80: {  	_ =	shalt  }
0x81: {  	_ =	shalt  }
0x82: {  	_ =	shalt  }
0x83: {  	_ =	shalt  }
0x84: {  	_ =	shalt  }
0x85: {  	_ =	shalt  }
0x86: {  	_ =	shalt  }
0x87: {  	_ =	shalt  }
.Lfunc_end0:
.L_simem_size_0:
called_computation_lowered:
.L_overlay_start_0:
0x88: {  	s2 =	sld [smem:$0x3FD9]  }
0x89: {  	s3 =	sld [smem:$0x3FFE];
	_ =	sdelay $0x1  }
0x8a: {  	s1 =	srdreg.scid  }
0x8b: {  	s0 =	sand.u32 $0x1, s1  }
0x8c: {  	s16 =	sshll.u32 s0, $0xA;
	s2 =	sadd.s32 s3, s2  }
0x8d: {  	s2 =	sadd.s32 s2, s16  }
0x8e: {  	[smem:$0x3FC2] =	sst s2  }
0x8f: {  	_ = 	snop  }
0x90: {  	(tm) =	ssettm $0x1  }
0x91: {  	s17 =	sld [smem:$0x3FFB];
	_ =	sdelay $0x3  }
0x92: {  	_ =	strace s17  }
0x93: {  	s2 =	sld [smem:$0x3FFC];
	_ =	sdelay $0x3  }
0x94: {  	_ =	strace s2  }
0x95: {  	s2 =	sld [smem:$0x3FFD];
	_ =	sdelay $0x3  }
0x96: {  	_ =	strace s2  }
0x97: {  	_ =	strace $0x8FFFFFFF  }
0x98: {  	s18 =	sld [smem:$0x3FDB];
	_ =	sdelay $0x1  }
0x99: {  	s19 =	simm.s32 $_scs_section_size  }
0x9a: {  	s4 =	simm.s32 $_size__tile_overlayer_lowered;
	s5 =	simm.s32 $_tile_overlayer_lowered  }
0x9b: {  	s22 =	simm.s32 $0x1BFF;
	s21 =	sshll.u32 s5, $0x1;
	s2 =	sadd.s32 s19, s18  }
0x9c: {  	s6 =	simm.s32 $0x0;
	s20 =	sshll.u32 s4, $0x1;
	s4 =	sadd.s32 s21, s2  }
0x9d: {  	[timem:s6], [sflag:s22] =	dma.local [hbm:s4], s20  }
0x9e: {  	_ =	swait.ge [sflag:s22], s20  }
0x9f: {  	s3 =	ssub.s32 $0x0, s20;
	[sflag:s22] =	ssyncset.done $0x0  }
0xa0: {  	[sflag:s22] =	ssyncadd.s32 s3;
	_ =	sdelay $0x1  }
0xa1: {  	s23 =	simm.s32 $0x1B8B  }
0xa2: {  	_ =	swait.ge [sflag:s23], $0x1  }
0xa3: {  	[sflag:s23] =	ssyncset.done $0x0  }
0xa4: {  	s25 =	simm.s32 $0x1B8E;
	s24 =	sld [smem:$0x3FFE];
	[sflag:s23] =	ssyncadd.s32 $0xFFFFFFFF  }
0xa5: {  	s26 =	simm.s32 $execute0_lowered;
	[smem:$0x3FD2] =	sst s25  }
0xa6: {  	s4 =	sshll.u32 s26, $0x1;
	_ =	strace $0x80000046;
	[dreg:$0x1] =	wrdreg $0xFFFFFFFF  }
0xa7: {  	s28 =	simm.s32 $_size_execute0_lowered;
	s2 =	sadd.s32 s2, s4;
	[dreg:$0x0] =	wrdreg $0x0  }
0xa8: {  	s4 =	sshll.u32 s28, $0x1;
	[dreg:$0x2] =	wrdreg s2  }
0xa9: {  	[dreg:$0x3] =	wrdreg s4  }
0xaa: {  	[dreg:$0x4] =	wrdreg $0xC0  }
0xab: {  	_ =	task [dreg:s6], $0x5FFFF  }
0xac: {  	[dreg:$0x1] =	wrdreg $0xFFFFFFFF  }
0xad: {  	[dreg:$0x0] =	wrdreg $0x60  }
0xae: {  	[dreg:$0x2] =	wrdreg s24  }
0xaf: {  	[dreg:$0x3] =	wrdreg $0xE5B00  }
0xb0: {  	[dreg:$0x4] =	wrdreg $0x9  }
0xb1: {  	_ =	task.clear_ibuf [dreg:s6], $0x5FFFF;
	_ =	strace $0x90000046  }
0xb2: {  	s29 =	simm.s32 $0x9;
	_ =	strace $0x80000048  }
0xb3: {  	_ =	swait.ge [sflag:s29], $0x1  }
0xb4: {  	[sflag:s29] =	ssyncadd.s32 $0xFFFFFFFF  }
0xb5: {  	_ =	strace $0x90000048  }
0xb6: {  	_ =	sfence  }
0xb7: {  	s30 =	sld [smem:$0x0];
	_ =	sdelay $0x2  }
0xb8: {  	s31 =	sshll.u32 s1, $0xD;
	s1 =	sshrl.u32 s1, $0x2  }
0xb9: {  	s3 =	sand.u32 $0x4000, s31;
	s1 =	sadd.s32 s1, s30  }
0xba: {  	s0 =	sor.u32 s3, s0;
	s1 =	sshll.u32 s1, $0x11  }
0xbb: {  	s0 =	sor.u32 s1, s0  }
0xbc: {  	s0 =	sadd.s32 $0x8F2B, s0  }
0xbd: {  	[sflag:s0] =	ssyncadd.remote.s32 $0x1  }
0xbe: {  	_ =	sfence.sel $0xFFFF  }
0xbf: {  	[dreg:$0x0] =	wrdreg $0xFFFFFFFF;
	(pc) =	sbr.abs _section_cstart, $3  }
0xc0: {  	[dreg:$0x1] =	wrdreg $0xFFFFFFFF  }
0xc1: {  	_ =	task.clear_ibuf [dreg:s6], $0x2FFFF;
	_ =	strace $0x9FFFFFFF  }
0xc2: {  	(tm) =	ssettm $0x7FFFFFFF  }
0xc3: {  	_ =	shalt  }
tec
execute0_lowered:
.L_overlay_start_1:
0x0: {  	(tag) =	ssettag $0x1  }
0x1: {  	s0 =	srdreg.scid;
	s5 =	rddreg [dreg:$0x0]  }
0x2: {  	s8 =	stileid.u32;
	s2 =	rddreg [dreg:$0x1];
	s3 =	simm.s32 $0x0  }
0x3: {  	s28 =	simm.s32 $0x59B0;
	s30 =	simm.s32 $0x7CB0;
	s0 =	sand.u32 $0x1, s0  }
0x4: {  	s31 =	simm.s32 $0xC2B0;
	s29 =	simm.s32 $0x7;
	s1 =	sshll.u32 s0, $0x4  }
0x5: {  	s9 =	simm.s32 $0x8;
	s6 =	smul.u32 $0x11480, s8;
	s1 =	sor.u32 s8, s1  }
0x6: {  	s10 =	simm.s32 $0x26C0;
	s11 =	simm.s32 $0x0;
	s1 =	smul.u32 $0x2710, s1  }
0x7: {  	[smem:$0x7FF] =	sst s3;
	s4 =	sadd.s32 $0x800, s5;
	s7 =	smul.u32 $0x114800, s0  }
0x8: {  	_ =	strace $0x80000047;
	s8 =	smul.u32 $0x45200, s8;
	s1 =	sshrl.u32 s1, $0x3  }
0x9: {  	s0 =	ssub.s32 $0x2, s0;
	s7 =	sadd.s32 s6, s7;
	s1 =	sadd.s32 s1, s5  }
0xa: {  	s7 =	sshrl.u32 s7, $0x3;
	s18 =	sshrl.u32 s8, $0x2;
	s17 =	sadd.s32 $0x22C00, s1  }
0xb: {  	s5 =	sadd.s32 s7, s5;
	s19 =	sadd.s32 $0x2C840, s1;
	[dreg:$0x3] =	wrdreg s17  }
0xc: {  	s7 =	sadd.s32 s18, s2;
	s20 =	sadd.s32 $0x2C93A, s1;
	[dreg:$0x4] =	wrdreg s19  }
0xd: {  	s16 =	sshrl.u32 s0, $0x1;
	s21 =	sadd.s32 $0x2300, s7;
	[dreg:$0x5] =	wrdreg s20  }
0xe: {  	s0 =	ssub.s32 s0, s16;
	s22 =	sadd.s32 $0x4600, s7;
	[dreg:$0x6] =	wrdreg s21  }
0xf: {  	s8 =	sadd.s32 s6, s2;
	s23 =	sadd.s32 $0x6900, s7;
	[dreg:$0x7] =	wrdreg s22  }
0x10: {  	s6 =	simm.s32 $0x3;
	s24 =	sadd.s32 $0x8C00, s7;
	[dreg:$0x8] =	wrdreg s23  }
0x11: {  	s25 =	sadd.s32 $0xAF00, s7;
	s26 =	sadd.s32 $0xD200, s7;
	[dreg:$0x9] =	wrdreg s24  }
0x12: {  	s15 =	sadd.s32 $0xF500, s7;
	s16 =	sadd.s32 $0x2CA34, s1;
	[dreg:$0xa] =	wrdreg s25  }
0x13: {  	s18 =	sadd.s32 $0x2CC28, s1;
	s7 =	simm.s32 $0x4;
	[dreg:$0xb] =	wrdreg s26  }
0x14: {  	s17 =	sadd.s32 $0x2CB2E, s1;
	s19 =	sadd.s32 $0x36600, s5;
	s20 =	smax.u32 s0, $0x1  }
0x15: {  	s21 =	simm.s32 $0x2710;
	s23 =	simm.s32 $0x36B0;
	s24 =	simm.s32 $0x9  }
0x16: {  	s25 =	simm.s32 $0x6;
	s26 =	simm.s32 $0x50;
	s1 =	simm.s32 $0x9FB0  }
0x17: {  	v0 =	vimm.f32 $0.0e+00;
	s0 =	simm.s32 $0x1;
	s5 =	simm.s32 $0x2;
	s22 =	simm.s32 $0x5  }
.LBB2_1:
0x18: {  	s12 =	rddreg [dreg:$0x3]  }
0x19: {  	[tilespmem:s3], [sflag:$0x6] =	stream.linear.gather [hbm4b:s12+s3], $0x2710, $0x38;
	[tilespmem:$0x1FA30] =	vst v63  }
0x1a: {  	s13 =	rddreg [dreg:$0x4]  }
0x1b: {  	[tilespmem:s21], [sflag:$0x7] =	stream.linear.gather [hbm4b:s13+s3], $0x7D0, $0x38;
	[tilespmem:$0x1FA30] =	vst v63  }
0x1c: {  	s14 =	rddreg [dreg:$0x5];
	s13 =	simm.s32 $0x2EE0  }
0x1d: {  	[tilespmem:s13], [sflag:$0x8] =	stream.linear.gather [hbm4b:s14+s3], $0x7D0, $0x38;
	[tilespmem:$0x1FA30] =	vst v63  }
0x1e: {  	s12 =	simm.s32 $0x0;
	s13 =	simm.s32 $0x1C0  }
.LBB2_2:
0x1f: {  	p0 =	sne.s32 s13, $0x8A40;
	[tilespmem:s12+$0x3710] =	vst v0  }
0x20: {  	[tilespmem:s12+$0x36B0] =	vst v0  }
.Ltmp0:
0x21: {  	[tilespmem:s12+$0x36C0] =	vst v0;
	(pc) =	sbr.rel @p0 .LBB2_2-.Ltmp0, $4  }
0x22: {  	[tilespmem:s12+$0x36D0] =	vst v0  }
0x23: {  	[tilespmem:s12+$0x36E0] =	vst v0  }
0x24: {  	[tilespmem:s12+$0x36F0] =	vst v0  }
0x25: {  	[tilespmem:s12+$0x3700] =	vst v0;
	s12 =	sshra.s32 s13, $0x2;
	s13 =	sadd.s32 $0x1C0, s13  }
0x26: {  	[tilespmem:s12+$0x3710] =	vst v0  }
0x27: {  	[tilespmem:s12+$0x36B0] =	vst v0  }
0x28: {  	[tilespmem:s12+$0x36C0] =	vst v0  }
0x29: {  	[tilespmem:s12+$0x36D0] =	vst v0  }
0x2a: {  	[tilespmem:s12+$0x36E0] =	vst v0  }
0x2b: {  	[tilespmem:s12+$0x36F0] =	vst v0  }
0x2c: {  	[tilespmem:s12+$0x3700] =	vst v0  }
0x2d: {  	[spmem:s8] =	stream.linear.scatter [tilespmem:s23], [sflag:$0x9], $0x2300, $0x38;
	[tilespmem:$0x1FA30] =	vst v63  }
0x2e: {  	_ =	swait.ge [sflag:s24], $0x2300  }
0x2f: {  	[sflag:s24] =	ssyncset.done $0x0  }
0x30: {  	s14 =	rddreg [dreg:$0x6];
	[sflag:s24] =	ssyncadd.s32 $0xFFFFDD00  }
0x31: {  	[spmem:s14] =	stream.linear.scatter [tilespmem:s23], [sflag:$0x9], $0x2300, $0x38;
	[tilespmem:$0x1FA30] =	vst v63  }
0x32: {  	_ =	swait.ge [sflag:s24], $0x2300  }
0x33: {  	[sflag:s24] =	ssyncset.done $0x0  }
0x34: {  	s13 =	rddreg [dreg:$0x7];
	[sflag:s24] =	ssyncadd.s32 $0xFFFFDD00  }
0x35: {  	[spmem:s13] =	stream.linear.scatter [tilespmem:s23], [sflag:$0x9], $0x2300, $0x38;
	[tilespmem:$0x1FA30] =	vst v63  }
0x36: {  	_ =	swait.ge [sflag:s24], $0x2300  }
0x37: {  	[sflag:s24] =	ssyncset.done $0x0  }
0x38: {  	s14 =	rddreg [dreg:$0x8];
	[sflag:s24] =	ssyncadd.s32 $0xFFFFDD00  }
0x39: {  	[spmem:s14] =	stream.linear.scatter [tilespmem:s23], [sflag:$0x9], $0x2300, $0x38;
	[tilespmem:$0x1FA30] =	vst v63  }
0x3a: {  	_ =	swait.ge [sflag:s24], $0x2300  }
0x3b: {  	[sflag:s24] =	ssyncset.done $0x0  }
0x3c: {  	s13 =	rddreg [dreg:$0x9];
	[sflag:s24] =	ssyncadd.s32 $0xFFFFDD00  }
0x3d: {  	[spmem:s13] =	stream.linear.scatter [tilespmem:s23], [sflag:$0x9], $0x2300, $0x38;
	[tilespmem:$0x1FA30] =	vst v63  }
0x3e: {  	_ =	swait.ge [sflag:s24], $0x2300  }
0x3f: {  	[sflag:s24] =	ssyncset.done $0x0  }
0x40: {  	s14 =	rddreg [dreg:$0xa];
	[sflag:s24] =	ssyncadd.s32 $0xFFFFDD00  }
0x41: {  	[spmem:s14] =	stream.linear.scatter [tilespmem:s23], [sflag:$0x9], $0x2300, $0x38;
	[tilespmem:$0x1FA30] =	vst v63  }
0x42: {  	_ =	swait.ge [sflag:s24], $0x2300  }
0x43: {  	[sflag:s24] =	ssyncset.done $0x0  }
0x44: {  	s13 =	rddreg [dreg:$0xb];
	[sflag:s24] =	ssyncadd.s32 $0xFFFFDD00  }
0x45: {  	[spmem:s13] =	stream.linear.scatter [tilespmem:s23], [sflag:$0x9], $0x2300, $0x38;
	[tilespmem:$0x1FA30] =	vst v63  }
0x46: {  	_ =	swait.ge [sflag:s24], $0x2300  }
0x47: {  	[sflag:s24] =	ssyncset.done $0x0  }
0x48: {  	[sflag:s24] =	ssyncadd.s32 $0xFFFFDD00  }
0x49: {  	[spmem:s15] =	stream.linear.scatter [tilespmem:s23], [sflag:$0x9], $0x1F80, $0x38;
	[tilespmem:$0x1FA30] =	vst v63  }
0x4a: {  	_ =	swait.ge [sflag:s24], $0x1F80  }
0x4b: {  	[sflag:s24] =	ssyncset.done $0x0  }
0x4c: {  	[sflag:s24] =	ssyncadd.s32 $0xFFFFE080  }
0x4d: {  	_ =	swait.ge [sflag:s25], $0x2710  }
0x4e: {  	[sflag:s25] =	ssyncset.done $0x0  }
0x4f: {  	s14 =	simm.s32 $0x0;
	[sflag:s25] =	ssyncadd.s32 $0xFFFFD8F0  }
0x50: {  	[tilespmem:s23], [sflag:$0x1] =	stream.indirect.gather [hbm4b:s4+s26], $0x70, s14, s26, $0xb8;
	[tilespmem:$0x1FA30] =	vst v63  }
0x51: {  	_ = 	snop  }
0x52: {  	[tilespmem:s28], [sflag:$0x2] =	stream.indirect.gather [hbm4b:s4+s26], $0x70, s26, s26, $0xb8;
	[tilespmem:$0x1FA30] =	vst v63  }
0x53: {  	s13 =	simm.s32 $0xA0  }
0x54: {  	[tilespmem:s30], [sflag:$0x3] =	stream.indirect.gather [hbm4b:s4+s26], $0x70, s13, s26, $0xb8;
	[tilespmem:$0x1FA30] =	vst v63  }
0x55: {  	s14 =	simm.s32 $0xF0  }
0x56: {  	[tilespmem:s1], [sflag:$0x4] =	stream.indirect.gather [hbm4b:s4+s26], $0x70, s14, s26, $0xb8;
	[tilespmem:$0x1FA30] =	vst v63  }
0x57: {  	s13 =	simm.s32 $0x140  }
0x58: {  	[tilespmem:s31], [sflag:$0x5] =	stream.indirect.gather [hbm4b:s4+s26], $0x70, s13, s26, $0xb8;
	[tilespmem:$0x1FA30] =	vst v63  }
0x59: {  	[bflag:$0x0] =	sbarrier.arrive $0xFFFF  }
0x5a: {  	_ =	swait.ge [sflag:s29], $0x7D0  }
0x5b: {  	[sflag:s29] =	ssyncset.done $0x0  }
0x5c: {  	[sflag:s29] =	ssyncadd.s32 $0xFFFFF830  }
0x5d: {  	_ =	swait.ge [sflag:s0], $0x2300  }
0x5e: {  	[sflag:s0] =	ssyncset.done $0x0  }
0x5f: {  	s14 =	simm.s32 $0x2710;
	[sflag:s0] =	ssyncadd.s32 $0xFFFFDD00  }
0x60: {  	[spmem:s2] =	stream.indirect.scatter.add.f32 [tilespmem:s23], [sflag:$0x9], $0x70, s14, s26, $0xb8;
	[tilespmem:$0x1FA30] =	vst v63  }
0x61: {  	_ =	swait.ge [sflag:s24], $0x2300  }
0x62: {  	[sflag:s24] =	ssyncset.done $0x0  }
0x63: {  	s13 =	simm.s32 $0x190;
	[sflag:s24] =	ssyncadd.s32 $0xFFFFDD00  }
0x64: {  	[tilespmem:s23], [sflag:$0x1] =	stream.indirect.gather [hbm4b:s4+s26], $0x70, s13, s26, $0xb8;
	[tilespmem:$0x1FA30] =	vst v63  }
0x65: {  	_ =	swait.ge [sflag:s5], $0x2300  }
0x66: {  	[sflag:s5] =	ssyncset.done $0x0  }
0x67: {  	s14 =	simm.s32 $0x2760;
	[sflag:s5] =	ssyncadd.s32 $0xFFFFDD00  }
0x68: {  	[spmem:s2] =	stream.indirect.scatter.add.f32 [tilespmem:s28], [sflag:$0x9], $0x70, s14, s26, $0xb8;
	[tilespmem:$0x1FA30] =	vst v63  }
0x69: {  	_ =	swait.ge [sflag:s24], $0x2300  }
0x6a: {  	[sflag:s24] =	ssyncset.done $0x0  }
0x6b: {  	s13 =	simm.s32 $0x1E0;
	[sflag:s24] =	ssyncadd.s32 $0xFFFFDD00  }
0x6c: {  	[tilespmem:s28], [sflag:$0x2] =	stream.indirect.gather [hbm4b:s4+s26], $0x70, s13, s26, $0xb8;
	[tilespmem:$0x1FA30] =	vst v63  }
0x6d: {  	_ =	swait.ge [sflag:s6], $0x2300  }
0x6e: {  	[sflag:s6] =	ssyncset.done $0x0  }
0x6f: {  	s14 =	simm.s32 $0x27B0;
	[sflag:s6] =	ssyncadd.s32 $0xFFFFDD00  }
0x70: {  	[spmem:s2] =	stream.indirect.scatter.add.f32 [tilespmem:s30], [sflag:$0x9], $0x70, s14, s26, $0xb8;
	[tilespmem:$0x1FA30] =	vst v63  }
0x71: {  	_ =	swait.ge [sflag:s24], $0x2300  }
0x72: {  	[sflag:s24] =	ssyncset.done $0x0  }
0x73: {  	s13 =	simm.s32 $0x230;
	[sflag:s24] =	ssyncadd.s32 $0xFFFFDD00  }
0x74: {  	[tilespmem:s30], [sflag:$0x3] =	stream.indirect.gather [hbm4b:s4+s26], $0x70, s13, s26, $0xb8;
	[tilespmem:$0x1FA30] =	vst v63  }
0x75: {  	_ =	swait.ge [sflag:s7], $0x2300  }
0x76: {  	[sflag:s7] =	ssyncset.done $0x0  }
0x77: {  	s14 =	simm.s32 $0x2800;
	[sflag:s7] =	ssyncadd.s32 $0xFFFFDD00  }
0x78: {  	[spmem:s2] =	stream.indirect.scatter.add.f32 [tilespmem:s1], [sflag:$0x9], $0x70, s14, s26, $0xb8;
	[tilespmem:$0x1FA30] =	vst v63  }
0x79: {  	_ =	swait.ge [sflag:s24], $0x2300  }
0x7a: {  	[sflag:s24] =	ssyncset.done $0x0  }
0x7b: {  	s13 =	simm.s32 $0x280;
	[sflag:s24] =	ssyncadd.s32 $0xFFFFDD00  }
0x7c: {  	[tilespmem:s1], [sflag:$0x4] =	stream.indirect.gather [hbm4b:s4+s26], $0x70, s13, s26, $0xb8;
	[tilespmem:$0x1FA30] =	vst v63  }
0x7d: {  	_ =	swait.ge [sflag:s22], $0x2300  }
0x7e: {  	[sflag:s22] =	ssyncset.done $0x0  }
0x7f: {  	s14 =	simm.s32 $0x2850;
	[sflag:s22] =	ssyncadd.s32 $0xFFFFDD00  }
0x80: {  	[spmem:s2] =	stream.indirect.scatter.add.f32 [tilespmem:s31], [sflag:$0x9], $0x70, s14, s26, $0xb8;
	[tilespmem:$0x1FA30] =	vst v63  }
0x81: {  	_ =	swait.ge [sflag:s24], $0x2300  }
0x82: {  	[sflag:s24] =	ssyncset.done $0x0  }
0x83: {  	s12 =	simm.s32 $0x640;
	s13 =	simm.s32 $0x2D0;
	[sflag:s24] =	ssyncadd.s32 $0xFFFFDD00  }
.LBB2_4:
0x84: {  	[tilespmem:s31], [sflag:$0x5] =	stream.indirect.gather [hbm4b:s4+s26], $0x70, s13, s26, $0xb8;
	[tilespmem:$0x1FA30] =	vst v63  }
0x85: {  	s13 =	smov.u32 s12  }
0x86: {  	p0 =	sne.s32 s12, $0x1900;
	s12 =	sadd.s32 $0x640, s12;
	_ =	swait.ge [sflag:s0], $0x2300  }
0x87: {  	s13 =	sshra.s32 s13, $0x2;
	[sflag:s0] =	ssyncset.done $0x0  }
0x88: {  	s14 =	sadd.s32 $0x2710, s13;
	[sflag:s0] =	ssyncadd.s32 $0xFFFFDD00  }
0x89: {  	[spmem:s2] =	stream.indirect.scatter.add.f32 [tilespmem:s23], [sflag:$0x9], $0x70, s14, s26, $0xb8;
	[tilespmem:$0x1FA30] =	vst v63  }
0x8a: {  	_ =	swait.ge [sflag:s24], $0x2300  }
0x8b: {  	[sflag:s24] =	ssyncset.done $0x0  }
0x8c: {  	s14 =	sadd.s32 $0x190, s13;
	[sflag:s24] =	ssyncadd.s32 $0xFFFFDD00  }
0x8d: {  	[tilespmem:s23], [sflag:$0x1] =	stream.indirect.gather [hbm4b:s4+s26], $0x70, s14, s26, $0xb8;
	[tilespmem:$0x1FA30] =	vst v63  }
0x8e: {  	_ =	swait.ge [sflag:s5], $0x2300  }
0x8f: {  	[sflag:s5] =	ssyncset.done $0x0  }
0x90: {  	s14 =	sadd.s32 $0x2760, s13;
	[sflag:s5] =	ssyncadd.s32 $0xFFFFDD00  }
0x91: {  	[spmem:s2] =	stream.indirect.scatter.add.f32 [tilespmem:s28], [sflag:$0x9], $0x70, s14, s26, $0xb8;
	[tilespmem:$0x1FA30] =	vst v63  }
0x92: {  	_ =	swait.ge [sflag:s24], $0x2300  }
0x93: {  	[sflag:s24] =	ssyncset.done $0x0  }
0x94: {  	s14 =	sadd.s32 $0x1E0, s13;
	[sflag:s24] =	ssyncadd.s32 $0xFFFFDD00  }
0x95: {  	[tilespmem:s28], [sflag:$0x2] =	stream.indirect.gather [hbm4b:s4+s26], $0x70, s14, s26, $0xb8;
	[tilespmem:$0x1FA30] =	vst v63  }
0x96: {  	_ =	swait.ge [sflag:s6], $0x2300  }
0x97: {  	[sflag:s6] =	ssyncset.done $0x0  }
0x98: {  	s14 =	sadd.s32 $0x27B0, s13;
	[sflag:s6] =	ssyncadd.s32 $0xFFFFDD00  }
0x99: {  	[spmem:s2] =	stream.indirect.scatter.add.f32 [tilespmem:s30], [sflag:$0x9], $0x70, s14, s26, $0xb8;
	[tilespmem:$0x1FA30] =	vst v63  }
0x9a: {  	_ =	swait.ge [sflag:s24], $0x2300  }
0x9b: {  	[sflag:s24] =	ssyncset.done $0x0  }
0x9c: {  	s14 =	sadd.s32 $0x230, s13;
	[sflag:s24] =	ssyncadd.s32 $0xFFFFDD00  }
0x9d: {  	[tilespmem:s30], [sflag:$0x3] =	stream.indirect.gather [hbm4b:s4+s26], $0x70, s14, s26, $0xb8;
	[tilespmem:$0x1FA30] =	vst v63  }
0x9e: {  	_ =	swait.ge [sflag:s7], $0x2300  }
0x9f: {  	[sflag:s7] =	ssyncset.done $0x0  }
0xa0: {  	s14 =	sadd.s32 $0x2800, s13;
	[sflag:s7] =	ssyncadd.s32 $0xFFFFDD00  }
0xa1: {  	[spmem:s2] =	stream.indirect.scatter.add.f32 [tilespmem:s1], [sflag:$0x9], $0x70, s14, s26, $0xb8;
	[tilespmem:$0x1FA30] =	vst v63  }
0xa2: {  	_ =	swait.ge [sflag:s24], $0x2300  }
0xa3: {  	[sflag:s24] =	ssyncset.done $0x0  }
0xa4: {  	s14 =	sadd.s32 $0x280, s13;
	[sflag:s24] =	ssyncadd.s32 $0xFFFFDD00  }
0xa5: {  	[tilespmem:s1], [sflag:$0x4] =	stream.indirect.gather [hbm4b:s4+s26], $0x70, s14, s26, $0xb8;
	[tilespmem:$0x1FA30] =	vst v63  }
0xa6: {  	_ =	swait.ge [sflag:s22], $0x2300  }
0xa7: {  	[sflag:s22] =	ssyncset.done $0x0  }
.Ltmp1:
0xa8: {  	s14 =	sadd.s32 $0x2850, s13;
	[sflag:s22] =	ssyncadd.s32 $0xFFFFDD00;
	(pc) =	sbr.rel @p0 .LBB2_4-.Ltmp1, $4  }
0xa9: {  	[spmem:s2] =	stream.indirect.scatter.add.f32 [tilespmem:s31], [sflag:$0x9], $0x70, s14, s26, $0xb8;
	[tilespmem:$0x1FA30] =	vst v63  }
0xaa: {  	_ =	swait.ge [sflag:s24], $0x2300  }
0xab: {  	[sflag:s24] =	ssyncset.done $0x0  }
0xac: {  	s13 =	sadd.s32 $0x2D0, s13;
	[sflag:s24] =	ssyncadd.s32 $0xFFFFDD00  }
0xad: {  	[tilespmem:s31], [sflag:$0x5] =	stream.indirect.gather [hbm4b:s4+s26], $0x70, s13, s26, $0xb8;
	[tilespmem:$0x1FA30] =	vst v63  }
0xae: {  	s12 =	simm.s32 $0x0  }
0xaf: {  	[tilespmem:s21], [sflag:$0x7] =	stream.linear.gather [hbm4b:s16+s12], $0x7D0, $0x38;
	[tilespmem:$0x1FA30] =	vst v63  }
0xb0: {  	_ =	swait.ge [sflag:s9], $0x7D0  }
0xb1: {  	[sflag:s9] =	ssyncset.done $0x0  }
0xb2: {  	[sflag:s9] =	ssyncadd.s32 $0xFFFFF830  }
0xb3: {  	_ =	swait.ge [sflag:s0], $0x2300  }
0xb4: {  	[sflag:s0] =	ssyncset.done $0x0  }
0xb5: {  	s14 =	simm.s32 $0x2EE0;
	[sflag:s0] =	ssyncadd.s32 $0xFFFFDD00  }
0xb6: {  	[spmem:s2] =	stream.indirect.scatter.add.f32 [tilespmem:s23], [sflag:$0x9], $0x70, s14, s26, $0xb8;
	[tilespmem:$0x1FA30] =	vst v63  }
0xb7: {  	_ =	swait.ge [sflag:s24], $0x2300  }
0xb8: {  	[sflag:s24] =	ssyncset.done $0x0  }
0xb9: {  	s13 =	simm.s32 $0x960;
	[sflag:s24] =	ssyncadd.s32 $0xFFFFDD00  }
0xba: {  	[tilespmem:s23], [sflag:$0x1] =	stream.indirect.gather [hbm4b:s4+s26], $0x70, s13, s26, $0xb8;
	[tilespmem:$0x1FA30] =	vst v63  }
0xbb: {  	_ =	swait.ge [sflag:s5], $0x2300  }
0xbc: {  	[sflag:s5] =	ssyncset.done $0x0  }
0xbd: {  	s14 =	simm.s32 $0x2F30;
	[sflag:s5] =	ssyncadd.s32 $0xFFFFDD00  }
0xbe: {  	[spmem:s2] =	stream.indirect.scatter.add.f32 [tilespmem:s28], [sflag:$0x9], $0x70, s14, s26, $0xb8;
	[tilespmem:$0x1FA30] =	vst v63  }
0xbf: {  	_ =	swait.ge [sflag:s24], $0x2300  }
0xc0: {  	[sflag:s24] =	ssyncset.done $0x0  }
0xc1: {  	s13 =	simm.s32 $0x9B0;
	[sflag:s24] =	ssyncadd.s32 $0xFFFFDD00  }
0xc2: {  	[tilespmem:s28], [sflag:$0x2] =	stream.indirect.gather [hbm4b:s4+s26], $0x70, s13, s26, $0xb8;
	[tilespmem:$0x1FA30] =	vst v63  }
0xc3: {  	_ =	swait.ge [sflag:s6], $0x2300  }
0xc4: {  	[sflag:s6] =	ssyncset.done $0x0  }
0xc5: {  	s14 =	simm.s32 $0x2F80;
	[sflag:s6] =	ssyncadd.s32 $0xFFFFDD00  }
0xc6: {  	[spmem:s2] =	stream.indirect.scatter.add.f32 [tilespmem:s30], [sflag:$0x9], $0x70, s14, s26, $0xb8;
	[tilespmem:$0x1FA30] =	vst v63  }
0xc7: {  	_ =	swait.ge [sflag:s24], $0x2300  }
0xc8: {  	[sflag:s24] =	ssyncset.done $0x0  }
0xc9: {  	s13 =	simm.s32 $0xA00;
	[sflag:s24] =	ssyncadd.s32 $0xFFFFDD00  }
0xca: {  	[tilespmem:s30], [sflag:$0x3] =	stream.indirect.gather [hbm4b:s4+s26], $0x70, s13, s26, $0xb8;
	[tilespmem:$0x1FA30] =	vst v63  }
0xcb: {  	_ =	swait.ge [sflag:s7], $0x2300  }
0xcc: {  	[sflag:s7] =	ssyncset.done $0x0  }
0xcd: {  	s14 =	simm.s32 $0x2FD0;
	[sflag:s7] =	ssyncadd.s32 $0xFFFFDD00  }
0xce: {  	[spmem:s2] =	stream.indirect.scatter.add.f32 [tilespmem:s1], [sflag:$0x9], $0x70, s14, s26, $0xb8;
	[tilespmem:$0x1FA30] =	vst v63  }
0xcf: {  	_ =	swait.ge [sflag:s24], $0x2300  }
0xd0: {  	[sflag:s24] =	ssyncset.done $0x0  }
0xd1: {  	s13 =	simm.s32 $0xA50;
	[sflag:s24] =	ssyncadd.s32 $0xFFFFDD00  }
0xd2: {  	[tilespmem:s1], [sflag:$0x4] =	stream.indirect.gather [hbm4b:s4+s26], $0x70, s13, s26, $0xb8;
	[tilespmem:$0x1FA30] =	vst v63  }
0xd3: {  	_ =	swait.ge [sflag:s22], $0x2300  }
0xd4: {  	[sflag:s22] =	ssyncset.done $0x0  }
0xd5: {  	s14 =	simm.s32 $0x3020;
	[sflag:s22] =	ssyncadd.s32 $0xFFFFDD00  }
0xd6: {  	[spmem:s2] =	stream.indirect.scatter.add.f32 [tilespmem:s31], [sflag:$0x9], $0x70, s14, s26, $0xb8;
	[tilespmem:$0x1FA30] =	vst v63  }
0xd7: {  	_ =	swait.ge [sflag:s24], $0x2300  }
0xd8: {  	[sflag:s24] =	ssyncset.done $0x0  }
0xd9: {  	s12 =	simm.s32 $0x640;
	s13 =	simm.s32 $0xAA0;
	[sflag:s24] =	ssyncadd.s32 $0xFFFFDD00  }
.LBB2_6:
0xda: {  	[tilespmem:s31], [sflag:$0x5] =	stream.indirect.gather [hbm4b:s4+s26], $0x70, s13, s26, $0xb8;
	[tilespmem:$0x1FA30] =	vst v63  }
0xdb: {  	s13 =	smov.u32 s12  }
0xdc: {  	p0 =	sne.s32 s12, $0x1900;
	s12 =	sadd.s32 $0x640, s12;
	_ =	swait.ge [sflag:s0], $0x2300  }
0xdd: {  	s13 =	sshra.s32 s13, $0x2;
	[sflag:s0] =	ssyncset.done $0x0  }
0xde: {  	s14 =	sadd.s32 $0x2EE0, s13;
	[sflag:s0] =	ssyncadd.s32 $0xFFFFDD00  }
0xdf: {  	[spmem:s2] =	stream.indirect.scatter.add.f32 [tilespmem:s23], [sflag:$0x9], $0x70, s14, s26, $0xb8;
	[tilespmem:$0x1FA30] =	vst v63  }
0xe0: {  	_ =	swait.ge [sflag:s24], $0x2300  }
0xe1: {  	[sflag:s24] =	ssyncset.done $0x0  }
0xe2: {  	s14 =	sadd.s32 $0x960, s13;
	[sflag:s24] =	ssyncadd.s32 $0xFFFFDD00  }
0xe3: {  	[tilespmem:s23], [sflag:$0x1] =	stream.indirect.gather [hbm4b:s4+s26], $0x70, s14, s26, $0xb8;
	[tilespmem:$0x1FA30] =	vst v63  }
0xe4: {  	_ =	swait.ge [sflag:s5], $0x2300  }
0xe5: {  	[sflag:s5] =	ssyncset.done $0x0  }
0xe6: {  	s14 =	sadd.s32 $0x2F30, s13;
	[sflag:s5] =	ssyncadd.s32 $0xFFFFDD00  }
0xe7: {  	[spmem:s2] =	stream.indirect.scatter.add.f32 [tilespmem:s28], [sflag:$0x9], $0x70, s14, s26, $0xb8;
	[tilespmem:$0x1FA30] =	vst v63  }
0xe8: {  	_ =	swait.ge [sflag:s24], $0x2300  }
0xe9: {  	[sflag:s24] =	ssyncset.done $0x0  }
0xea: {  	s14 =	sadd.s32 $0x9B0, s13;
	[sflag:s24] =	ssyncadd.s32 $0xFFFFDD00  }
0xeb: {  	[tilespmem:s28], [sflag:$0x2] =	stream.indirect.gather [hbm4b:s4+s26], $0x70, s14, s26, $0xb8;
	[tilespmem:$0x1FA30] =	vst v63  }
0xec: {  	_ =	swait.ge [sflag:s6], $0x2300  }
0xed: {  	[sflag:s6] =	ssyncset.done $0x0  }
0xee: {  	s14 =	sadd.s32 $0x2F80, s13;
	[sflag:s6] =	ssyncadd.s32 $0xFFFFDD00  }
0xef: {  	[spmem:s2] =	stream.indirect.scatter.add.f32 [tilespmem:s30], [sflag:$0x9], $0x70, s14, s26, $0xb8;
	[tilespmem:$0x1FA30] =	vst v63  }
0xf0: {  	_ =	swait.ge [sflag:s24], $0x2300  }
0xf1: {  	[sflag:s24] =	ssyncset.done $0x0  }
0xf2: {  	s14 =	sadd.s32 $0xA00, s13;
	[sflag:s24] =	ssyncadd.s32 $0xFFFFDD00  }
0xf3: {  	[tilespmem:s30], [sflag:$0x3] =	stream.indirect.gather [hbm4b:s4+s26], $0x70, s14, s26, $0xb8;
	[tilespmem:$0x1FA30] =	vst v63  }
0xf4: {  	_ =	swait.ge [sflag:s7], $0x2300  }
0xf5: {  	[sflag:s7] =	ssyncset.done $0x0  }
0xf6: {  	s14 =	sadd.s32 $0x2FD0, s13;
	[sflag:s7] =	ssyncadd.s32 $0xFFFFDD00  }
0xf7: {  	[spmem:s2] =	stream.indirect.scatter.add.f32 [tilespmem:s1], [sflag:$0x9], $0x70, s14, s26, $0xb8;
	[tilespmem:$0x1FA30] =	vst v63  }
0xf8: {  	_ =	swait.ge [sflag:s24], $0x2300  }
0xf9: {  	[sflag:s24] =	ssyncset.done $0x0  }
0xfa: {  	s14 =	sadd.s32 $0xA50, s13;
	[sflag:s24] =	ssyncadd.s32 $0xFFFFDD00  }
0xfb: {  	[tilespmem:s1], [sflag:$0x4] =	stream.indirect.gather [hbm4b:s4+s26], $0x70, s14, s26, $0xb8;
	[tilespmem:$0x1FA30] =	vst v63  }
0xfc: {  	_ =	swait.ge [sflag:s22], $0x2300  }
0xfd: {  	[sflag:s22] =	ssyncset.done $0x0  }
.Ltmp2:
0xfe: {  	s14 =	sadd.s32 $0x3020, s13;
	[sflag:s22] =	ssyncadd.s32 $0xFFFFDD00;
	(pc) =	sbr.rel @p0 .LBB2_6-.Ltmp2, $4  }
0xff: {  	[spmem:s2] =	stream.indirect.scatter.add.f32 [tilespmem:s31], [sflag:$0x9], $0x70, s14, s26, $0xb8;
	[tilespmem:$0x1FA30] =	vst v63  }
0x100: {  	_ =	swait.ge [sflag:s24], $0x2300  }
0x101: {  	[sflag:s24] =	ssyncset.done $0x0  }
0x102: {  	s13 =	sadd.s32 $0xAA0, s13;
	[sflag:s24] =	ssyncadd.s32 $0xFFFFDD00  }
0x103: {  	[tilespmem:s31], [sflag:$0x5] =	stream.indirect.gather [hbm4b:s4+s26], $0x70, s13, s26, $0xb8;
	[tilespmem:$0x1FA30] =	vst v63  }
0x104: {  	s12 =	simm.s32 $0x0;
	s14 =	simm.s32 $0x2EE0  }
0x105: {  	[tilespmem:s14], [sflag:$0x8] =	stream.linear.gather [hbm4b:s17+s12], $0x7D0, $0x38;
	[tilespmem:$0x1FA30] =	vst v63  }
0x106: {  	_ =	swait.ge [sflag:s29], $0x7D0  }
0x107: {  	[sflag:s29] =	ssyncset.done $0x0  }
0x108: {  	[sflag:s29] =	ssyncadd.s32 $0xFFFFF830  }
0x109: {  	_ =	swait.ge [sflag:s0], $0x2300  }
0x10a: {  	[sflag:s0] =	ssyncset.done $0x0  }
0x10b: {  	s14 =	simm.s32 $0x2710;
	[sflag:s0] =	ssyncadd.s32 $0xFFFFDD00  }
0x10c: {  	[spmem:s2] =	stream.indirect.scatter.add.f32 [tilespmem:s23], [sflag:$0x9], $0x70, s14, s26, $0xb8;
	[tilespmem:$0x1FA30] =	vst v63  }
0x10d: {  	_ =	swait.ge [sflag:s24], $0x2300  }
0x10e: {  	[sflag:s24] =	ssyncset.done $0x0  }
0x10f: {  	s13 =	simm.s32 $0x1130;
	[sflag:s24] =	ssyncadd.s32 $0xFFFFDD00  }
0x110: {  	[tilespmem:s23], [sflag:$0x1] =	stream.indirect.gather [hbm4b:s4+s26], $0x70, s13, s26, $0xb8;
	[tilespmem:$0x1FA30] =	vst v63  }
0x111: {  	_ =	swait.ge [sflag:s5], $0x2300  }
0x112: {  	[sflag:s5] =	ssyncset.done $0x0  }
0x113: {  	s14 =	simm.s32 $0x2760;
	[sflag:s5] =	ssyncadd.s32 $0xFFFFDD00  }
0x114: {  	[spmem:s2] =	stream.indirect.scatter.add.f32 [tilespmem:s28], [sflag:$0x9], $0x70, s14, s26, $0xb8;
	[tilespmem:$0x1FA30] =	vst v63  }
0x115: {  	_ =	swait.ge [sflag:s24], $0x2300  }
0x116: {  	[sflag:s24] =	ssyncset.done $0x0  }
0x117: {  	s13 =	simm.s32 $0x1180;
	[sflag:s24] =	ssyncadd.s32 $0xFFFFDD00  }
0x118: {  	[tilespmem:s28], [sflag:$0x2] =	stream.indirect.gather [hbm4b:s4+s26], $0x70, s13, s26, $0xb8;
	[tilespmem:$0x1FA30] =	vst v63  }
0x119: {  	_ =	swait.ge [sflag:s6], $0x2300  }
0x11a: {  	[sflag:s6] =	ssyncset.done $0x0  }
0x11b: {  	s14 =	simm.s32 $0x27B0;
	[sflag:s6] =	ssyncadd.s32 $0xFFFFDD00  }
0x11c: {  	[spmem:s2] =	stream.indirect.scatter.add.f32 [tilespmem:s30], [sflag:$0x9], $0x70, s14, s26, $0xb8;
	[tilespmem:$0x1FA30] =	vst v63  }
0x11d: {  	_ =	swait.ge [sflag:s24], $0x2300  }
0x11e: {  	[sflag:s24] =	ssyncset.done $0x0  }
0x11f: {  	s13 =	simm.s32 $0x11D0;
	[sflag:s24] =	ssyncadd.s32 $0xFFFFDD00  }
0x120: {  	[tilespmem:s30], [sflag:$0x3] =	stream.indirect.gather [hbm4b:s4+s26], $0x70, s13, s26, $0xb8;
	[tilespmem:$0x1FA30] =	vst v63  }
0x121: {  	_ =	swait.ge [sflag:s7], $0x2300  }
0x122: {  	[sflag:s7] =	ssyncset.done $0x0  }
0x123: {  	s14 =	simm.s32 $0x2800;
	[sflag:s7] =	ssyncadd.s32 $0xFFFFDD00  }
0x124: {  	[spmem:s2] =	stream.indirect.scatter.add.f32 [tilespmem:s1], [sflag:$0x9], $0x70, s14, s26, $0xb8;
	[tilespmem:$0x1FA30] =	vst v63  }
0x125: {  	_ =	swait.ge [sflag:s24], $0x2300  }
0x126: {  	[sflag:s24] =	ssyncset.done $0x0  }
0x127: {  	s13 =	simm.s32 $0x1220;
	[sflag:s24] =	ssyncadd.s32 $0xFFFFDD00  }
0x128: {  	[tilespmem:s1], [sflag:$0x4] =	stream.indirect.gather [hbm4b:s4+s26], $0x70, s13, s26, $0xb8;
	[tilespmem:$0x1FA30] =	vst v63  }
0x129: {  	_ =	swait.ge [sflag:s22], $0x2300  }
0x12a: {  	[sflag:s22] =	ssyncset.done $0x0  }
0x12b: {  	s14 =	simm.s32 $0x2850;
	[sflag:s22] =	ssyncadd.s32 $0xFFFFDD00  }
0x12c: {  	[spmem:s2] =	stream.indirect.scatter.add.f32 [tilespmem:s31], [sflag:$0x9], $0x70, s14, s26, $0xb8;
	[tilespmem:$0x1FA30] =	vst v63  }
0x12d: {  	_ =	swait.ge [sflag:s24], $0x2300  }
0x12e: {  	[sflag:s24] =	ssyncset.done $0x0  }
0x12f: {  	s12 =	simm.s32 $0x640;
	s13 =	simm.s32 $0x1270;
	[sflag:s24] =	ssyncadd.s32 $0xFFFFDD00  }
.LBB2_8:
0x130: {  	[tilespmem:s31], [sflag:$0x5] =	stream.indirect.gather [hbm4b:s4+s26], $0x70, s13, s26, $0xb8;
	[tilespmem:$0x1FA30] =	vst v63  }
0x131: {  	s13 =	smov.u32 s12  }
0x132: {  	p0 =	sne.s32 s12, $0x1900;
	s12 =	sadd.s32 $0x640, s12;
	_ =	swait.ge [sflag:s0], $0x2300  }
0x133: {  	s13 =	sshra.s32 s13, $0x2;
	[sflag:s0] =	ssyncset.done $0x0  }
0x134: {  	s14 =	sadd.s32 $0x2710, s13;
	[sflag:s0] =	ssyncadd.s32 $0xFFFFDD00  }
0x135: {  	[spmem:s2] =	stream.indirect.scatter.add.f32 [tilespmem:s23], [sflag:$0x9], $0x70, s14, s26, $0xb8;
	[tilespmem:$0x1FA30] =	vst v63  }
0x136: {  	_ =	swait.ge [sflag:s24], $0x2300  }
0x137: {  	[sflag:s24] =	ssyncset.done $0x0  }
0x138: {  	s14 =	sadd.s32 $0x1130, s13;
	[sflag:s24] =	ssyncadd.s32 $0xFFFFDD00  }
0x139: {  	[tilespmem:s23], [sflag:$0x1] =	stream.indirect.gather [hbm4b:s4+s26], $0x70, s14, s26, $0xb8;
	[tilespmem:$0x1FA30] =	vst v63  }
0x13a: {  	_ =	swait.ge [sflag:s5], $0x2300  }
0x13b: {  	[sflag:s5] =	ssyncset.done $0x0  }
0x13c: {  	s14 =	sadd.s32 $0x2760, s13;
	[sflag:s5] =	ssyncadd.s32 $0xFFFFDD00  }
0x13d: {  	[spmem:s2] =	stream.indirect.scatter.add.f32 [tilespmem:s28], [sflag:$0x9], $0x70, s14, s26, $0xb8;
	[tilespmem:$0x1FA30] =	vst v63  }
0x13e: {  	_ =	swait.ge [sflag:s24], $0x2300  }
0x13f: {  	[sflag:s24] =	ssyncset.done $0x0  }
0x140: {  	s14 =	sadd.s32 $0x1180, s13;
	[sflag:s24] =	ssyncadd.s32 $0xFFFFDD00  }
0x141: {  	[tilespmem:s28], [sflag:$0x2] =	stream.indirect.gather [hbm4b:s4+s26], $0x70, s14, s26, $0xb8;
	[tilespmem:$0x1FA30] =	vst v63  }
0x142: {  	_ =	swait.ge [sflag:s6], $0x2300  }
0x143: {  	[sflag:s6] =	ssyncset.done $0x0  }
0x144: {  	s14 =	sadd.s32 $0x27B0, s13;
	[sflag:s6] =	ssyncadd.s32 $0xFFFFDD00  }
0x145: {  	[spmem:s2] =	stream.indirect.scatter.add.f32 [tilespmem:s30], [sflag:$0x9], $0x70, s14, s26, $0xb8;
	[tilespmem:$0x1FA30] =	vst v63  }
0x146: {  	_ =	swait.ge [sflag:s24], $0x2300  }
0x147: {  	[sflag:s24] =	ssyncset.done $0x0  }
0x148: {  	s14 =	sadd.s32 $0x11D0, s13;
	[sflag:s24] =	ssyncadd.s32 $0xFFFFDD00  }
0x149: {  	[tilespmem:s30], [sflag:$0x3] =	stream.indirect.gather [hbm4b:s4+s26], $0x70, s14, s26, $0xb8;
	[tilespmem:$0x1FA30] =	vst v63  }
0x14a: {  	_ =	swait.ge [sflag:s7], $0x2300  }
0x14b: {  	[sflag:s7] =	ssyncset.done $0x0  }
0x14c: {  	s14 =	sadd.s32 $0x2800, s13;
	[sflag:s7] =	ssyncadd.s32 $0xFFFFDD00  }
0x14d: {  	[spmem:s2] =	stream.indirect.scatter.add.f32 [tilespmem:s1], [sflag:$0x9], $0x70, s14, s26, $0xb8;
	[tilespmem:$0x1FA30] =	vst v63  }
0x14e: {  	_ =	swait.ge [sflag:s24], $0x2300  }
0x14f: {  	[sflag:s24] =	ssyncset.done $0x0  }
0x150: {  	s14 =	sadd.s32 $0x1220, s13;
	[sflag:s24] =	ssyncadd.s32 $0xFFFFDD00  }
0x151: {  	[tilespmem:s1], [sflag:$0x4] =	stream.indirect.gather [hbm4b:s4+s26], $0x70, s14, s26, $0xb8;
	[tilespmem:$0x1FA30] =	vst v63  }
0x152: {  	_ =	swait.ge [sflag:s22], $0x2300  }
0x153: {  	[sflag:s22] =	ssyncset.done $0x0  }
.Ltmp3:
0x154: {  	s14 =	sadd.s32 $0x2850, s13;
	[sflag:s22] =	ssyncadd.s32 $0xFFFFDD00;
	(pc) =	sbr.rel @p0 .LBB2_8-.Ltmp3, $4  }
0x155: {  	[spmem:s2] =	stream.indirect.scatter.add.f32 [tilespmem:s31], [sflag:$0x9], $0x70, s14, s26, $0xb8;
	[tilespmem:$0x1FA30] =	vst v63  }
0x156: {  	_ =	swait.ge [sflag:s24], $0x2300  }
0x157: {  	[sflag:s24] =	ssyncset.done $0x0  }
0x158: {  	s13 =	sadd.s32 $0x1270, s13;
	[sflag:s24] =	ssyncadd.s32 $0xFFFFDD00  }
0x159: {  	[tilespmem:s31], [sflag:$0x5] =	stream.indirect.gather [hbm4b:s4+s26], $0x70, s13, s26, $0xb8;
	[tilespmem:$0x1FA30] =	vst v63  }
0x15a: {  	s12 =	simm.s32 $0x0  }
0x15b: {  	[tilespmem:s21], [sflag:$0x7] =	stream.linear.gather [hbm4b:s18+s12], $0x7D0, $0x38;
	[tilespmem:$0x1FA30] =	vst v63  }
0x15c: {  	_ =	swait.ge [sflag:s9], $0x7D0  }
0x15d: {  	[sflag:s9] =	ssyncset.done $0x0  }
0x15e: {  	[sflag:s9] =	ssyncadd.s32 $0xFFFFF830  }
0x15f: {  	_ =	swait.ge [sflag:s0], $0x2300  }
0x160: {  	[sflag:s0] =	ssyncset.done $0x0  }
0x161: {  	s14 =	simm.s32 $0x2EE0;
	[sflag:s0] =	ssyncadd.s32 $0xFFFFDD00  }
0x162: {  	[spmem:s2] =	stream.indirect.scatter.add.f32 [tilespmem:s23], [sflag:$0x9], $0x70, s14, s26, $0xb8;
	[tilespmem:$0x1FA30] =	vst v63  }
0x163: {  	_ =	swait.ge [sflag:s24], $0x2300  }
0x164: {  	[sflag:s24] =	ssyncset.done $0x0  }
0x165: {  	s13 =	simm.s32 $0x1900;
	[sflag:s24] =	ssyncadd.s32 $0xFFFFDD00  }
0x166: {  	[tilespmem:s23], [sflag:$0x1] =	stream.indirect.gather [hbm4b:s4+s26], $0x70, s13, s26, $0xb8;
	[tilespmem:$0x1FA30] =	vst v63  }
0x167: {  	_ =	swait.ge [sflag:s5], $0x2300  }
0x168: {  	[sflag:s5] =	ssyncset.done $0x0  }
0x169: {  	s14 =	simm.s32 $0x2F30;
	[sflag:s5] =	ssyncadd.s32 $0xFFFFDD00  }
0x16a: {  	[spmem:s2] =	stream.indirect.scatter.add.f32 [tilespmem:s28], [sflag:$0x9], $0x70, s14, s26, $0xb8;
	[tilespmem:$0x1FA30] =	vst v63  }
0x16b: {  	_ =	swait.ge [sflag:s24], $0x2300  }
0x16c: {  	[sflag:s24] =	ssyncset.done $0x0  }
0x16d: {  	s13 =	simm.s32 $0x1950;
	[sflag:s24] =	ssyncadd.s32 $0xFFFFDD00  }
0x16e: {  	[tilespmem:s28], [sflag:$0x2] =	stream.indirect.gather [hbm4b:s4+s26], $0x70, s13, s26, $0xb8;
	[tilespmem:$0x1FA30] =	vst v63  }
0x16f: {  	_ =	swait.ge [sflag:s6], $0x2300  }
0x170: {  	[sflag:s6] =	ssyncset.done $0x0  }
0x171: {  	s14 =	simm.s32 $0x2F80;
	[sflag:s6] =	ssyncadd.s32 $0xFFFFDD00  }
0x172: {  	[spmem:s2] =	stream.indirect.scatter.add.f32 [tilespmem:s30], [sflag:$0x9], $0x70, s14, s26, $0xb8;
	[tilespmem:$0x1FA30] =	vst v63  }
0x173: {  	_ =	swait.ge [sflag:s24], $0x2300  }
0x174: {  	[sflag:s24] =	ssyncset.done $0x0  }
0x175: {  	s13 =	simm.s32 $0x19A0;
	[sflag:s24] =	ssyncadd.s32 $0xFFFFDD00  }
0x176: {  	[tilespmem:s30], [sflag:$0x3] =	stream.indirect.gather [hbm4b:s4+s26], $0x70, s13, s26, $0xb8;
	[tilespmem:$0x1FA30] =	vst v63  }
0x177: {  	_ =	swait.ge [sflag:s7], $0x2300  }
0x178: {  	[sflag:s7] =	ssyncset.done $0x0  }
0x179: {  	s14 =	simm.s32 $0x2FD0;
	[sflag:s7] =	ssyncadd.s32 $0xFFFFDD00  }
0x17a: {  	[spmem:s2] =	stream.indirect.scatter.add.f32 [tilespmem:s1], [sflag:$0x9], $0x70, s14, s26, $0xb8;
	[tilespmem:$0x1FA30] =	vst v63  }
0x17b: {  	_ =	swait.ge [sflag:s24], $0x2300  }
0x17c: {  	[sflag:s24] =	ssyncset.done $0x0  }
0x17d: {  	s13 =	simm.s32 $0x19F0;
	[sflag:s24] =	ssyncadd.s32 $0xFFFFDD00  }
0x17e: {  	[tilespmem:s1], [sflag:$0x4] =	stream.indirect.gather [hbm4b:s4+s26], $0x70, s13, s26, $0xb8;
	[tilespmem:$0x1FA30] =	vst v63  }
0x17f: {  	_ =	swait.ge [sflag:s22], $0x2300  }
0x180: {  	[sflag:s22] =	ssyncset.done $0x0  }
0x181: {  	s14 =	simm.s32 $0x3020;
	[sflag:s22] =	ssyncadd.s32 $0xFFFFDD00  }
0x182: {  	[spmem:s2] =	stream.indirect.scatter.add.f32 [tilespmem:s31], [sflag:$0x9], $0x70, s14, s26, $0xb8;
	[tilespmem:$0x1FA30] =	vst v63  }
0x183: {  	_ =	swait.ge [sflag:s24], $0x2300  }
0x184: {  	[sflag:s24] =	ssyncset.done $0x0  }
0x185: {  	s12 =	simm.s32 $0x640;
	s13 =	simm.s32 $0x1A40;
	[sflag:s24] =	ssyncadd.s32 $0xFFFFDD00  }
.LBB2_10:
0x186: {  	[tilespmem:s31], [sflag:$0x5] =	stream.indirect.gather [hbm4b:s4+s26], $0x70, s13, s26, $0xb8;
	[tilespmem:$0x1FA30] =	vst v63  }
0x187: {  	s13 =	smov.u32 s12  }
0x188: {  	p0 =	sne.s32 s12, $0x1900;
	s12 =	sadd.s32 $0x640, s12;
	_ =	swait.ge [sflag:s0], $0x2300  }
0x189: {  	s13 =	sshra.s32 s13, $0x2;
	[sflag:s0] =	ssyncset.done $0x0  }
0x18a: {  	s14 =	sadd.s32 $0x2EE0, s13;
	[sflag:s0] =	ssyncadd.s32 $0xFFFFDD00  }
0x18b: {  	[spmem:s2] =	stream.indirect.scatter.add.f32 [tilespmem:s23], [sflag:$0x9], $0x70, s14, s26, $0xb8;
	[tilespmem:$0x1FA30] =	vst v63  }
0x18c: {  	_ =	swait.ge [sflag:s24], $0x2300  }
0x18d: {  	[sflag:s24] =	ssyncset.done $0x0  }
0x18e: {  	s14 =	sadd.s32 $0x1900, s13;
	[sflag:s24] =	ssyncadd.s32 $0xFFFFDD00  }
0x18f: {  	[tilespmem:s23], [sflag:$0x1] =	stream.indirect.gather [hbm4b:s4+s26], $0x70, s14, s26, $0xb8;
	[tilespmem:$0x1FA30] =	vst v63  }
0x190: {  	_ =	swait.ge [sflag:s5], $0x2300  }
0x191: {  	[sflag:s5] =	ssyncset.done $0x0  }
0x192: {  	s14 =	sadd.s32 $0x2F30, s13;
	[sflag:s5] =	ssyncadd.s32 $0xFFFFDD00  }
0x193: {  	[spmem:s2] =	stream.indirect.scatter.add.f32 [tilespmem:s28], [sflag:$0x9], $0x70, s14, s26, $0xb8;
	[tilespmem:$0x1FA30] =	vst v63  }
0x194: {  	_ =	swait.ge [sflag:s24], $0x2300  }
0x195: {  	[sflag:s24] =	ssyncset.done $0x0  }
0x196: {  	s14 =	sadd.s32 $0x1950, s13;
	[sflag:s24] =	ssyncadd.s32 $0xFFFFDD00  }
0x197: {  	[tilespmem:s28], [sflag:$0x2] =	stream.indirect.gather [hbm4b:s4+s26], $0x70, s14, s26, $0xb8;
	[tilespmem:$0x1FA30] =	vst v63  }
0x198: {  	_ =	swait.ge [sflag:s6], $0x2300  }
0x199: {  	[sflag:s6] =	ssyncset.done $0x0  }
0x19a: {  	s14 =	sadd.s32 $0x2F80, s13;
	[sflag:s6] =	ssyncadd.s32 $0xFFFFDD00  }
0x19b: {  	[spmem:s2] =	stream.indirect.scatter.add.f32 [tilespmem:s30], [sflag:$0x9], $0x70, s14, s26, $0xb8;
	[tilespmem:$0x1FA30] =	vst v63  }
0x19c: {  	_ =	swait.ge [sflag:s24], $0x2300  }
0x19d: {  	[sflag:s24] =	ssyncset.done $0x0  }
0x19e: {  	s14 =	sadd.s32 $0x19A0, s13;
	[sflag:s24] =	ssyncadd.s32 $0xFFFFDD00  }
0x19f: {  	[tilespmem:s30], [sflag:$0x3] =	stream.indirect.gather [hbm4b:s4+s26], $0x70, s14, s26, $0xb8;
	[tilespmem:$0x1FA30] =	vst v63  }
0x1a0: {  	_ =	swait.ge [sflag:s7], $0x2300  }
0x1a1: {  	[sflag:s7] =	ssyncset.done $0x0  }
0x1a2: {  	s14 =	sadd.s32 $0x2FD0, s13;
	[sflag:s7] =	ssyncadd.s32 $0xFFFFDD00  }
0x1a3: {  	[spmem:s2] =	stream.indirect.scatter.add.f32 [tilespmem:s1], [sflag:$0x9], $0x70, s14, s26, $0xb8;
	[tilespmem:$0x1FA30] =	vst v63  }
0x1a4: {  	_ =	swait.ge [sflag:s24], $0x2300  }
0x1a5: {  	[sflag:s24] =	ssyncset.done $0x0  }
0x1a6: {  	s14 =	sadd.s32 $0x19F0, s13;
	[sflag:s24] =	ssyncadd.s32 $0xFFFFDD00  }
0x1a7: {  	[tilespmem:s1], [sflag:$0x4] =	stream.indirect.gather [hbm4b:s4+s26], $0x70, s14, s26, $0xb8;
	[tilespmem:$0x1FA30] =	vst v63  }
0x1a8: {  	_ =	swait.ge [sflag:s22], $0x2300  }
0x1a9: {  	[sflag:s22] =	ssyncset.done $0x0  }
.Ltmp4:
0x1aa: {  	s14 =	sadd.s32 $0x3020, s13;
	[sflag:s22] =	ssyncadd.s32 $0xFFFFDD00;
	(pc) =	sbr.rel @p0 .LBB2_10-.Ltmp4, $4  }
0x1ab: {  	[spmem:s2] =	stream.indirect.scatter.add.f32 [tilespmem:s31], [sflag:$0x9], $0x70, s14, s26, $0xb8;
	[tilespmem:$0x1FA30] =	vst v63  }
0x1ac: {  	_ =	swait.ge [sflag:s24], $0x2300  }
0x1ad: {  	[sflag:s24] =	ssyncset.done $0x0  }
0x1ae: {  	s13 =	sadd.s32 $0x1A40, s13;
	[sflag:s24] =	ssyncadd.s32 $0xFFFFDD00  }
0x1af: {  	[tilespmem:s31], [sflag:$0x5] =	stream.indirect.gather [hbm4b:s4+s26], $0x70, s13, s26, $0xb8;
	[tilespmem:$0x1FA30] =	vst v63  }
0x1b0: {  	_ =	swait.ge [sflag:s29], $0x7D0  }
0x1b1: {  	[sflag:s29] =	ssyncset.done $0x0  }
0x1b2: {  	[sflag:s29] =	ssyncadd.s32 $0xFFFFF830  }
0x1b3: {  	_ =	swait.ge [sflag:s0], $0x2300  }
0x1b4: {  	[sflag:s0] =	ssyncset.done $0x0  }
0x1b5: {  	[sflag:s0] =	ssyncadd.s32 $0xFFFFDD00  }
0x1b6: {  	[spmem:s2] =	stream.indirect.scatter.add.f32 [tilespmem:s23], [sflag:$0x9], $0x70, s21, s26, $0xb8;
	[tilespmem:$0x1FA30] =	vst v63  }
0x1b7: {  	_ =	swait.ge [sflag:s24], $0x2300  }
0x1b8: {  	[sflag:s24] =	ssyncset.done $0x0  }
0x1b9: {  	s12 =	simm.s32 $0x20D0;
	[sflag:s24] =	ssyncadd.s32 $0xFFFFDD00  }
0x1ba: {  	[tilespmem:s23], [sflag:$0x1] =	stream.indirect.gather [hbm4b:s4+s26], $0x70, s12, s26, $0xb8;
	[tilespmem:$0x1FA30] =	vst v63  }
0x1bb: {  	_ =	swait.ge [sflag:s5], $0x2300  }
0x1bc: {  	[sflag:s5] =	ssyncset.done $0x0  }
0x1bd: {  	s13 =	simm.s32 $0x2760;
	[sflag:s5] =	ssyncadd.s32 $0xFFFFDD00  }
0x1be: {  	[spmem:s2] =	stream.indirect.scatter.add.f32 [tilespmem:s28], [sflag:$0x9], $0x70, s13, s26, $0xb8;
	[tilespmem:$0x1FA30] =	vst v63  }
0x1bf: {  	_ =	swait.ge [sflag:s24], $0x2300  }
0x1c0: {  	[sflag:s24] =	ssyncset.done $0x0  }
0x1c1: {  	s14 =	simm.s32 $0x2120;
	[sflag:s24] =	ssyncadd.s32 $0xFFFFDD00  }
0x1c2: {  	[tilespmem:s28], [sflag:$0x2] =	stream.indirect.gather [hbm4b:s4+s26], $0x70, s14, s26, $0xb8;
	[tilespmem:$0x1FA30] =	vst v63  }
0x1c3: {  	_ =	swait.ge [sflag:s6], $0x2300  }
0x1c4: {  	[sflag:s6] =	ssyncset.done $0x0  }
0x1c5: {  	s13 =	simm.s32 $0x27B0;
	[sflag:s6] =	ssyncadd.s32 $0xFFFFDD00  }
0x1c6: {  	[spmem:s2] =	stream.indirect.scatter.add.f32 [tilespmem:s30], [sflag:$0x9], $0x70, s13, s26, $0xb8;
	[tilespmem:$0x1FA30] =	vst v63  }
0x1c7: {  	_ =	swait.ge [sflag:s24], $0x2300  }
0x1c8: {  	[sflag:s24] =	ssyncset.done $0x0  }
0x1c9: {  	s14 =	simm.s32 $0x2170;
	[sflag:s24] =	ssyncadd.s32 $0xFFFFDD00  }
0x1ca: {  	[tilespmem:s30], [sflag:$0x3] =	stream.indirect.gather [hbm4b:s4+s26], $0x70, s14, s26, $0xb8;
	[tilespmem:$0x1FA30] =	vst v63  }
0x1cb: {  	_ =	swait.ge [sflag:s7], $0x2300  }
0x1cc: {  	[sflag:s7] =	ssyncset.done $0x0  }
0x1cd: {  	s13 =	simm.s32 $0x2800;
	[sflag:s7] =	ssyncadd.s32 $0xFFFFDD00  }
0x1ce: {  	[spmem:s2] =	stream.indirect.scatter.add.f32 [tilespmem:s1], [sflag:$0x9], $0x70, s13, s26, $0xb8;
	[tilespmem:$0x1FA30] =	vst v63  }
0x1cf: {  	_ =	swait.ge [sflag:s24], $0x2300  }
0x1d0: {  	[sflag:s24] =	ssyncset.done $0x0  }
0x1d1: {  	s14 =	simm.s32 $0x21C0;
	[sflag:s24] =	ssyncadd.s32 $0xFFFFDD00  }
0x1d2: {  	[tilespmem:s1], [sflag:$0x4] =	stream.indirect.gather [hbm4b:s4+s26], $0x70, s14, s26, $0xb8;
	[tilespmem:$0x1FA30] =	vst v63  }
0x1d3: {  	_ =	swait.ge [sflag:s22], $0x2300  }
0x1d4: {  	[sflag:s22] =	ssyncset.done $0x0  }
0x1d5: {  	s13 =	simm.s32 $0x2850;
	[sflag:s22] =	ssyncadd.s32 $0xFFFFDD00  }
0x1d6: {  	[spmem:s2] =	stream.indirect.scatter.add.f32 [tilespmem:s31], [sflag:$0x9], $0x70, s13, s26, $0xb8;
	[tilespmem:$0x1FA30] =	vst v63  }
0x1d7: {  	_ =	swait.ge [sflag:s24], $0x2300  }
0x1d8: {  	[sflag:s24] =	ssyncset.done $0x0  }
0x1d9: {  	s14 =	simm.s32 $0x2210;
	[sflag:s24] =	ssyncadd.s32 $0xFFFFDD00  }
0x1da: {  	[tilespmem:s31], [sflag:$0x5] =	stream.indirect.gather [hbm4b:s4+s26], $0x70, s14, s26, $0xb8;
	[tilespmem:$0x1FA30] =	vst v63  }
0x1db: {  	_ =	swait.ge [sflag:s0], $0x2300  }
0x1dc: {  	[sflag:s0] =	ssyncset.done $0x0  }
0x1dd: {  	s13 =	simm.s32 $0x28A0;
	[sflag:s0] =	ssyncadd.s32 $0xFFFFDD00  }
0x1de: {  	[spmem:s2] =	stream.indirect.scatter.add.f32 [tilespmem:s23], [sflag:$0x9], $0x70, s13, s26, $0xb8;
	[tilespmem:$0x1FA30] =	vst v63  }
0x1df: {  	_ =	swait.ge [sflag:s24], $0x2300  }
0x1e0: {  	[sflag:s24] =	ssyncset.done $0x0  }
0x1e1: {  	s14 =	simm.s32 $0x2260;
	[sflag:s24] =	ssyncadd.s32 $0xFFFFDD00  }
0x1e2: {  	[tilespmem:s23], [sflag:$0x1] =	stream.indirect.gather [hbm4b:s4+s26], $0x70, s14, s26, $0xb8;
	[tilespmem:$0x1FA30] =	vst v63  }
0x1e3: {  	_ =	swait.ge [sflag:s5], $0x2300  }
0x1e4: {  	[sflag:s5] =	ssyncset.done $0x0  }
0x1e5: {  	s13 =	simm.s32 $0x28F0;
	[sflag:s5] =	ssyncadd.s32 $0xFFFFDD00  }
0x1e6: {  	[spmem:s2] =	stream.indirect.scatter.add.f32 [tilespmem:s28], [sflag:$0x9], $0x70, s13, s26, $0xb8;
	[tilespmem:$0x1FA30] =	vst v63  }
0x1e7: {  	_ =	swait.ge [sflag:s24], $0x2300  }
0x1e8: {  	[sflag:s24] =	ssyncset.done $0x0  }
0x1e9: {  	s14 =	simm.s32 $0x22B0;
	[sflag:s24] =	ssyncadd.s32 $0xFFFFDD00  }
0x1ea: {  	[tilespmem:s28], [sflag:$0x2] =	stream.indirect.gather [hbm4b:s4+s26], $0x70, s14, s26, $0xb8;
	[tilespmem:$0x1FA30] =	vst v63  }
0x1eb: {  	_ =	swait.ge [sflag:s6], $0x2300  }
0x1ec: {  	[sflag:s6] =	ssyncset.done $0x0  }
0x1ed: {  	s13 =	simm.s32 $0x2940;
	[sflag:s6] =	ssyncadd.s32 $0xFFFFDD00  }
0x1ee: {  	[spmem:s2] =	stream.indirect.scatter.add.f32 [tilespmem:s30], [sflag:$0x9], $0x70, s13, s26, $0xb8;
	[tilespmem:$0x1FA30] =	vst v63  }
0x1ef: {  	_ =	swait.ge [sflag:s24], $0x2300  }
0x1f0: {  	[sflag:s24] =	ssyncset.done $0x0  }
0x1f1: {  	s14 =	simm.s32 $0x2300;
	[sflag:s24] =	ssyncadd.s32 $0xFFFFDD00  }
0x1f2: {  	[tilespmem:s30], [sflag:$0x3] =	stream.indirect.gather [hbm4b:s4+s26], $0x70, s14, s26, $0xb8;
	[tilespmem:$0x1FA30] =	vst v63  }
0x1f3: {  	_ =	swait.ge [sflag:s7], $0x2300  }
0x1f4: {  	[sflag:s7] =	ssyncset.done $0x0  }
0x1f5: {  	s13 =	simm.s32 $0x2990;
	[sflag:s7] =	ssyncadd.s32 $0xFFFFDD00  }
0x1f6: {  	[spmem:s2] =	stream.indirect.scatter.add.f32 [tilespmem:s1], [sflag:$0x9], $0x70, s13, s26, $0xb8;
	[tilespmem:$0x1FA30] =	vst v63  }
0x1f7: {  	_ =	swait.ge [sflag:s24], $0x2300  }
0x1f8: {  	[sflag:s24] =	ssyncset.done $0x0  }
0x1f9: {  	s14 =	simm.s32 $0x2350;
	[sflag:s24] =	ssyncadd.s32 $0xFFFFDD00  }
0x1fa: {  	[tilespmem:s1], [sflag:$0x4] =	stream.indirect.gather [hbm4b:s4+s26], $0x70, s14, s26, $0xb8;
	[tilespmem:$0x1FA30] =	vst v63  }
0x1fb: {  	_ =	swait.ge [sflag:s22], $0x2300  }
0x1fc: {  	[sflag:s22] =	ssyncset.done $0x0  }
0x1fd: {  	s13 =	simm.s32 $0x29E0;
	[sflag:s22] =	ssyncadd.s32 $0xFFFFDD00  }
0x1fe: {  	[spmem:s2] =	stream.indirect.scatter.add.f32 [tilespmem:s31], [sflag:$0x9], $0x70, s13, s26, $0xb8;
	[tilespmem:$0x1FA30] =	vst v63  }
0x1ff: {  	_ =	swait.ge [sflag:s24], $0x2300  }
0x200: {  	[sflag:s24] =	ssyncset.done $0x0  }
0x201: {  	s14 =	simm.s32 $0x23A0;
	[sflag:s24] =	ssyncadd.s32 $0xFFFFDD00  }
0x202: {  	[tilespmem:s31], [sflag:$0x5] =	stream.indirect.gather [hbm4b:s4+s26], $0x70, s14, s26, $0xb8;
	[tilespmem:$0x1FA30] =	vst v63  }
0x203: {  	_ =	swait.ge [sflag:s0], $0x2300  }
0x204: {  	[sflag:s0] =	ssyncset.done $0x0  }
0x205: {  	s13 =	simm.s32 $0x2A30;
	[sflag:s0] =	ssyncadd.s32 $0xFFFFDD00  }
0x206: {  	[spmem:s2] =	stream.indirect.scatter.add.f32 [tilespmem:s23], [sflag:$0x9], $0x70, s13, s26, $0xb8;
	[tilespmem:$0x1FA30] =	vst v63  }
0x207: {  	_ =	swait.ge [sflag:s24], $0x2300  }
0x208: {  	[sflag:s24] =	ssyncset.done $0x0  }
0x209: {  	s14 =	simm.s32 $0x23F0;
	[sflag:s24] =	ssyncadd.s32 $0xFFFFDD00  }
0x20a: {  	[tilespmem:s23], [sflag:$0x1] =	stream.indirect.gather [hbm4b:s4+s26], $0x70, s14, s26, $0xb8;
	[tilespmem:$0x1FA30] =	vst v63  }
0x20b: {  	_ =	swait.ge [sflag:s5], $0x2300  }
0x20c: {  	[sflag:s5] =	ssyncset.done $0x0  }
0x20d: {  	s13 =	simm.s32 $0x2A80;
	[sflag:s5] =	ssyncadd.s32 $0xFFFFDD00  }
0x20e: {  	[spmem:s2] =	stream.indirect.scatter.add.f32 [tilespmem:s28], [sflag:$0x9], $0x70, s13, s26, $0xb8;
	[tilespmem:$0x1FA30] =	vst v63  }
0x20f: {  	_ =	swait.ge [sflag:s24], $0x2300  }
0x210: {  	[sflag:s24] =	ssyncset.done $0x0  }
0x211: {  	s14 =	simm.s32 $0x2440;
	[sflag:s24] =	ssyncadd.s32 $0xFFFFDD00  }
0x212: {  	[tilespmem:s28], [sflag:$0x2] =	stream.indirect.gather [hbm4b:s4+s26], $0x70, s14, s26, $0xb8;
	[tilespmem:$0x1FA30] =	vst v63  }
0x213: {  	_ =	swait.ge [sflag:s6], $0x2300  }
0x214: {  	[sflag:s6] =	ssyncset.done $0x0  }
0x215: {  	s13 =	simm.s32 $0x2AD0;
	[sflag:s6] =	ssyncadd.s32 $0xFFFFDD00  }
0x216: {  	[spmem:s2] =	stream.indirect.scatter.add.f32 [tilespmem:s30], [sflag:$0x9], $0x70, s13, s26, $0xb8;
	[tilespmem:$0x1FA30] =	vst v63  }
0x217: {  	_ =	swait.ge [sflag:s24], $0x2300  }
0x218: {  	[sflag:s24] =	ssyncset.done $0x0  }
0x219: {  	s14 =	simm.s32 $0x2490;
	[sflag:s24] =	ssyncadd.s32 $0xFFFFDD00  }
0x21a: {  	[tilespmem:s30], [sflag:$0x3] =	stream.indirect.gather [hbm4b:s4+s26], $0x70, s14, s26, $0xb8;
	[tilespmem:$0x1FA30] =	vst v63  }
0x21b: {  	_ =	swait.ge [sflag:s7], $0x2300  }
0x21c: {  	[sflag:s7] =	ssyncset.done $0x0  }
0x21d: {  	s13 =	simm.s32 $0x2B20;
	[sflag:s7] =	ssyncadd.s32 $0xFFFFDD00  }
0x21e: {  	[spmem:s2] =	stream.indirect.scatter.add.f32 [tilespmem:s1], [sflag:$0x9], $0x70, s13, s26, $0xb8;
	[tilespmem:$0x1FA30] =	vst v63  }
0x21f: {  	_ =	swait.ge [sflag:s24], $0x2300  }
0x220: {  	[sflag:s24] =	ssyncset.done $0x0  }
0x221: {  	s14 =	simm.s32 $0x24E0;
	[sflag:s24] =	ssyncadd.s32 $0xFFFFDD00  }
0x222: {  	[tilespmem:s1], [sflag:$0x4] =	stream.indirect.gather [hbm4b:s4+s26], $0x70, s14, s26, $0xb8;
	[tilespmem:$0x1FA30] =	vst v63  }
0x223: {  	_ =	swait.ge [sflag:s22], $0x2300  }
0x224: {  	[sflag:s22] =	ssyncset.done $0x0  }
0x225: {  	s13 =	simm.s32 $0x2B70;
	[sflag:s22] =	ssyncadd.s32 $0xFFFFDD00  }
0x226: {  	[spmem:s2] =	stream.indirect.scatter.add.f32 [tilespmem:s31], [sflag:$0x9], $0x70, s13, s26, $0xb8;
	[tilespmem:$0x1FA30] =	vst v63  }
0x227: {  	_ =	swait.ge [sflag:s24], $0x2300  }
0x228: {  	[sflag:s24] =	ssyncset.done $0x0  }
0x229: {  	s14 =	simm.s32 $0x2530;
	[sflag:s24] =	ssyncadd.s32 $0xFFFFDD00  }
0x22a: {  	[tilespmem:s31], [sflag:$0x5] =	stream.indirect.gather [hbm4b:s4+s26], $0x70, s14, s26, $0xb8;
	[tilespmem:$0x1FA30] =	vst v63  }
0x22b: {  	_ =	swait.ge [sflag:s0], $0x2300  }
0x22c: {  	[sflag:s0] =	ssyncset.done $0x0  }
0x22d: {  	s13 =	simm.s32 $0x2BC0;
	[sflag:s0] =	ssyncadd.s32 $0xFFFFDD00  }
0x22e: {  	[spmem:s2] =	stream.indirect.scatter.add.f32 [tilespmem:s23], [sflag:$0x9], $0x70, s13, s26, $0xb8;
	[tilespmem:$0x1FA30] =	vst v63  }
0x22f: {  	_ =	swait.ge [sflag:s24], $0x2300  }
0x230: {  	[sflag:s24] =	ssyncset.done $0x0  }
0x231: {  	s14 =	simm.s32 $0x2580;
	[sflag:s24] =	ssyncadd.s32 $0xFFFFDD00  }
0x232: {  	[tilespmem:s23], [sflag:$0x1] =	stream.indirect.gather [hbm4b:s4+s26], $0x70, s14, s26, $0xb8;
	[tilespmem:$0x1FA30] =	vst v63  }
0x233: {  	_ =	swait.ge [sflag:s5], $0x2300  }
0x234: {  	[sflag:s5] =	ssyncset.done $0x0  }
0x235: {  	s13 =	simm.s32 $0x2C10;
	[sflag:s5] =	ssyncadd.s32 $0xFFFFDD00  }
0x236: {  	[spmem:s2] =	stream.indirect.scatter.add.f32 [tilespmem:s28], [sflag:$0x9], $0x70, s13, s26, $0xb8;
	[tilespmem:$0x1FA30] =	vst v63  }
0x237: {  	_ =	swait.ge [sflag:s24], $0x2300  }
0x238: {  	[sflag:s24] =	ssyncset.done $0x0  }
0x239: {  	s14 =	simm.s32 $0x25D0;
	[sflag:s24] =	ssyncadd.s32 $0xFFFFDD00  }
0x23a: {  	[tilespmem:s28], [sflag:$0x2] =	stream.indirect.gather [hbm4b:s4+s26], $0x70, s14, s26, $0xb8;
	[tilespmem:$0x1FA30] =	vst v63  }
0x23b: {  	_ =	swait.ge [sflag:s6], $0x2300  }
0x23c: {  	[sflag:s6] =	ssyncset.done $0x0  }
0x23d: {  	s13 =	simm.s32 $0x2C60;
	[sflag:s6] =	ssyncadd.s32 $0xFFFFDD00  }
0x23e: {  	[spmem:s2] =	stream.indirect.scatter.add.f32 [tilespmem:s30], [sflag:$0x9], $0x70, s13, s26, $0xb8;
	[tilespmem:$0x1FA30] =	vst v63  }
0x23f: {  	_ =	swait.ge [sflag:s24], $0x2300  }
0x240: {  	[sflag:s24] =	ssyncset.done $0x0  }
0x241: {  	s14 =	simm.s32 $0x2620;
	[sflag:s24] =	ssyncadd.s32 $0xFFFFDD00  }
0x242: {  	[tilespmem:s30], [sflag:$0x3] =	stream.indirect.gather [hbm4b:s4+s26], $0x70, s14, s26, $0xb8;
	[tilespmem:$0x1FA30] =	vst v63  }
0x243: {  	_ =	swait.ge [sflag:s7], $0x2300  }
0x244: {  	[sflag:s7] =	ssyncset.done $0x0  }
0x245: {  	s13 =	simm.s32 $0x2CB0;
	[sflag:s7] =	ssyncadd.s32 $0xFFFFDD00  }
0x246: {  	[spmem:s2] =	stream.indirect.scatter.add.f32 [tilespmem:s1], [sflag:$0x9], $0x70, s13, s26, $0xb8;
	[tilespmem:$0x1FA30] =	vst v63  }
0x247: {  	_ =	swait.ge [sflag:s24], $0x2300  }
0x248: {  	[sflag:s24] =	ssyncset.done $0x0  }
0x249: {  	s14 =	simm.s32 $0x2670;
	[sflag:s24] =	ssyncadd.s32 $0xFFFFDD00  }
0x24a: {  	[tilespmem:s1], [sflag:$0x4] =	stream.indirect.gather [hbm4b:s4+s26], $0x70, s14, s26, $0xb8;
	[tilespmem:$0x1FA30] =	vst v63  }
0x24b: {  	_ =	swait.ge [sflag:s22], $0x2300  }
0x24c: {  	[sflag:s22] =	ssyncset.done $0x0  }
0x24d: {  	s13 =	simm.s32 $0x2D00;
	[sflag:s22] =	ssyncadd.s32 $0xFFFFDD00  }
0x24e: {  	[spmem:s2] =	stream.indirect.scatter.add.f32 [tilespmem:s31], [sflag:$0x9], $0x70, s13, s26, $0xb8;
	[tilespmem:$0x1FA30] =	vst v63  }
0x24f: {  	_ =	swait.ge [sflag:s24], $0x2300  }
0x250: {  	[sflag:s24] =	ssyncset.done $0x0  }
0x251: {  	[sflag:s24] =	ssyncadd.s32 $0xFFFFDD00  }
0x252: {  	[tilespmem:s31], [sflag:$0x5] =	stream.indirect.gather [hbm4b:s4+s26], $0x70, s10, s26, $0xb8;
	[tilespmem:$0x1FA30] =	vst v63  }
0x253: {  	_ =	swait.ge [sflag:s0], $0x2300  }
0x254: {  	[sflag:s0] =	ssyncset.done $0x0  }
0x255: {  	s14 =	simm.s32 $0x2D50;
	[sflag:s0] =	ssyncadd.s32 $0xFFFFDD00  }
0x256: {  	[spmem:s2] =	stream.indirect.scatter.add.f32 [tilespmem:s23], [sflag:$0x9], $0x70, s14, s26, $0xb8;
	[tilespmem:$0x1FA30] =	vst v63  }
0x257: {  	_ =	swait.ge [sflag:s24], $0x2300  }
0x258: {  	[sflag:s24] =	ssyncset.done $0x0  }
0x259: {  	[sflag:s24] =	ssyncadd.s32 $0xFFFFDD00  }
0x25a: {  	[tilespmem:s23], [sflag:$0x1] =	stream.indirect.gather [hbm4b:s4+s26], $0x70, s10, s26, $0xb8;
	[tilespmem:$0x1FA30] =	vst v63  }
0x25b: {  	_ =	swait.ge [sflag:s5], $0x2300  }
0x25c: {  	[sflag:s5] =	ssyncset.done $0x0  }
0x25d: {  	s13 =	simm.s32 $0x2DA0;
	[sflag:s5] =	ssyncadd.s32 $0xFFFFDD00  }
0x25e: {  	[spmem:s2] =	stream.indirect.scatter.add.f32 [tilespmem:s28], [sflag:$0x9], $0x70, s13, s26, $0xb8;
	[tilespmem:$0x1FA30] =	vst v63  }
0x25f: {  	_ =	swait.ge [sflag:s24], $0x2300  }
0x260: {  	[sflag:s24] =	ssyncset.done $0x0  }
0x261: {  	[sflag:s24] =	ssyncadd.s32 $0xFFFFDD00  }
0x262: {  	[tilespmem:s28], [sflag:$0x2] =	stream.indirect.gather [hbm4b:s4+s26], $0x70, s10, s26, $0xb8;
	[tilespmem:$0x1FA30] =	vst v63  }
0x263: {  	_ =	swait.ge [sflag:s6], $0x2300  }
0x264: {  	[sflag:s6] =	ssyncset.done $0x0  }
0x265: {  	s14 =	simm.s32 $0x2DF0;
	[sflag:s6] =	ssyncadd.s32 $0xFFFFDD00  }
0x266: {  	[spmem:s2] =	stream.indirect.scatter.add.f32 [tilespmem:s30], [sflag:$0x9], $0x70, s14, s26, $0xb8;
	[tilespmem:$0x1FA30] =	vst v63  }
0x267: {  	_ =	swait.ge [sflag:s24], $0x2300  }
0x268: {  	[sflag:s24] =	ssyncset.done $0x0  }
0x269: {  	[sflag:s24] =	ssyncadd.s32 $0xFFFFDD00  }
0x26a: {  	[tilespmem:s30], [sflag:$0x3] =	stream.indirect.gather [hbm4b:s4+s26], $0x70, s10, s26, $0xb8;
	[tilespmem:$0x1FA30] =	vst v63  }
0x26b: {  	_ =	swait.ge [sflag:s7], $0x2300  }
0x26c: {  	[sflag:s7] =	ssyncset.done $0x0  }
0x26d: {  	s13 =	simm.s32 $0x2E40;
	[sflag:s7] =	ssyncadd.s32 $0xFFFFDD00  }
0x26e: {  	[spmem:s2] =	stream.indirect.scatter.add.f32 [tilespmem:s1], [sflag:$0x9], $0x70, s13, s26, $0xb8;
	[tilespmem:$0x1FA30] =	vst v63  }
0x26f: {  	_ =	swait.ge [sflag:s24], $0x2300  }
0x270: {  	[sflag:s24] =	ssyncset.done $0x0  }
0x271: {  	[sflag:s24] =	ssyncadd.s32 $0xFFFFDD00  }
0x272: {  	[tilespmem:s1], [sflag:$0x4] =	stream.indirect.gather [hbm4b:s4+s26], $0x70, s10, s26, $0xb8;
	[tilespmem:$0x1FA30] =	vst v63  }
0x273: {  	_ =	swait.ge [sflag:s22], $0x2300  }
0x274: {  	[sflag:s22] =	ssyncset.done $0x0  }
0x275: {  	s14 =	simm.s32 $0x2E90;
	[sflag:s22] =	ssyncadd.s32 $0xFFFFDD00  }
0x276: {  	[spmem:s2] =	stream.indirect.scatter.add.f32 [tilespmem:s31], [sflag:$0x9], $0x70, s14, s26, $0xb8;
	[tilespmem:$0x1FA30] =	vst v63  }
0x277: {  	_ =	swait.ge [sflag:s24], $0x2300  }
0x278: {  	[sflag:s24] =	ssyncset.done $0x0  }
0x279: {  	[sflag:s24] =	ssyncadd.s32 $0xFFFFDD00  }
0x27a: {  	[tilespmem:s31], [sflag:$0x5] =	stream.indirect.gather [hbm4b:s4+s26], $0x70, s10, s26, $0xb8;
	[tilespmem:$0x1FA30] =	vst v63  }
0x27b: {  	_ =	swait.ge [sflag:s0], $0x2300  }
0x27c: {  	[sflag:s0] =	ssyncset.done $0x0  }
0x27d: {  	[sflag:s0] =	ssyncadd.s32 $0xFFFFDD00  }
0x27e: {  	_ =	swait.ge [sflag:s5], $0x2300  }
0x27f: {  	[sflag:s5] =	ssyncset.done $0x0  }
0x280: {  	[sflag:s5] =	ssyncadd.s32 $0xFFFFDD00  }
0x281: {  	_ =	swait.ge [sflag:s6], $0x2300  }
0x282: {  	[sflag:s6] =	ssyncset.done $0x0  }
0x283: {  	[sflag:s6] =	ssyncadd.s32 $0xFFFFDD00  }
0x284: {  	_ =	swait.ge [sflag:s7], $0x2300  }
0x285: {  	[sflag:s7] =	ssyncset.done $0x0  }
0x286: {  	[sflag:s7] =	ssyncadd.s32 $0xFFFFDD00  }
0x287: {  	s13 =	stileid.u32;
	_ =	swait.ge [sflag:s22], $0x2300  }
0x288: {  	s11 =	sadd.s32 $0x1, s11;
	s12 =	sshll.u32 s13, $0x6;
	[sflag:s22] =	ssyncset.done $0x0  }
0x289: {  	p0 =	sne.s32 s11, s20;
	s12 =	sor.u32 $0x1C09, s12;
	[sflag:s22] =	ssyncadd.s32 $0xFFFFDD00  }
.Ltmp5:
0x28a: {  	s14 =	sshrl.u32 s8, $0x3;
	[bflag:$0x0] =	sbarrier.arrive $0xFFFF;
	(pc) =	sbr.rel @p0 .LBB2_1-.Ltmp5, $4  }
0x28b: {  	[hbm:s19], [sflag:s12] =	dma.local [spmem:s14], $0x2290  }
0x28c: {  	_ =	swait.ge [sflag:s24], $0x2290  }
0x28d: {  	[sflag:s24] =	ssyncset.done $0x0  }
0x28e: {  	[sflag:s24] =	ssyncadd.s32 $0xFFFFDD70  }
0x28f: {  	_ =	sfence.sel $0x180000  }
0x290: {  	[bflag:$0x0] =	sbarrier.arrive $0xFFFF  }
0x291: {  	_ =	strace $0x90000047  }
0x292: {  	s0 =	stileid.u32;
	[bflag:$0x2] =	sbarrier.arrive $0xFFFF  }
0x293: {  	p0 =	sne.s32 s0, $0x0;
	s0 =	rddreg [dreg:$0x2]  }
0x294: {  	s0 =	sadd.s32 @!p0 $0x100000, s0  }
0x295: {  	[sflag:s0] =	ssyncadd.tile.s32 @!p0 $0x1;
	_ =	shalt  }
.Lfunc_end2:
_tile_overlayer_lowered:
.L_overlay_start_2:
0x296: {  	(tag) =	ssettag $0x2  }
0x297: {  	s0 =	rddreg [dreg:$0x0];
	s2 =	stileid.u32  }
0x298: {  	s1 =	rddreg [dreg:$0x1];
	p0 =	sne.s32 s2, $0x0  }
0x299: {  	s3 =	rddreg [dreg:$0x2];
	[bflag:$0x3] =	sbarrier.arrive $0xFFFF;
	s2 =	simm.s32 @!p0 $0x1C09  }
0x29a: {  	[timem:s3], [sflag:s2] =	dma.local @!p0 [hbm:s0], s1  }
0x29b: {  	s0 =	simm.s32 @!p0 $0x9  }
0x29c: {  	_ =	swait.ge @!p0 [sflag:s0], s1  }
0x29d: {  	s1 =	ssub.s32 @!p0 $0x0, s1;
	[sflag:s0] =	ssyncset.done @!p0 $0x0  }
0x29e: {  	[sflag:s0] =	ssyncadd.s32 @!p0 s1  }
0x29f: {  	[bflag:$0x3] =	sbarrier.arrive $0xFFFF  }
0x2a0: {  	_ =	shalt  }

</sc_bundles>
